<compile_context>
chip_gen: v7x
topology: tpu7x:2x2x1
jax: 0.10.2.dev20260603
libtpu: 0.0.44.dev20260713+nightly
codegen_flags: <defaults>
</compile_context>

<pallas_src>
import functools

import jax
import jax.numpy as jnp
from jax import lax
from jax.experimental import pallas as pl
from jax.experimental.pallas import tpu as pltpu
from jax.experimental.pallas import tpu_sc as plsc

H = 8
NB = 1000
EB = 2000
NC = 2
NS = 16
SC_C = 128


def _proj_body(x_ref, w_ref, b_ref, o_ref):
    o_ref[...] = (
        jnp.dot(x_ref[...], w_ref[...], preferred_element_type=jnp.float32)
        + b_ref[...]
    )


def _att_body(recv_ref, send_ref, q_ref, k_ref, att_ref, bmax_ref, qg_ref):
    dk = q_ref.shape[1] // H

    def gather(i, _):
        r = recv_ref[0, 0, i]
        s = send_ref[0, 0, i]
        qg_ref[pl.ds(i, 1), :] = q_ref[pl.ds(r, 1), :] * k_ref[pl.ds(s, 1), :]
        return 0

    jax.lax.fori_loop(0, recv_ref.shape[2], gather, 0, unroll=16)
    p = qg_ref[...]
    d_iota = jax.lax.broadcasted_iota(jnp.int32, (H * dk, H), 0)
    h_iota = jax.lax.broadcasted_iota(jnp.int32, (H * dk, H), 1)
    hsum = (d_iota // dk == h_iota).astype(jnp.float32)
    att = jnp.dot(p, hsum, preferred_element_type=jnp.float32)
    att_ref[...] = att
    bmax_ref[...] = jnp.max(att, axis=0, keepdims=True)[None]


def _sums_body(recv_ref, att_ref, bmax_ref, attn_ref, sums_ref, rsums_ref, *,
               inv_sqrt_dk):
    eb = pl.program_id(0)

    @pl.when(eb == 0)
    def _():
        sums_ref[...] = jnp.zeros_like(sums_ref)

    scale = 3.0 / jnp.max(bmax_ref[...])
    attn_ref[...] = jnp.exp(att_ref[...] * scale)

    def scatter(i, _):
        r = recv_ref[0, 0, i]
        sums_ref[pl.ds(r, 1), :] += attn_ref[pl.ds(i, 1), :]
        return 0

    jax.lax.fori_loop(0, recv_ref.shape[2], scatter, 0, unroll=16)

    @pl.when(eb == pl.num_programs(0) - 1)
    def _():
        rsums_ref[...] = inv_sqrt_dk / sums_ref[...]


def _sc_msg_body(vt_ref, ridx_ref, attn_ref, rs_hbm, out_ref,
                 rs_v, ridx0, ridx1, idx0, idx1, aw0, aw1, wbuf,
                 rows0, rows1, outsh, sem, *, n, dv, per_w):
    c = lax.axis_index("c")
    s = lax.axis_index("s")
    wbase = (c * NS + s) * per_w
    nr0 = (n // NS) & ~7
    nlast = n - nr0 * (NS - 1)
    assert SC_C % 16 == 0 and nr0 % 8 == 0 and nlast % 8 == 0
    base_row = s * nr0
    n_chunks = per_w // SC_C
    assert n_chunks % 2 == 0
    zeros16 = jnp.zeros((16,), jnp.float32)
    lane8 = dv // 16

    def head_body(h, _):
        pltpu.sync_copy(rs_hbm.at[h], rs_v)
        hn = h * n

        def zrows(i, _):
            for kk in range(lane8):
                rows0[i, pl.ds(kk * 16, 16)] = zeros16
            return 0

        jax.lax.fori_loop(0, SC_C, zrows, 0)

        def zero_range(total):
            off = 0
            while off < total:
                sz = min(SC_C, total - off)
                pltpu.sync_copy(
                    rows0.at[pl.ds(0, sz)],
                    outsh.at[pl.ds(base_row + off, sz)],
                )
                off += sz

        @pl.when(s < NS - 1)
        def _():
            zero_range(nr0)

        @pl.when(s == NS - 1)
        def _():
            zero_range(nlast)

        plsc.subcore_barrier()

        def load_edges(g, ridx_v, aw_v, idx_v):
            base = wbase + g * SC_C
            pltpu.sync_copy(ridx_ref.at[:, pl.ds(base, SC_C)], ridx_v)
            pltpu.sync_copy(attn_ref.at[h, pl.ds(base, SC_C)], aw_v)

            def mkidx(g2, _):
                sv = ridx_v[1, pl.ds(g2 * 16, 16)]
                idx_v[pl.ds(g2 * 16, 16)] = sv + hn
                return 0

            jax.lax.fori_loop(0, SC_C // 16, mkidx, 0)

        def process(ridx_v, aw_v, rows_v):
            def scale_grp(g2, _):
                rcv16 = ridx_v[0, pl.ds(g2 * 16, 16)]
                rs16 = plsc.load_gather(rs_v, [rcv16])
                aw16 = aw_v[pl.ds(g2 * 16, 16)]
                wbuf[...] = aw16 * rs16

                def scale_e(j, _):
                    wj = plsc.load_gather(wbuf, [jnp.broadcast_to(j, (16,))])
                    e = g2 * 16 + j
                    for kk in range(lane8):
                        rows_v[e, pl.ds(kk * 16, 16)] *= wj
                    return 0

                jax.lax.fori_loop(0, 16, scale_e, 0)
                return 0

            jax.lax.fori_loop(0, SC_C // 16, scale_grp, 0)
            pltpu.sync_copy(rows_v, outsh.at[ridx_v.at[0]], add=True)

        load_edges(0, ridx0, aw0, idx0)
        pltpu.async_copy(vt_ref.at[idx0], rows0, sem)

        def pair_body(t, _):
            pltpu.make_async_copy(vt_ref.at[idx0], rows0, sem).wait()
            load_edges(2 * t + 1, ridx1, aw1, idx1)
            pltpu.async_copy(vt_ref.at[idx1], rows1, sem)
            process(ridx0, aw0, rows0)
            pltpu.make_async_copy(vt_ref.at[idx1], rows1, sem).wait()

            @pl.when(t < n_chunks // 2 - 1)
            def _():
                load_edges(2 * t + 2, ridx0, aw0, idx0)
                pltpu.async_copy(vt_ref.at[idx0], rows0, sem)

            process(ridx1, aw1, rows1)
            return 0

        jax.lax.fori_loop(0, n_chunks // 2, pair_body, 0)
        plsc.subcore_barrier()

        @pl.when(s < NS - 1)
        def _():
            pltpu.sync_copy(
                outsh.at[pl.ds(base_row, nr0)],
                out_ref.at[c, h, pl.ds(base_row, nr0)],
            )

        @pl.when(s == NS - 1)
        def _():
            pltpu.sync_copy(
                outsh.at[pl.ds(base_row, nlast)],
                out_ref.at[c, h, pl.ds(base_row, nlast)],
            )

        plsc.subcore_barrier()
        return 0

    jax.lax.fori_loop(0, H, head_body, 0)


def _dense_body(p0_ref, p1_ref, waggt_ref, bagg_ref, wfft_ref, bff_ref, x_ref, y_ref):
    a = jax.nn.relu(p0_ref[...] + p1_ref[...])
    b = jax.nn.relu(
        jnp.dot(a, waggt_ref[...], preferred_element_type=jnp.float32) + bagg_ref[...]
    )
    c = jax.nn.relu(
        jnp.dot(b, wfft_ref[...], preferred_element_type=jnp.float32) + bff_ref[...]
    )
    y_ref[...] = x_ref[...] + c


def kernel(x, edge_index, Wk, bk, Wq, bq, Wv, bv, Wagg, bagg, Wff, bff):
    n, d = x.shape
    e = edge_index.shape[1]
    hdk = Wk.shape[0]
    hdv = Wv.shape[0]
    n_nb = n // NB
    n_eb = e // EB

    wqkv_t = jnp.concatenate([Wq, Wk, Wv], axis=0).T
    bqkv = jnp.concatenate([bq, bk, bv])[None, :]

    qkv = pl.pallas_call(
        _proj_body,
        grid=(n_nb,),
        in_specs=[
            pl.BlockSpec((NB, d), lambda i: (i, 0)),
            pl.BlockSpec((d, 2 * hdk + hdv), lambda i: (0, 0)),
            pl.BlockSpec((1, 2 * hdk + hdv), lambda i: (0, 0)),
        ],
        out_specs=pl.BlockSpec((NB, 2 * hdk + hdv), lambda i: (i, 0)),
        out_shape=jax.ShapeDtypeStruct((n, 2 * hdk + hdv), jnp.float32),
    )(x, wqkv_t, bqkv)
    q = qkv[:, :hdk]
    k = qkv[:, hdk : 2 * hdk]
    v = qkv[:, 2 * hdk :]

    recv3 = edge_index[0].reshape(n_eb, 1, EB)
    send3 = edge_index[1].reshape(n_eb, 1, EB)

    idx_spec = pl.BlockSpec((1, 1, EB), lambda i: (i, 0, 0), memory_space=pltpu.SMEM)
    att, bmax = pl.pallas_call(
        _att_body,
        grid=(n_eb,),
        in_specs=[
            idx_spec,
            idx_spec,
            pl.BlockSpec((n, hdk), lambda i: (0, 0)),
            pl.BlockSpec((n, hdk), lambda i: (0, 0)),
        ],
        out_specs=[
            pl.BlockSpec((EB, H), lambda i: (i, 0)),
            pl.BlockSpec((1, 1, H), lambda i: (i, 0, 0)),
        ],
        out_shape=[
            jax.ShapeDtypeStruct((e, H), jnp.float32),
            jax.ShapeDtypeStruct((n_eb, 1, H), jnp.float32),
        ],
        scratch_shapes=[
            pltpu.VMEM((EB, hdk), jnp.float32),
        ],
    )(recv3, send3, q, k)

    attn, sums, rsums = pl.pallas_call(
        functools.partial(_sums_body, inv_sqrt_dk=1.0 / float(hdk // H) ** 0.5),
        grid=(n_eb,),
        in_specs=[
            idx_spec,
            pl.BlockSpec((EB, H), lambda i: (i, 0)),
            pl.BlockSpec((n_eb, 1, H), lambda i: (0, 0, 0)),
        ],
        out_specs=[
            pl.BlockSpec((EB, H), lambda i: (i, 0)),
            pl.BlockSpec((n, H), lambda i: (0, 0)),
            pl.BlockSpec((n, H), lambda i: (0, 0)),
        ],
        out_shape=[
            jax.ShapeDtypeStruct((e, H), jnp.float32),
            jax.ShapeDtypeStruct((n, H), jnp.float32),
            jax.ShapeDtypeStruct((n, H), jnp.float32),
        ],
    )(recv3, att, bmax)

    dv = hdv // H
    grp = NC * NS * SC_C
    ep = ((e + grp - 1) // grp) * grp
    per_w = ep // (NC * NS)
    redge = jnp.pad(edge_index, ((0, 0), (0, ep - e)))
    attn_p = jnp.pad(attn, ((0, ep - e), (0, 0)))
    vt2 = v.reshape(n, H, dv).transpose(1, 0, 2).reshape(H * n, dv)

    sc_msg = pl.kernel(
        functools.partial(_sc_msg_body, n=n, dv=dv, per_w=per_w),
        out_type=jax.ShapeDtypeStruct((NC, H, n, dv), jnp.float32),
        mesh=plsc.VectorSubcoreMesh(core_axis_name="c", subcore_axis_name="s"),
        compiler_params=pltpu.CompilerParams(needs_layout_passes=False),
        scratch_types=[
            pltpu.VMEM((n,), jnp.float32),
            pltpu.VMEM((2, SC_C), jnp.int32),
            pltpu.VMEM((2, SC_C), jnp.int32),
            pltpu.VMEM((SC_C,), jnp.int32),
            pltpu.VMEM((SC_C,), jnp.int32),
            pltpu.VMEM((SC_C,), jnp.float32),
            pltpu.VMEM((SC_C,), jnp.float32),
            pltpu.VMEM((16,), jnp.float32),
            pltpu.VMEM((SC_C, dv), jnp.float32),
            pltpu.VMEM((SC_C, dv), jnp.float32),
            pltpu.VMEM_SHARED((n, dv), jnp.float32),
            pltpu.SemaphoreType.DMA,
        ],
    )
    partials = sc_msg(vt2, redge, attn_p.T, rsums.T)
    outacc = partials.transpose(0, 2, 1, 3).reshape(NC, n, hdv)

    y = pl.pallas_call(
        _dense_body,
        grid=(n_nb,),
        in_specs=[
            pl.BlockSpec((NB, hdv), lambda i: (i, 0)),
            pl.BlockSpec((NB, hdv), lambda i: (i, 0)),
            pl.BlockSpec((hdv, d), lambda i: (0, 0)),
            pl.BlockSpec((1, d), lambda i: (0, 0)),
            pl.BlockSpec((d, d), lambda i: (0, 0)),
            pl.BlockSpec((1, d), lambda i: (0, 0)),
            pl.BlockSpec((NB, d), lambda i: (i, 0)),
        ],
        out_specs=pl.BlockSpec((NB, d), lambda i: (i, 0)),
        out_shape=jax.ShapeDtypeStruct((n, d), jnp.float32),
    )(outacc[0], outacc[1], Wagg.T, bagg[None, :], Wff.T, bff[None, :], x)
    return y

# --- scband reference (transcript-rebuilt; emitter-appended) ---
"""Pipeline reference for scband-transformer-block-64828236366450 (READ-ONLY COPY).

The authoritative reference and input builder live on the scoring server;
editing this copy changes nothing except your own understanding.
"""

import jax, jax.numpy as jnp
import numpy as np
from math import sqrt

N = 10000
E = 160000
D = 128
DK = 64
DV = 128
H = 8


def _linear_params(k, out_f, in_f):
    k1, k2 = jax.random.split(k)
    bound = 1.0 / np.sqrt(in_f)
    W = jax.random.uniform(k1, (out_f, in_f), minval=-bound, maxval=bound, dtype=jnp.float32)
    b = jax.random.uniform(k2, (out_f,), minval=-bound, maxval=bound, dtype=jnp.float32)
    return W, b


def setup_inputs(seed: int = 0) -> dict:
    key = jax.random.key(seed)
    ks = jax.random.split(key, 8)
    x = jax.random.normal(ks[0], (N, D), dtype=jnp.float32)
    edge_index = jax.random.randint(ks[1], (2, E), 0, N)
    Wk, bk = _linear_params(ks[2], H * DK, D)
    Wq, bq = _linear_params(ks[3], H * DK, D)
    Wv, bv = _linear_params(ks[4], H * DV, D)
    Wagg, bagg = _linear_params(ks[5], D, H * DV)
    Wff, bff = _linear_params(ks[6], D, D)
    return {"x": x, "edge_index": edge_index, "Wk": Wk, "bk": bk, "Wq": Wq, "bq": bq,
            "Wv": Wv, "bv": bv, "Wagg": Wagg, "bagg": bagg, "Wff": Wff, "bff": bff}


def reference(x, edge_index, Wk, bk, Wq, bq, Wv, bv, Wagg, bagg, Wff, bff):
    K = (x @ Wk.T + bk).reshape(-1, H, DK)
    Q = (x @ Wq.T + bq).reshape(-1, H, DK)
    V = (x @ Wv.T + bv).reshape(-1, H, DV)
    receivers = edge_index[0]
    senders = edge_index[1]
    # attention_message
    att = (Q[receivers] * K[senders]).sum(axis=-1)  # [E, H]
    att = att * 3.0 / att.max()
    att = jnp.exp(att)
    # normalize_strength: scatter-add of per-edge strengths onto receiver nodes
    sums = jnp.zeros((N, H), dtype=att.dtype).at[receivers].add(att)
    att = att / sums[receivers] / sqrt(DK)
    msg = att[:, :, None] * V[senders]  # [E, H, DV]
    out = jnp.zeros_like(V).at[receivers].add(msg)  # scatter-add aggregation
    out = jax.nn.relu(out)
    # aggregate_heads: view(-1, heads*out_features) then Linear(H*DV -> D)
    out = out.reshape(-1, H * DV) @ Wagg.T + bagg
    out = jax.nn.relu(out)
    out = out @ Wff.T + bff
    out = jax.nn.relu(out)
    return x + out

if __name__ == "__main__":
    import jax
    _d = setup_inputs()
    print(jax.jit(kernel)(*tuple(_d.values())))

</pallas_src>

<mosaic_0001>
#map = affine_map<(d0, d1) -> (0, 0)>
#map1 = affine_map<(d0, d1) -> (0, 0, 0, 0)>
module attributes {stable_mosaic.version = 14 : i64} {
  func.func @_sc_msg_body(%arg0: i32, %arg1: i32, %arg2: memref<80000x128xf32, #tpu.memory_space<hbm>>, %arg3: memref<2x163840xi32, #tpu.memory_space<hbm>>, %arg4: memref<8x163840xf32, #tpu.memory_space<hbm>>, %arg5: memref<8x10000xf32, #tpu.memory_space<hbm>>, %arg6: memref<2x8x10000x128xf32, #tpu.memory_space<hbm>>, %arg7: memref<10000xf32, #tpu.memory_space<vmem>>, %arg8: memref<2x128xi32, #tpu.memory_space<vmem>>, %arg9: memref<2x128xi32, #tpu.memory_space<vmem>>, %arg10: memref<128xi32, #tpu.memory_space<vmem>>, %arg11: memref<128xi32, #tpu.memory_space<vmem>>, %arg12: memref<128xf32, #tpu.memory_space<vmem>>, %arg13: memref<128xf32, #tpu.memory_space<vmem>>, %arg14: memref<16xf32, #tpu.memory_space<vmem>>, %arg15: memref<128x128xf32, #tpu.memory_space<vmem>>, %arg16: memref<128x128xf32, #tpu.memory_space<vmem>>, %arg17: memref<10000x128xf32, #tpu.memory_space<vmem_shared>>, %arg18: memref<!tpu.dma_semaphore, #tpu.memory_space<semaphore_mem>>) attributes {dimension_semantics = [#tpu.dimension_semantics<core_parallel>, #tpu.dimension_semantics<subcore_parallel>], iteration_bounds = array<i64: 2, 16>, scalar_prefetch = 0 : i64, scratch_operands = 12 : i64, tpu.core_type = #tpu.core_type<sc_vector_subcore>, window_params = [{transform_indices = #map}, {transform_indices = #map}, {transform_indices = #map}, {transform_indices = #map}, {transform_indices = #map1}]} {
    %mul3A = arith.constant 16 : i32
    %mul3A_0 = arith.muli %arg0, %mul3A : i32
    %add3A = arith.addi %mul3A_0, %arg1 : i32
    %mul3A_1 = arith.constant 5120 : i32
    %mul3A_2 = arith.muli %add3A, %mul3A_1 : i32
    %mul3A_3 = arith.constant 624 : i32
    %mul3A_4 = arith.muli %arg1, %mul3A_3 : i32
    %broadcast_in_dim3A = arith.constant 0.000000e+00 : f32
    %broadcast_in_dim3A_5 = vector.broadcast %broadcast_in_dim3A : f32 to vector<16xf32>
    %scan3A = arith.constant 0 : i32
    %scan3A_6 = arith.constant 0 : i32
    %scan3A_7 = arith.constant 8 : i32
    %scan3A_8 = arith.addi %scan3A_6, %scan3A_7 : i32
    %scan3A_9 = arith.constant 1 : i32
    %scan3A_10 = scf.for %scan3A_12 = %scan3A_6 to %scan3A_8 step %scan3A_9 iter_args(%scan3A_13 = %scan3A) -> (i32)  : i32 {
      "tpu.region"() ({
        %run_scoped3A = tpu.sem_alloc : memref<!tpu.dma_semaphore, #tpu.memory_space<semaphore_mem>>
        %dma_start3A_60 = arith.constant 0 : i32
        %dma_start3A_61 = tpu.memref_slice %arg5[%scan3A_12, %dma_start3A_60] : memref<8x10000xf32, #tpu.memory_space<hbm>> -> memref<1x10000xf32, #tpu.memory_space<hbm>>
        %dma_start3A_62 = tpu.memref_squeeze %dma_start3A_61 : memref<1x10000xf32, #tpu.memory_space<hbm>> -> memref<10000xf32, #tpu.memory_space<hbm>>
        %dma_start3A_63 = arith.constant 0 : i32
        %dma_start3A_64 = tpu.memref_slice %arg5[%scan3A_12, %dma_start3A_63] : memref<8x10000xf32, #tpu.memory_space<hbm>> -> memref<1x10000xf32, #tpu.memory_space<hbm>>
        %dma_start3A_65 = tpu.memref_squeeze %dma_start3A_64 : memref<1x10000xf32, #tpu.memory_space<hbm>> -> memref<10000xf32, #tpu.memory_space<hbm>>
        tpu.enqueue_dma source(%dma_start3A_65 : memref<10000xf32, #tpu.memory_space<hbm>>) target(%arg7 : memref<10000xf32, #tpu.memory_space<vmem>>) target_semaphore(%run_scoped3A : memref<!tpu.dma_semaphore, #tpu.memory_space<semaphore_mem>>)
        %dma_wait3A = arith.constant 0 : i32
        %dma_wait3A_66 = tpu.memref_slice %arg5[%scan3A_12, %dma_wait3A] : memref<8x10000xf32, #tpu.memory_space<hbm>> -> memref<1x10000xf32, #tpu.memory_space<hbm>>
        %dma_wait3A_67 = tpu.memref_squeeze %dma_wait3A_66 : memref<1x10000xf32, #tpu.memory_space<hbm>> -> memref<10000xf32, #tpu.memory_space<hbm>>
        %dma_wait3A_68 = arith.constant 0 : i32
        %dma_wait3A_69 = tpu.memref_slice %arg5[%scan3A_12, %dma_wait3A_68] : memref<8x10000xf32, #tpu.memory_space<hbm>> -> memref<1x10000xf32, #tpu.memory_space<hbm>>
        %dma_wait3A_70 = tpu.memref_squeeze %dma_wait3A_69 : memref<1x10000xf32, #tpu.memory_space<hbm>> -> memref<10000xf32, #tpu.memory_space<hbm>>
        tpu.wait_dma2 semaphore(%run_scoped3A : memref<!tpu.dma_semaphore, #tpu.memory_space<semaphore_mem>>) src(%dma_wait3A_70 : memref<10000xf32, #tpu.memory_space<hbm>>) dst(%arg7 : memref<10000xf32, #tpu.memory_space<vmem>>)
        tpu.yield
      }) : () -> ()
      %mul3A_14 = arith.constant 10000 : i32
      %mul3A_15 = arith.muli %scan3A_12, %mul3A_14 : i32
      %scan3A_16 = arith.constant 0 : i32
      %scan3A_17 = arith.constant 0 : i32
      %scan3A_18 = arith.constant 128 : i32
      %scan3A_19 = arith.addi %scan3A_17, %scan3A_18 : i32
      %scan3A_20 = arith.constant 1 : i32
      %scan3A_21 = scf.for %scan3A_60 = %scan3A_17 to %scan3A_19 step %scan3A_20 iter_args(%scan3A_61 = %scan3A_16) -> (i32)  : i32 {
        %swap3A = arith.index_cast %scan3A_60 : i32 to index
        %swap3A_62 = arith.constant 0 : index
        %swap3A_63 = tpu.vector_load %arg15[%swap3A, %swap3A_62] {strides = array<i32>} : memref<128x128xf32, #tpu.memory_space<vmem>>, vector<16xf32>,
        tpu.vector_store %arg15[%swap3A, %swap3A_62], %broadcast_in_dim3A_5 {strides = array<i32>} : memref<128x128xf32, #tpu.memory_space<vmem>>, vector<16xf32>,
        %swap3A_64 = arith.index_cast %scan3A_60 : i32 to index
        %swap3A_65 = arith.constant 16 : index
        %swap3A_66 = tpu.vector_load %arg15[%swap3A_64, %swap3A_65] {strides = array<i32>} : memref<128x128xf32, #tpu.memory_space<vmem>>, vector<16xf32>,
        tpu.vector_store %arg15[%swap3A_64, %swap3A_65], %broadcast_in_dim3A_5 {strides = array<i32>} : memref<128x128xf32, #tpu.memory_space<vmem>>, vector<16xf32>,
        %swap3A_67 = arith.index_cast %scan3A_60 : i32 to index
        %swap3A_68 = arith.constant 32 : index
        %swap3A_69 = tpu.vector_load %arg15[%swap3A_67, %swap3A_68] {strides = array<i32>} : memref<128x128xf32, #tpu.memory_space<vmem>>, vector<16xf32>,
        tpu.vector_store %arg15[%swap3A_67, %swap3A_68], %broadcast_in_dim3A_5 {strides = array<i32>} : memref<128x128xf32, #tpu.memory_space<vmem>>, vector<16xf32>,
        %swap3A_70 = arith.index_cast %scan3A_60 : i32 to index
        %swap3A_71 = arith.constant 48 : index
        %swap3A_72 = tpu.vector_load %arg15[%swap3A_70, %swap3A_71] {strides = array<i32>} : memref<128x128xf32, #tpu.memory_space<vmem>>, vector<16xf32>,
        tpu.vector_store %arg15[%swap3A_70, %swap3A_71], %broadcast_in_dim3A_5 {strides = array<i32>} : memref<128x128xf32, #tpu.memory_space<vmem>>, vector<16xf32>,
        %swap3A_73 = arith.index_cast %scan3A_60 : i32 to index
        %swap3A_74 = arith.constant 64 : index
        %swap3A_75 = tpu.vector_load %arg15[%swap3A_73, %swap3A_74] {strides = array<i32>} : memref<128x128xf32, #tpu.memory_space<vmem>>, vector<16xf32>,
        tpu.vector_store %arg15[%swap3A_73, %swap3A_74], %broadcast_in_dim3A_5 {strides = array<i32>} : memref<128x128xf32, #tpu.memory_space<vmem>>, vector<16xf32>,
        %swap3A_76 = arith.index_cast %scan3A_60 : i32 to index
        %swap3A_77 = arith.constant 80 : index
        %swap3A_78 = tpu.vector_load %arg15[%swap3A_76, %swap3A_77] {strides = array<i32>} : memref<128x128xf32, #tpu.memory_space<vmem>>, vector<16xf32>,
        tpu.vector_store %arg15[%swap3A_76, %swap3A_77], %broadcast_in_dim3A_5 {strides = array<i32>} : memref<128x128xf32, #tpu.memory_space<vmem>>, vector<16xf32>,
        %swap3A_79 = arith.index_cast %scan3A_60 : i32 to index
        %swap3A_80 = arith.constant 96 : index
        %swap3A_81 = tpu.vector_load %arg15[%swap3A_79, %swap3A_80] {strides = array<i32>} : memref<128x128xf32, #tpu.memory_space<vmem>>, vector<16xf32>,
        tpu.vector_store %arg15[%swap3A_79, %swap3A_80], %broadcast_in_dim3A_5 {strides = array<i32>} : memref<128x128xf32, #tpu.memory_space<vmem>>, vector<16xf32>,
        %swap3A_82 = arith.index_cast %scan3A_60 : i32 to index
        %swap3A_83 = arith.constant 112 : index
        %swap3A_84 = tpu.vector_load %arg15[%swap3A_82, %swap3A_83] {strides = array<i32>} : memref<128x128xf32, #tpu.memory_space<vmem>>, vector<16xf32>,
        tpu.vector_store %arg15[%swap3A_82, %swap3A_83], %broadcast_in_dim3A_5 {strides = array<i32>} : memref<128x128xf32, #tpu.memory_space<vmem>>, vector<16xf32>,
        %scan3A_85 = arith.constant 0 : i32
        scf.yield %scan3A_85 : i32
      }
      %scan3A_22 = arith.constant 128 : i32
      %lt3A = arith.constant 15 : i32
      %lt3A_23 = arith.cmpi slt, %arg1, %lt3A : i32
      %convert_element_type3A = arith.extui %lt3A_23 : i1 to i32
      %cond3A = arith.constant 0 : i32
      %cond3A_24 = arith.cmpi ne, %convert_element_type3A, %cond3A : i32
      scf.if %cond3A_24 {
        %add3A_60 = arith.constant 0 : i32
        %add3A_61 = arith.addi %mul3A_4, %add3A_60 : i32
        "tpu.region"() ({
          %run_scoped3A = tpu.sem_alloc : memref<!tpu.dma_semaphore, #tpu.memory_space<semaphore_mem>>
          %dma_start3A_70 = arith.constant 0 : i32
          %dma_start3A_71 = arith.constant 0 : i32
          %dma_start3A_72 = tpu.memref_slice %arg15[%dma_start3A_70, %dma_start3A_71] : memref<128x128xf32, #tpu.memory_space<vmem>> -> memref<128x128xf32, #tpu.memory_space<vmem>>
          %dma_start3A_73 = arith.constant 0 : i32
          %dma_start3A_74 = tpu.memref_slice %arg17[%add3A_61, %dma_start3A_73] : memref<10000x128xf32, #tpu.memory_space<vmem_shared>> -> memref<128x128xf32, #tpu.memory_space<vmem_shared>>
          %dma_start3A_75 = arith.constant 0 : i32
          %dma_start3A_76 = tpu.memref_slice %arg17[%add3A_61, %dma_start3A_75] : memref<10000x128xf32, #tpu.memory_space<vmem_shared>> -> memref<128x128xf32, #tpu.memory_space<vmem_shared>>
          %dma_start3A_77 = arith.constant 0 : i32
          %dma_start3A_78 = arith.constant 0 : i32
          %dma_start3A_79 = tpu.memref_slice %arg15[%dma_start3A_77, %dma_start3A_78] : memref<128x128xf32, #tpu.memory_space<vmem>> -> memref<128x128xf32, #tpu.memory_space<vmem>>
          tpu.enqueue_dma source(%dma_start3A_79 : memref<128x128xf32, #tpu.memory_space<vmem>>) target(%dma_start3A_76 : memref<128x128xf32, #tpu.memory_space<vmem_shared>>) target_semaphore(%run_scoped3A : memref<!tpu.dma_semaphore, #tpu.memory_space<semaphore_mem>>)
          %dma_wait3A = arith.constant 0 : i32
          %dma_wait3A_80 = arith.constant 0 : i32
          %dma_wait3A_81 = tpu.memref_slice %arg15[%dma_wait3A, %dma_wait3A_80] : memref<128x128xf32, #tpu.memory_space<vmem>> -> memref<128x128xf32, #tpu.memory_space<vmem>>
          %dma_wait3A_82 = arith.constant 0 : i32
          %dma_wait3A_83 = tpu.memref_slice %arg17[%add3A_61, %dma_wait3A_82] : memref<10000x128xf32, #tpu.memory_space<vmem_shared>> -> memref<128x128xf32, #tpu.memory_space<vmem_shared>>
          %dma_wait3A_84 = arith.constant 0 : i32
          %dma_wait3A_85 = tpu.memref_slice %arg17[%add3A_61, %dma_wait3A_84] : memref<10000x128xf32, #tpu.memory_space<vmem_shared>> -> memref<128x128xf32, #tpu.memory_space<vmem_shared>>
          %dma_wait3A_86 = arith.constant 0 : i32
          %dma_wait3A_87 = arith.constant 0 : i32
          %dma_wait3A_88 = tpu.memref_slice %arg15[%dma_wait3A_86, %dma_wait3A_87] : memref<128x128xf32, #tpu.memory_space<vmem>> -> memref<128x128xf32, #tpu.memory_space<vmem>>
          tpu.wait_dma2 semaphore(%run_scoped3A : memref<!tpu.dma_semaphore, #tpu.memory_space<semaphore_mem>>) src(%dma_wait3A_88 : memref<128x128xf32, #tpu.memory_space<vmem>>) dst(%dma_wait3A_85 : memref<128x128xf32, #tpu.memory_space<vmem_shared>>)
          tpu.yield
        }) : () -> ()
        %add3A_62 = arith.constant 128 : i32
        %add3A_63 = arith.addi %mul3A_4, %add3A_62 : i32
        "tpu.region"() ({
          %run_scoped3A = tpu.sem_alloc : memref<!tpu.dma_semaphore, #tpu.memory_space<semaphore_mem>>
          %dma_start3A_70 = arith.constant 0 : i32
          %dma_start3A_71 = arith.constant 0 : i32
          %dma_start3A_72 = tpu.memref_slice %arg15[%dma_start3A_70, %dma_start3A_71] : memref<128x128xf32, #tpu.memory_space<vmem>> -> memref<128x128xf32, #tpu.memory_space<vmem>>
          %dma_start3A_73 = arith.constant 0 : i32
          %dma_start3A_74 = tpu.memref_slice %arg17[%add3A_63, %dma_start3A_73] : memref<10000x128xf32, #tpu.memory_space<vmem_shared>> -> memref<128x128xf32, #tpu.memory_space<vmem_shared>>
          %dma_start3A_75 = arith.constant 0 : i32
          %dma_start3A_76 = tpu.memref_slice %arg17[%add3A_63, %dma_start3A_75] : memref<10000x128xf32, #tpu.memory_space<vmem_shared>> -> memref<128x128xf32, #tpu.memory_space<vmem_shared>>
          %dma_start3A_77 = arith.constant 0 : i32
          %dma_start3A_78 = arith.constant 0 : i32
          %dma_start3A_79 = tpu.memref_slice %arg15[%dma_start3A_77, %dma_start3A_78] : memref<128x128xf32, #tpu.memory_space<vmem>> -> memref<128x128xf32, #tpu.memory_space<vmem>>
          tpu.enqueue_dma source(%dma_start3A_79 : memref<128x128xf32, #tpu.memory_space<vmem>>) target(%dma_start3A_76 : memref<128x128xf32, #tpu.memory_space<vmem_shared>>) target_semaphore(%run_scoped3A : memref<!tpu.dma_semaphore, #tpu.memory_space<semaphore_mem>>)
          %dma_wait3A = arith.constant 0 : i32
          %dma_wait3A_80 = arith.constant 0 : i32
          %dma_wait3A_81 = tpu.memref_slice %arg15[%dma_wait3A, %dma_wait3A_80] : memref<128x128xf32, #tpu.memory_space<vmem>> -> memref<128x128xf32, #tpu.memory_space<vmem>>
          %dma_wait3A_82 = arith.constant 0 : i32
          %dma_wait3A_83 = tpu.memref_slice %arg17[%add3A_63, %dma_wait3A_82] : memref<10000x128xf32, #tpu.memory_space<vmem_shared>> -> memref<128x128xf32, #tpu.memory_space<vmem_shared>>
          %dma_wait3A_84 = arith.constant 0 : i32
          %dma_wait3A_85 = tpu.memref_slice %arg17[%add3A_63, %dma_wait3A_84] : memref<10000x128xf32, #tpu.memory_space<vmem_shared>> -> memref<128x128xf32, #tpu.memory_space<vmem_shared>>
          %dma_wait3A_86 = arith.constant 0 : i32
          %dma_wait3A_87 = arith.constant 0 : i32
          %dma_wait3A_88 = tpu.memref_slice %arg15[%dma_wait3A_86, %dma_wait3A_87] : memref<128x128xf32, #tpu.memory_space<vmem>> -> memref<128x128xf32, #tpu.memory_space<vmem>>
          tpu.wait_dma2 semaphore(%run_scoped3A : memref<!tpu.dma_semaphore, #tpu.memory_space<semaphore_mem>>) src(%dma_wait3A_88 : memref<128x128xf32, #tpu.memory_space<vmem>>) dst(%dma_wait3A_85 : memref<128x128xf32, #tpu.memory_space<vmem_shared>>)
          tpu.yield
        }) : () -> ()
        %add3A_64 = arith.constant 256 : i32
        %add3A_65 = arith.addi %mul3A_4, %add3A_64 : i32
        "tpu.region"() ({
          %run_scoped3A = tpu.sem_alloc : memref<!tpu.dma_semaphore, #tpu.memory_space<semaphore_mem>>
          %dma_start3A_70 = arith.constant 0 : i32
          %dma_start3A_71 = arith.constant 0 : i32
          %dma_start3A_72 = tpu.memref_slice %arg15[%dma_start3A_70, %dma_start3A_71] : memref<128x128xf32, #tpu.memory_space<vmem>> -> memref<128x128xf32, #tpu.memory_space<vmem>>
          %dma_start3A_73 = arith.constant 0 : i32
          %dma_start3A_74 = tpu.memref_slice %arg17[%add3A_65, %dma_start3A_73] : memref<10000x128xf32, #tpu.memory_space<vmem_shared>> -> memref<128x128xf32, #tpu.memory_space<vmem_shared>>
          %dma_start3A_75 = arith.constant 0 : i32
          %dma_start3A_76 = tpu.memref_slice %arg17[%add3A_65, %dma_start3A_75] : memref<10000x128xf32, #tpu.memory_space<vmem_shared>> -> memref<128x128xf32, #tpu.memory_space<vmem_shared>>
          %dma_start3A_77 = arith.constant 0 : i32
          %dma_start3A_78 = arith.constant 0 : i32
          %dma_start3A_79 = tpu.memref_slice %arg15[%dma_start3A_77, %dma_start3A_78] : memref<128x128xf32, #tpu.memory_space<vmem>> -> memref<128x128xf32, #tpu.memory_space<vmem>>
          tpu.enqueue_dma source(%dma_start3A_79 : memref<128x128xf32, #tpu.memory_space<vmem>>) target(%dma_start3A_76 : memref<128x128xf32, #tpu.memory_space<vmem_shared>>) target_semaphore(%run_scoped3A : memref<!tpu.dma_semaphore, #tpu.memory_space<semaphore_mem>>)
          %dma_wait3A = arith.constant 0 : i32
          %dma_wait3A_80 = arith.constant 0 : i32
          %dma_wait3A_81 = tpu.memref_slice %arg15[%dma_wait3A, %dma_wait3A_80] : memref<128x128xf32, #tpu.memory_space<vmem>> -> memref<128x128xf32, #tpu.memory_space<vmem>>
          %dma_wait3A_82 = arith.constant 0 : i32
          %dma_wait3A_83 = tpu.memref_slice %arg17[%add3A_65, %dma_wait3A_82] : memref<10000x128xf32, #tpu.memory_space<vmem_shared>> -> memref<128x128xf32, #tpu.memory_space<vmem_shared>>
          %dma_wait3A_84 = arith.constant 0 : i32
          %dma_wait3A_85 = tpu.memref_slice %arg17[%add3A_65, %dma_wait3A_84] : memref<10000x128xf32, #tpu.memory_space<vmem_shared>> -> memref<128x128xf32, #tpu.memory_space<vmem_shared>>
          %dma_wait3A_86 = arith.constant 0 : i32
          %dma_wait3A_87 = arith.constant 0 : i32
          %dma_wait3A_88 = tpu.memref_slice %arg15[%dma_wait3A_86, %dma_wait3A_87] : memref<128x128xf32, #tpu.memory_space<vmem>> -> memref<128x128xf32, #tpu.memory_space<vmem>>
          tpu.wait_dma2 semaphore(%run_scoped3A : memref<!tpu.dma_semaphore, #tpu.memory_space<semaphore_mem>>) src(%dma_wait3A_88 : memref<128x128xf32, #tpu.memory_space<vmem>>) dst(%dma_wait3A_85 : memref<128x128xf32, #tpu.memory_space<vmem_shared>>)
          tpu.yield
        }) : () -> ()
        %add3A_66 = arith.constant 384 : i32
        %add3A_67 = arith.addi %mul3A_4, %add3A_66 : i32
        "tpu.region"() ({
          %run_scoped3A = tpu.sem_alloc : memref<!tpu.dma_semaphore, #tpu.memory_space<semaphore_mem>>
          %dma_start3A_70 = arith.constant 0 : i32
          %dma_start3A_71 = arith.constant 0 : i32
          %dma_start3A_72 = tpu.memref_slice %arg15[%dma_start3A_70, %dma_start3A_71] : memref<128x128xf32, #tpu.memory_space<vmem>> -> memref<128x128xf32, #tpu.memory_space<vmem>>
          %dma_start3A_73 = arith.constant 0 : i32
          %dma_start3A_74 = tpu.memref_slice %arg17[%add3A_67, %dma_start3A_73] : memref<10000x128xf32, #tpu.memory_space<vmem_shared>> -> memref<128x128xf32, #tpu.memory_space<vmem_shared>>
          %dma_start3A_75 = arith.constant 0 : i32
          %dma_start3A_76 = tpu.memref_slice %arg17[%add3A_67, %dma_start3A_75] : memref<10000x128xf32, #tpu.memory_space<vmem_shared>> -> memref<128x128xf32, #tpu.memory_space<vmem_shared>>
          %dma_start3A_77 = arith.constant 0 : i32
          %dma_start3A_78 = arith.constant 0 : i32
          %dma_start3A_79 = tpu.memref_slice %arg15[%dma_start3A_77, %dma_start3A_78] : memref<128x128xf32, #tpu.memory_space<vmem>> -> memref<128x128xf32, #tpu.memory_space<vmem>>
          tpu.enqueue_dma source(%dma_start3A_79 : memref<128x128xf32, #tpu.memory_space<vmem>>) target(%dma_start3A_76 : memref<128x128xf32, #tpu.memory_space<vmem_shared>>) target_semaphore(%run_scoped3A : memref<!tpu.dma_semaphore, #tpu.memory_space<semaphore_mem>>)
          %dma_wait3A = arith.constant 0 : i32
          %dma_wait3A_80 = arith.constant 0 : i32
          %dma_wait3A_81 = tpu.memref_slice %arg15[%dma_wait3A, %dma_wait3A_80] : memref<128x128xf32, #tpu.memory_space<vmem>> -> memref<128x128xf32, #tpu.memory_space<vmem>>
          %dma_wait3A_82 = arith.constant 0 : i32
          %dma_wait3A_83 = tpu.memref_slice %arg17[%add3A_67, %dma_wait3A_82] : memref<10000x128xf32, #tpu.memory_space<vmem_shared>> -> memref<128x128xf32, #tpu.memory_space<vmem_shared>>
          %dma_wait3A_84 = arith.constant 0 : i32
          %dma_wait3A_85 = tpu.memref_slice %arg17[%add3A_67, %dma_wait3A_84] : memref<10000x128xf32, #tpu.memory_space<vmem_shared>> -> memref<128x128xf32, #tpu.memory_space<vmem_shared>>
          %dma_wait3A_86 = arith.constant 0 : i32
          %dma_wait3A_87 = arith.constant 0 : i32
          %dma_wait3A_88 = tpu.memref_slice %arg15[%dma_wait3A_86, %dma_wait3A_87] : memref<128x128xf32, #tpu.memory_space<vmem>> -> memref<128x128xf32, #tpu.memory_space<vmem>>
          tpu.wait_dma2 semaphore(%run_scoped3A : memref<!tpu.dma_semaphore, #tpu.memory_space<semaphore_mem>>) src(%dma_wait3A_88 : memref<128x128xf32, #tpu.memory_space<vmem>>) dst(%dma_wait3A_85 : memref<128x128xf32, #tpu.memory_space<vmem_shared>>)
          tpu.yield
        }) : () -> ()
        %add3A_68 = arith.constant 512 : i32
        %add3A_69 = arith.addi %mul3A_4, %add3A_68 : i32
        "tpu.region"() ({
          %run_scoped3A = tpu.sem_alloc : memref<!tpu.dma_semaphore, #tpu.memory_space<semaphore_mem>>
          %dma_start3A_70 = arith.constant 0 : i32
          %dma_start3A_71 = arith.constant 0 : i32
          %dma_start3A_72 = tpu.memref_slice %arg15[%dma_start3A_70, %dma_start3A_71] : memref<128x128xf32, #tpu.memory_space<vmem>> -> memref<112x128xf32, #tpu.memory_space<vmem>>
          %dma_start3A_73 = arith.constant 0 : i32
          %dma_start3A_74 = tpu.memref_slice %arg17[%add3A_69, %dma_start3A_73] : memref<10000x128xf32, #tpu.memory_space<vmem_shared>> -> memref<112x128xf32, #tpu.memory_space<vmem_shared>>
          %dma_start3A_75 = arith.constant 0 : i32
          %dma_start3A_76 = tpu.memref_slice %arg17[%add3A_69, %dma_start3A_75] : memref<10000x128xf32, #tpu.memory_space<vmem_shared>> -> memref<112x128xf32, #tpu.memory_space<vmem_shared>>
          %dma_start3A_77 = arith.constant 0 : i32
          %dma_start3A_78 = arith.constant 0 : i32
          %dma_start3A_79 = tpu.memref_slice %arg15[%dma_start3A_77, %dma_start3A_78] : memref<128x128xf32, #tpu.memory_space<vmem>> -> memref<112x128xf32, #tpu.memory_space<vmem>>
          tpu.enqueue_dma source(%dma_start3A_79 : memref<112x128xf32, #tpu.memory_space<vmem>>) target(%dma_start3A_76 : memref<112x128xf32, #tpu.memory_space<vmem_shared>>) target_semaphore(%run_scoped3A : memref<!tpu.dma_semaphore, #tpu.memory_space<semaphore_mem>>)
          %dma_wait3A = arith.constant 0 : i32
          %dma_wait3A_80 = arith.constant 0 : i32
          %dma_wait3A_81 = tpu.memref_slice %arg15[%dma_wait3A, %dma_wait3A_80] : memref<128x128xf32, #tpu.memory_space<vmem>> -> memref<112x128xf32, #tpu.memory_space<vmem>>
          %dma_wait3A_82 = arith.constant 0 : i32
          %dma_wait3A_83 = tpu.memref_slice %arg17[%add3A_69, %dma_wait3A_82] : memref<10000x128xf32, #tpu.memory_space<vmem_shared>> -> memref<112x128xf32, #tpu.memory_space<vmem_shared>>
          %dma_wait3A_84 = arith.constant 0 : i32
          %dma_wait3A_85 = tpu.memref_slice %arg17[%add3A_69, %dma_wait3A_84] : memref<10000x128xf32, #tpu.memory_space<vmem_shared>> -> memref<112x128xf32, #tpu.memory_space<vmem_shared>>
          %dma_wait3A_86 = arith.constant 0 : i32
          %dma_wait3A_87 = arith.constant 0 : i32
          %dma_wait3A_88 = tpu.memref_slice %arg15[%dma_wait3A_86, %dma_wait3A_87] : memref<128x128xf32, #tpu.memory_space<vmem>> -> memref<112x128xf32, #tpu.memory_space<vmem>>
          tpu.wait_dma2 semaphore(%run_scoped3A : memref<!tpu.dma_semaphore, #tpu.memory_space<semaphore_mem>>) src(%dma_wait3A_88 : memref<112x128xf32, #tpu.memory_space<vmem>>) dst(%dma_wait3A_85 : memref<112x128xf32, #tpu.memory_space<vmem_shared>>)
          tpu.yield
        }) : () -> ()
      } else {
      }
      %eq3A = arith.constant 15 : i32
      %eq3A_25 = arith.cmpi eq, %arg1, %eq3A : i32
      %convert_element_type3A_26 = arith.extui %eq3A_25 : i1 to i32
      %cond3A_27 = arith.constant 0 : i32
      %cond3A_28 = arith.cmpi ne, %convert_element_type3A_26, %cond3A_27 : i32
      scf.if %cond3A_28 {
        %add3A_60 = arith.constant 0 : i32
        %add3A_61 = arith.addi %mul3A_4, %add3A_60 : i32
        "tpu.region"() ({
          %run_scoped3A = tpu.sem_alloc : memref<!tpu.dma_semaphore, #tpu.memory_space<semaphore_mem>>
          %dma_start3A_70 = arith.constant 0 : i32
          %dma_start3A_71 = arith.constant 0 : i32
          %dma_start3A_72 = tpu.memref_slice %arg15[%dma_start3A_70, %dma_start3A_71] : memref<128x128xf32, #tpu.memory_space<vmem>> -> memref<128x128xf32, #tpu.memory_space<vmem>>
          %dma_start3A_73 = arith.constant 0 : i32
          %dma_start3A_74 = tpu.memref_slice %arg17[%add3A_61, %dma_start3A_73] : memref<10000x128xf32, #tpu.memory_space<vmem_shared>> -> memref<128x128xf32, #tpu.memory_space<vmem_shared>>
          %dma_start3A_75 = arith.constant 0 : i32
          %dma_start3A_76 = tpu.memref_slice %arg17[%add3A_61, %dma_start3A_75] : memref<10000x128xf32, #tpu.memory_space<vmem_shared>> -> memref<128x128xf32, #tpu.memory_space<vmem_shared>>
          %dma_start3A_77 = arith.constant 0 : i32
          %dma_start3A_78 = arith.constant 0 : i32
          %dma_start3A_79 = tpu.memref_slice %arg15[%dma_start3A_77, %dma_start3A_78] : memref<128x128xf32, #tpu.memory_space<vmem>> -> memref<128x128xf32, #tpu.memory_space<vmem>>
          tpu.enqueue_dma source(%dma_start3A_79 : memref<128x128xf32, #tpu.memory_space<vmem>>) target(%dma_start3A_76 : memref<128x128xf32, #tpu.memory_space<vmem_shared>>) target_semaphore(%run_scoped3A : memref<!tpu.dma_semaphore, #tpu.memory_space<semaphore_mem>>)
          %dma_wait3A = arith.constant 0 : i32
          %dma_wait3A_80 = arith.constant 0 : i32
          %dma_wait3A_81 = tpu.memref_slice %arg15[%dma_wait3A, %dma_wait3A_80] : memref<128x128xf32, #tpu.memory_space<vmem>> -> memref<128x128xf32, #tpu.memory_space<vmem>>
          %dma_wait3A_82 = arith.constant 0 : i32
          %dma_wait3A_83 = tpu.memref_slice %arg17[%add3A_61, %dma_wait3A_82] : memref<10000x128xf32, #tpu.memory_space<vmem_shared>> -> memref<128x128xf32, #tpu.memory_space<vmem_shared>>
          %dma_wait3A_84 = arith.constant 0 : i32
          %dma_wait3A_85 = tpu.memref_slice %arg17[%add3A_61, %dma_wait3A_84] : memref<10000x128xf32, #tpu.memory_space<vmem_shared>> -> memref<128x128xf32, #tpu.memory_space<vmem_shared>>
          %dma_wait3A_86 = arith.constant 0 : i32
          %dma_wait3A_87 = arith.constant 0 : i32
          %dma_wait3A_88 = tpu.memref_slice %arg15[%dma_wait3A_86, %dma_wait3A_87] : memref<128x128xf32, #tpu.memory_space<vmem>> -> memref<128x128xf32, #tpu.memory_space<vmem>>
          tpu.wait_dma2 semaphore(%run_scoped3A : memref<!tpu.dma_semaphore, #tpu.memory_space<semaphore_mem>>) src(%dma_wait3A_88 : memref<128x128xf32, #tpu.memory_space<vmem>>) dst(%dma_wait3A_85 : memref<128x128xf32, #tpu.memory_space<vmem_shared>>)
          tpu.yield
        }) : () -> ()
        %add3A_62 = arith.constant 128 : i32
        %add3A_63 = arith.addi %mul3A_4, %add3A_62 : i32
        "tpu.region"() ({
          %run_scoped3A = tpu.sem_alloc : memref<!tpu.dma_semaphore, #tpu.memory_space<semaphore_mem>>
          %dma_start3A_70 = arith.constant 0 : i32
          %dma_start3A_71 = arith.constant 0 : i32
          %dma_start3A_72 = tpu.memref_slice %arg15[%dma_start3A_70, %dma_start3A_71] : memref<128x128xf32, #tpu.memory_space<vmem>> -> memref<128x128xf32, #tpu.memory_space<vmem>>
          %dma_start3A_73 = arith.constant 0 : i32
          %dma_start3A_74 = tpu.memref_slice %arg17[%add3A_63, %dma_start3A_73] : memref<10000x128xf32, #tpu.memory_space<vmem_shared>> -> memref<128x128xf32, #tpu.memory_space<vmem_shared>>
          %dma_start3A_75 = arith.constant 0 : i32
          %dma_start3A_76 = tpu.memref_slice %arg17[%add3A_63, %dma_start3A_75] : memref<10000x128xf32, #tpu.memory_space<vmem_shared>> -> memref<128x128xf32, #tpu.memory_space<vmem_shared>>
          %dma_start3A_77 = arith.constant 0 : i32
          %dma_start3A_78 = arith.constant 0 : i32
          %dma_start3A_79 = tpu.memref_slice %arg15[%dma_start3A_77, %dma_start3A_78] : memref<128x128xf32, #tpu.memory_space<vmem>> -> memref<128x128xf32, #tpu.memory_space<vmem>>
          tpu.enqueue_dma source(%dma_start3A_79 : memref<128x128xf32, #tpu.memory_space<vmem>>) target(%dma_start3A_76 : memref<128x128xf32, #tpu.memory_space<vmem_shared>>) target_semaphore(%run_scoped3A : memref<!tpu.dma_semaphore, #tpu.memory_space<semaphore_mem>>)
          %dma_wait3A = arith.constant 0 : i32
          %dma_wait3A_80 = arith.constant 0 : i32
          %dma_wait3A_81 = tpu.memref_slice %arg15[%dma_wait3A, %dma_wait3A_80] : memref<128x128xf32, #tpu.memory_space<vmem>> -> memref<128x128xf32, #tpu.memory_space<vmem>>
          %dma_wait3A_82 = arith.constant 0 : i32
          %dma_wait3A_83 = tpu.memref_slice %arg17[%add3A_63, %dma_wait3A_82] : memref<10000x128xf32, #tpu.memory_space<vmem_shared>> -> memref<128x128xf32, #tpu.memory_space<vmem_shared>>
          %dma_wait3A_84 = arith.constant 0 : i32
          %dma_wait3A_85 = tpu.memref_slice %arg17[%add3A_63, %dma_wait3A_84] : memref<10000x128xf32, #tpu.memory_space<vmem_shared>> -> memref<128x128xf32, #tpu.memory_space<vmem_shared>>
          %dma_wait3A_86 = arith.constant 0 : i32
          %dma_wait3A_87 = arith.constant 0 : i32
          %dma_wait3A_88 = tpu.memref_slice %arg15[%dma_wait3A_86, %dma_wait3A_87] : memref<128x128xf32, #tpu.memory_space<vmem>> -> memref<128x128xf32, #tpu.memory_space<vmem>>
          tpu.wait_dma2 semaphore(%run_scoped3A : memref<!tpu.dma_semaphore, #tpu.memory_space<semaphore_mem>>) src(%dma_wait3A_88 : memref<128x128xf32, #tpu.memory_space<vmem>>) dst(%dma_wait3A_85 : memref<128x128xf32, #tpu.memory_space<vmem_shared>>)
          tpu.yield
        }) : () -> ()
        %add3A_64 = arith.constant 256 : i32
        %add3A_65 = arith.addi %mul3A_4, %add3A_64 : i32
        "tpu.region"() ({
          %run_scoped3A = tpu.sem_alloc : memref<!tpu.dma_semaphore, #tpu.memory_space<semaphore_mem>>
          %dma_start3A_70 = arith.constant 0 : i32
          %dma_start3A_71 = arith.constant 0 : i32
          %dma_start3A_72 = tpu.memref_slice %arg15[%dma_start3A_70, %dma_start3A_71] : memref<128x128xf32, #tpu.memory_space<vmem>> -> memref<128x128xf32, #tpu.memory_space<vmem>>
          %dma_start3A_73 = arith.constant 0 : i32
          %dma_start3A_74 = tpu.memref_slice %arg17[%add3A_65, %dma_start3A_73] : memref<10000x128xf32, #tpu.memory_space<vmem_shared>> -> memref<128x128xf32, #tpu.memory_space<vmem_shared>>
          %dma_start3A_75 = arith.constant 0 : i32
          %dma_start3A_76 = tpu.memref_slice %arg17[%add3A_65, %dma_start3A_75] : memref<10000x128xf32, #tpu.memory_space<vmem_shared>> -> memref<128x128xf32, #tpu.memory_space<vmem_shared>>
          %dma_start3A_77 = arith.constant 0 : i32
          %dma_start3A_78 = arith.constant 0 : i32
          %dma_start3A_79 = tpu.memref_slice %arg15[%dma_start3A_77, %dma_start3A_78] : memref<128x128xf32, #tpu.memory_space<vmem>> -> memref<128x128xf32, #tpu.memory_space<vmem>>
          tpu.enqueue_dma source(%dma_start3A_79 : memref<128x128xf32, #tpu.memory_space<vmem>>) target(%dma_start3A_76 : memref<128x128xf32, #tpu.memory_space<vmem_shared>>) target_semaphore(%run_scoped3A : memref<!tpu.dma_semaphore, #tpu.memory_space<semaphore_mem>>)
          %dma_wait3A = arith.constant 0 : i32
          %dma_wait3A_80 = arith.constant 0 : i32
          %dma_wait3A_81 = tpu.memref_slice %arg15[%dma_wait3A, %dma_wait3A_80] : memref<128x128xf32, #tpu.memory_space<vmem>> -> memref<128x128xf32, #tpu.memory_space<vmem>>
          %dma_wait3A_82 = arith.constant 0 : i32
          %dma_wait3A_83 = tpu.memref_slice %arg17[%add3A_65, %dma_wait3A_82] : memref<10000x128xf32, #tpu.memory_space<vmem_shared>> -> memref<128x128xf32, #tpu.memory_space<vmem_shared>>
          %dma_wait3A_84 = arith.constant 0 : i32
          %dma_wait3A_85 = tpu.memref_slice %arg17[%add3A_65, %dma_wait3A_84] : memref<10000x128xf32, #tpu.memory_space<vmem_shared>> -> memref<128x128xf32, #tpu.memory_space<vmem_shared>>
          %dma_wait3A_86 = arith.constant 0 : i32
          %dma_wait3A_87 = arith.constant 0 : i32
          %dma_wait3A_88 = tpu.memref_slice %arg15[%dma_wait3A_86, %dma_wait3A_87] : memref<128x128xf32, #tpu.memory_space<vmem>> -> memref<128x128xf32, #tpu.memory_space<vmem>>
          tpu.wait_dma2 semaphore(%run_scoped3A : memref<!tpu.dma_semaphore, #tpu.memory_space<semaphore_mem>>) src(%dma_wait3A_88 : memref<128x128xf32, #tpu.memory_space<vmem>>) dst(%dma_wait3A_85 : memref<128x128xf32, #tpu.memory_space<vmem_shared>>)
          tpu.yield
        }) : () -> ()
        %add3A_66 = arith.constant 384 : i32
        %add3A_67 = arith.addi %mul3A_4, %add3A_66 : i32
        "tpu.region"() ({
          %run_scoped3A = tpu.sem_alloc : memref<!tpu.dma_semaphore, #tpu.memory_space<semaphore_mem>>
          %dma_start3A_70 = arith.constant 0 : i32
          %dma_start3A_71 = arith.constant 0 : i32
          %dma_start3A_72 = tpu.memref_slice %arg15[%dma_start3A_70, %dma_start3A_71] : memref<128x128xf32, #tpu.memory_space<vmem>> -> memref<128x128xf32, #tpu.memory_space<vmem>>
          %dma_start3A_73 = arith.constant 0 : i32
          %dma_start3A_74 = tpu.memref_slice %arg17[%add3A_67, %dma_start3A_73] : memref<10000x128xf32, #tpu.memory_space<vmem_shared>> -> memref<128x128xf32, #tpu.memory_space<vmem_shared>>
          %dma_start3A_75 = arith.constant 0 : i32
          %dma_start3A_76 = tpu.memref_slice %arg17[%add3A_67, %dma_start3A_75] : memref<10000x128xf32, #tpu.memory_space<vmem_shared>> -> memref<128x128xf32, #tpu.memory_space<vmem_shared>>
          %dma_start3A_77 = arith.constant 0 : i32
          %dma_start3A_78 = arith.constant 0 : i32
          %dma_start3A_79 = tpu.memref_slice %arg15[%dma_start3A_77, %dma_start3A_78] : memref<128x128xf32, #tpu.memory_space<vmem>> -> memref<128x128xf32, #tpu.memory_space<vmem>>
          tpu.enqueue_dma source(%dma_start3A_79 : memref<128x128xf32, #tpu.memory_space<vmem>>) target(%dma_start3A_76 : memref<128x128xf32, #tpu.memory_space<vmem_shared>>) target_semaphore(%run_scoped3A : memref<!tpu.dma_semaphore, #tpu.memory_space<semaphore_mem>>)
          %dma_wait3A = arith.constant 0 : i32
          %dma_wait3A_80 = arith.constant 0 : i32
          %dma_wait3A_81 = tpu.memref_slice %arg15[%dma_wait3A, %dma_wait3A_80] : memref<128x128xf32, #tpu.memory_space<vmem>> -> memref<128x128xf32, #tpu.memory_space<vmem>>
          %dma_wait3A_82 = arith.constant 0 : i32
          %dma_wait3A_83 = tpu.memref_slice %arg17[%add3A_67, %dma_wait3A_82] : memref<10000x128xf32, #tpu.memory_space<vmem_shared>> -> memref<128x128xf32, #tpu.memory_space<vmem_shared>>
          %dma_wait3A_84 = arith.constant 0 : i32
          %dma_wait3A_85 = tpu.memref_slice %arg17[%add3A_67, %dma_wait3A_84] : memref<10000x128xf32, #tpu.memory_space<vmem_shared>> -> memref<128x128xf32, #tpu.memory_space<vmem_shared>>
          %dma_wait3A_86 = arith.constant 0 : i32
          %dma_wait3A_87 = arith.constant 0 : i32
          %dma_wait3A_88 = tpu.memref_slice %arg15[%dma_wait3A_86, %dma_wait3A_87] : memref<128x128xf32, #tpu.memory_space<vmem>> -> memref<128x128xf32, #tpu.memory_space<vmem>>
          tpu.wait_dma2 semaphore(%run_scoped3A : memref<!tpu.dma_semaphore, #tpu.memory_space<semaphore_mem>>) src(%dma_wait3A_88 : memref<128x128xf32, #tpu.memory_space<vmem>>) dst(%dma_wait3A_85 : memref<128x128xf32, #tpu.memory_space<vmem_shared>>)
          tpu.yield
        }) : () -> ()
        %add3A_68 = arith.constant 512 : i32
        %add3A_69 = arith.addi %mul3A_4, %add3A_68 : i32
        "tpu.region"() ({
          %run_scoped3A = tpu.sem_alloc : memref<!tpu.dma_semaphore, #tpu.memory_space<semaphore_mem>>
          %dma_start3A_70 = arith.constant 0 : i32
          %dma_start3A_71 = arith.constant 0 : i32
          %dma_start3A_72 = tpu.memref_slice %arg15[%dma_start3A_70, %dma_start3A_71] : memref<128x128xf32, #tpu.memory_space<vmem>> -> memref<128x128xf32, #tpu.memory_space<vmem>>
          %dma_start3A_73 = arith.constant 0 : i32
          %dma_start3A_74 = tpu.memref_slice %arg17[%add3A_69, %dma_start3A_73] : memref<10000x128xf32, #tpu.memory_space<vmem_shared>> -> memref<128x128xf32, #tpu.memory_space<vmem_shared>>
          %dma_start3A_75 = arith.constant 0 : i32
          %dma_start3A_76 = tpu.memref_slice %arg17[%add3A_69, %dma_start3A_75] : memref<10000x128xf32, #tpu.memory_space<vmem_shared>> -> memref<128x128xf32, #tpu.memory_space<vmem_shared>>
          %dma_start3A_77 = arith.constant 0 : i32
          %dma_start3A_78 = arith.constant 0 : i32
          %dma_start3A_79 = tpu.memref_slice %arg15[%dma_start3A_77, %dma_start3A_78] : memref<128x128xf32, #tpu.memory_space<vmem>> -> memref<128x128xf32, #tpu.memory_space<vmem>>
          tpu.enqueue_dma source(%dma_start3A_79 : memref<128x128xf32, #tpu.memory_space<vmem>>) target(%dma_start3A_76 : memref<128x128xf32, #tpu.memory_space<vmem_shared>>) target_semaphore(%run_scoped3A : memref<!tpu.dma_semaphore, #tpu.memory_space<semaphore_mem>>)
          %dma_wait3A = arith.constant 0 : i32
          %dma_wait3A_80 = arith.constant 0 : i32
          %dma_wait3A_81 = tpu.memref_slice %arg15[%dma_wait3A, %dma_wait3A_80] : memref<128x128xf32, #tpu.memory_space<vmem>> -> memref<128x128xf32, #tpu.memory_space<vmem>>
          %dma_wait3A_82 = arith.constant 0 : i32
          %dma_wait3A_83 = tpu.memref_slice %arg17[%add3A_69, %dma_wait3A_82] : memref<10000x128xf32, #tpu.memory_space<vmem_shared>> -> memref<128x128xf32, #tpu.memory_space<vmem_shared>>
          %dma_wait3A_84 = arith.constant 0 : i32
          %dma_wait3A_85 = tpu.memref_slice %arg17[%add3A_69, %dma_wait3A_84] : memref<10000x128xf32, #tpu.memory_space<vmem_shared>> -> memref<128x128xf32, #tpu.memory_space<vmem_shared>>
          %dma_wait3A_86 = arith.constant 0 : i32
          %dma_wait3A_87 = arith.constant 0 : i32
          %dma_wait3A_88 = tpu.memref_slice %arg15[%dma_wait3A_86, %dma_wait3A_87] : memref<128x128xf32, #tpu.memory_space<vmem>> -> memref<128x128xf32, #tpu.memory_space<vmem>>
          tpu.wait_dma2 semaphore(%run_scoped3A : memref<!tpu.dma_semaphore, #tpu.memory_space<semaphore_mem>>) src(%dma_wait3A_88 : memref<128x128xf32, #tpu.memory_space<vmem>>) dst(%dma_wait3A_85 : memref<128x128xf32, #tpu.memory_space<vmem_shared>>)
          tpu.yield
        }) : () -> ()
      } else {
      }
      %barrier3A = arith.constant 0 : index
      tpu.barrier barrier_id(%barrier3A)
      %add3A_29 = arith.constant 0 : i32
      %add3A_30 = arith.addi %mul3A_2, %add3A_29 : i32
      "tpu.region"() ({
        %run_scoped3A = tpu.sem_alloc : memref<!tpu.dma_semaphore, #tpu.memory_space<semaphore_mem>>
        %dma_start3A_60 = arith.constant 0 : i32
        %dma_start3A_61 = tpu.memref_slice %arg3[%dma_start3A_60, %add3A_30] : memref<2x163840xi32, #tpu.memory_space<hbm>> -> memref<2x128xi32, #tpu.memory_space<hbm>>
        %dma_start3A_62 = arith.constant 0 : i32
        %dma_start3A_63 = tpu.memref_slice %arg3[%dma_start3A_62, %add3A_30] : memref<2x163840xi32, #tpu.memory_space<hbm>> -> memref<2x128xi32, #tpu.memory_space<hbm>>
        tpu.enqueue_dma source(%dma_start3A_63 : memref<2x128xi32, #tpu.memory_space<hbm>>) target(%arg8 : memref<2x128xi32, #tpu.memory_space<vmem>>) target_semaphore(%run_scoped3A : memref<!tpu.dma_semaphore, #tpu.memory_space<semaphore_mem>>)
        %dma_wait3A = arith.constant 0 : i32
        %dma_wait3A_64 = tpu.memref_slice %arg3[%dma_wait3A, %add3A_30] : memref<2x163840xi32, #tpu.memory_space<hbm>> -> memref<2x128xi32, #tpu.memory_space<hbm>>
        %dma_wait3A_65 = arith.constant 0 : i32
        %dma_wait3A_66 = tpu.memref_slice %arg3[%dma_wait3A_65, %add3A_30] : memref<2x163840xi32, #tpu.memory_space<hbm>> -> memref<2x128xi32, #tpu.memory_space<hbm>>
        tpu.wait_dma2 semaphore(%run_scoped3A : memref<!tpu.dma_semaphore, #tpu.memory_space<semaphore_mem>>) src(%dma_wait3A_66 : memref<2x128xi32, #tpu.memory_space<hbm>>) dst(%arg8 : memref<2x128xi32, #tpu.memory_space<vmem>>)
        tpu.yield
      }) : () -> ()
      "tpu.region"() ({
        %run_scoped3A = tpu.sem_alloc : memref<!tpu.dma_semaphore, #tpu.memory_space<semaphore_mem>>
        %dma_start3A_60 = tpu.memref_slice %arg4[%scan3A_12, %add3A_30] : memref<8x163840xf32, #tpu.memory_space<hbm>> -> memref<1x128xf32, #tpu.memory_space<hbm>>
        %dma_start3A_61 = tpu.memref_squeeze %dma_start3A_60 : memref<1x128xf32, #tpu.memory_space<hbm>> -> memref<128xf32, #tpu.memory_space<hbm>>
        %dma_start3A_62 = tpu.memref_slice %arg4[%scan3A_12, %add3A_30] : memref<8x163840xf32, #tpu.memory_space<hbm>> -> memref<1x128xf32, #tpu.memory_space<hbm>>
        %dma_start3A_63 = tpu.memref_squeeze %dma_start3A_62 : memref<1x128xf32, #tpu.memory_space<hbm>> -> memref<128xf32, #tpu.memory_space<hbm>>
        tpu.enqueue_dma source(%dma_start3A_63 : memref<128xf32, #tpu.memory_space<hbm>>) target(%arg12 : memref<128xf32, #tpu.memory_space<vmem>>) target_semaphore(%run_scoped3A : memref<!tpu.dma_semaphore, #tpu.memory_space<semaphore_mem>>)
        %dma_wait3A = tpu.memref_slice %arg4[%scan3A_12, %add3A_30] : memref<8x163840xf32, #tpu.memory_space<hbm>> -> memref<1x128xf32, #tpu.memory_space<hbm>>
        %dma_wait3A_64 = tpu.memref_squeeze %dma_wait3A : memref<1x128xf32, #tpu.memory_space<hbm>> -> memref<128xf32, #tpu.memory_space<hbm>>
        %dma_wait3A_65 = tpu.memref_slice %arg4[%scan3A_12, %add3A_30] : memref<8x163840xf32, #tpu.memory_space<hbm>> -> memref<1x128xf32, #tpu.memory_space<hbm>>
        %dma_wait3A_66 = tpu.memref_squeeze %dma_wait3A_65 : memref<1x128xf32, #tpu.memory_space<hbm>> -> memref<128xf32, #tpu.memory_space<hbm>>
        tpu.wait_dma2 semaphore(%run_scoped3A : memref<!tpu.dma_semaphore, #tpu.memory_space<semaphore_mem>>) src(%dma_wait3A_66 : memref<128xf32, #tpu.memory_space<hbm>>) dst(%arg12 : memref<128xf32, #tpu.memory_space<vmem>>)
        tpu.yield
      }) : () -> ()
      %scan3A_31 = arith.constant 0 : i32
      %scan3A_32 = arith.constant 0 : i32
      %scan3A_33 = arith.constant 8 : i32
      %scan3A_34 = arith.addi %scan3A_32, %scan3A_33 : i32
      %scan3A_35 = arith.constant 1 : i32
      %scan3A_36 = scf.for %scan3A_60 = %scan3A_32 to %scan3A_34 step %scan3A_35 iter_args(%scan3A_61 = %scan3A_31) -> (i32)  : i32 {
        %mul3A_62 = arith.constant 16 : i32
        %mul3A_63 = arith.muli %scan3A_60, %mul3A_62 : i32
        %get3A = arith.constant 1 : i32
        %get3A_64 = arith.index_cast %get3A : i32 to index
        %get3A_65 = arith.index_cast %mul3A_63 : i32 to index
        %get3A_66 = tpu.vector_load %arg8[%get3A_64, %get3A_65] {strides = array<i32>} : memref<2x128xi32, #tpu.memory_space<vmem>>, vector<16xi32>,
        %add3A_67 = vector.broadcast %mul3A_15 : i32 to vector<16xi32>
        %add3A_68 = arith.addi %get3A_66, %add3A_67 : vector<16xi32>
        %mul3A_69 = arith.constant 16 : i32
        %mul3A_70 = arith.muli %scan3A_60, %mul3A_69 : i32
        %swap3A = arith.index_cast %mul3A_70 : i32 to index
        %swap3A_71 = tpu.vector_load %arg10[%swap3A] {strides = array<i32>} : memref<128xi32, #tpu.memory_space<vmem>>, vector<16xi32>,
        tpu.vector_store %arg10[%swap3A], %add3A_68 {strides = array<i32>} : memref<128xi32, #tpu.memory_space<vmem>>, vector<16xi32>,
        %scan3A_72 = arith.constant 0 : i32
        scf.yield %scan3A_72 : i32
      }
      %scan3A_37 = arith.constant 8 : i32
      %dma_start3A = arith.constant 0 : i32
      %dma_start3A_38 = arith.constant 0 : i32
      %dma_start3A_39 = tpu.memref_slice %arg2[%dma_start3A, %dma_start3A_38] : memref<80000x128xf32, #tpu.memory_space<hbm>> -> memref<80000x128xf32, #tpu.memory_space<hbm>>
      tpu.enqueue_indirect_dma source(%dma_start3A_39 : memref<80000x128xf32, #tpu.memory_space<hbm>>) target(%arg15 : memref<128x128xf32, #tpu.memory_space<vmem>>) offsets(%arg10 : memref<128xi32, #tpu.memory_space<vmem>>) semaphore(%arg18 : memref<!tpu.dma_semaphore, #tpu.memory_space<semaphore_mem>>)
      %scan3A_40 = arith.constant 0 : i32
      %scan3A_41 = arith.constant 0 : i32
      %scan3A_42 = arith.constant 20 : i32
      %scan3A_43 = arith.addi %scan3A_41, %scan3A_42 : i32
      %scan3A_44 = arith.constant 1 : i32
      %scan3A_45 = scf.for %scan3A_60 = %scan3A_41 to %scan3A_43 step %scan3A_44 iter_args(%scan3A_61 = %scan3A_40) -> (i32)  : i32 {
        %dma_wait3A = arith.constant 0 : i32
        %dma_wait3A_62 = arith.constant 0 : i32
        %dma_wait3A_63 = tpu.memref_slice %arg2[%dma_wait3A, %dma_wait3A_62] : memref<80000x128xf32, #tpu.memory_space<hbm>> -> memref<80000x128xf32, #tpu.memory_space<hbm>>
        tpu.wait_indirect_dma semaphore(%arg18 : memref<!tpu.dma_semaphore, #tpu.memory_space<semaphore_mem>>) src(%dma_wait3A_63 : memref<80000x128xf32, #tpu.memory_space<hbm>>) dst(%arg15 : memref<128x128xf32, #tpu.memory_space<vmem>>)
        %mul3A_64 = arith.constant 2 : i32
        %mul3A_65 = arith.muli %mul3A_64, %scan3A_60 : i32
        %add3A_66 = arith.constant 1 : i32
        %add3A_67 = arith.addi %mul3A_65, %add3A_66 : i32
        %mul3A_68 = arith.constant 128 : i32
        %mul3A_69 = arith.muli %add3A_67, %mul3A_68 : i32
        %add3A_70 = arith.addi %mul3A_2, %mul3A_69 : i32
        "tpu.region"() ({
          %run_scoped3A_105 = tpu.sem_alloc : memref<!tpu.dma_semaphore, #tpu.memory_space<semaphore_mem>>
          %dma_start3A_106 = arith.constant 0 : i32
          %dma_start3A_107 = tpu.memref_slice %arg3[%dma_start3A_106, %add3A_70] : memref<2x163840xi32, #tpu.memory_space<hbm>> -> memref<2x128xi32, #tpu.memory_space<hbm>>
          %dma_start3A_108 = arith.constant 0 : i32
          %dma_start3A_109 = tpu.memref_slice %arg3[%dma_start3A_108, %add3A_70] : memref<2x163840xi32, #tpu.memory_space<hbm>> -> memref<2x128xi32, #tpu.memory_space<hbm>>
          tpu.enqueue_dma source(%dma_start3A_109 : memref<2x128xi32, #tpu.memory_space<hbm>>) target(%arg9 : memref<2x128xi32, #tpu.memory_space<vmem>>) target_semaphore(%run_scoped3A_105 : memref<!tpu.dma_semaphore, #tpu.memory_space<semaphore_mem>>)
          %dma_wait3A_110 = arith.constant 0 : i32
          %dma_wait3A_111 = tpu.memref_slice %arg3[%dma_wait3A_110, %add3A_70] : memref<2x163840xi32, #tpu.memory_space<hbm>> -> memref<2x128xi32, #tpu.memory_space<hbm>>
          %dma_wait3A_112 = arith.constant 0 : i32
          %dma_wait3A_113 = tpu.memref_slice %arg3[%dma_wait3A_112, %add3A_70] : memref<2x163840xi32, #tpu.memory_space<hbm>> -> memref<2x128xi32, #tpu.memory_space<hbm>>
          tpu.wait_dma2 semaphore(%run_scoped3A_105 : memref<!tpu.dma_semaphore, #tpu.memory_space<semaphore_mem>>) src(%dma_wait3A_113 : memref<2x128xi32, #tpu.memory_space<hbm>>) dst(%arg9 : memref<2x128xi32, #tpu.memory_space<vmem>>)
          tpu.yield
        }) : () -> ()
        "tpu.region"() ({
          %run_scoped3A_105 = tpu.sem_alloc : memref<!tpu.dma_semaphore, #tpu.memory_space<semaphore_mem>>
          %dma_start3A_106 = tpu.memref_slice %arg4[%scan3A_12, %add3A_70] : memref<8x163840xf32, #tpu.memory_space<hbm>> -> memref<1x128xf32, #tpu.memory_space<hbm>>
          %dma_start3A_107 = tpu.memref_squeeze %dma_start3A_106 : memref<1x128xf32, #tpu.memory_space<hbm>> -> memref<128xf32, #tpu.memory_space<hbm>>
          %dma_start3A_108 = tpu.memref_slice %arg4[%scan3A_12, %add3A_70] : memref<8x163840xf32, #tpu.memory_space<hbm>> -> memref<1x128xf32, #tpu.memory_space<hbm>>
          %dma_start3A_109 = tpu.memref_squeeze %dma_start3A_108 : memref<1x128xf32, #tpu.memory_space<hbm>> -> memref<128xf32, #tpu.memory_space<hbm>>
          tpu.enqueue_dma source(%dma_start3A_109 : memref<128xf32, #tpu.memory_space<hbm>>) target(%arg13 : memref<128xf32, #tpu.memory_space<vmem>>) target_semaphore(%run_scoped3A_105 : memref<!tpu.dma_semaphore, #tpu.memory_space<semaphore_mem>>)
          %dma_wait3A_110 = tpu.memref_slice %arg4[%scan3A_12, %add3A_70] : memref<8x163840xf32, #tpu.memory_space<hbm>> -> memref<1x128xf32, #tpu.memory_space<hbm>>
          %dma_wait3A_111 = tpu.memref_squeeze %dma_wait3A_110 : memref<1x128xf32, #tpu.memory_space<hbm>> -> memref<128xf32, #tpu.memory_space<hbm>>
          %dma_wait3A_112 = tpu.memref_slice %arg4[%scan3A_12, %add3A_70] : memref<8x163840xf32, #tpu.memory_space<hbm>> -> memref<1x128xf32, #tpu.memory_space<hbm>>
          %dma_wait3A_113 = tpu.memref_squeeze %dma_wait3A_112 : memref<1x128xf32, #tpu.memory_space<hbm>> -> memref<128xf32, #tpu.memory_space<hbm>>
          tpu.wait_dma2 semaphore(%run_scoped3A_105 : memref<!tpu.dma_semaphore, #tpu.memory_space<semaphore_mem>>) src(%dma_wait3A_113 : memref<128xf32, #tpu.memory_space<hbm>>) dst(%arg13 : memref<128xf32, #tpu.memory_space<vmem>>)
          tpu.yield
        }) : () -> ()
        %scan3A_71 = arith.constant 0 : i32
        %scan3A_72 = arith.constant 0 : i32
        %scan3A_73 = arith.constant 8 : i32
        %scan3A_74 = arith.addi %scan3A_72, %scan3A_73 : i32
        %scan3A_75 = arith.constant 1 : i32
        %scan3A_76 = scf.for %scan3A_105 = %scan3A_72 to %scan3A_74 step %scan3A_75 iter_args(%scan3A_106 = %scan3A_71) -> (i32)  : i32 {
          %mul3A_107 = arith.constant 16 : i32
          %mul3A_108 = arith.muli %scan3A_105, %mul3A_107 : i32
          %get3A = arith.constant 1 : i32
          %get3A_109 = arith.index_cast %get3A : i32 to index
          %get3A_110 = arith.index_cast %mul3A_108 : i32 to index
          %get3A_111 = tpu.vector_load %arg9[%get3A_109, %get3A_110] {strides = array<i32>} : memref<2x128xi32, #tpu.memory_space<vmem>>, vector<16xi32>,
          %add3A_112 = vector.broadcast %mul3A_15 : i32 to vector<16xi32>
          %add3A_113 = arith.addi %get3A_111, %add3A_112 : vector<16xi32>
          %mul3A_114 = arith.constant 16 : i32
          %mul3A_115 = arith.muli %scan3A_105, %mul3A_114 : i32
          %swap3A = arith.index_cast %mul3A_115 : i32 to index
          %swap3A_116 = tpu.vector_load %arg11[%swap3A] {strides = array<i32>} : memref<128xi32, #tpu.memory_space<vmem>>, vector<16xi32>,
          tpu.vector_store %arg11[%swap3A], %add3A_113 {strides = array<i32>} : memref<128xi32, #tpu.memory_space<vmem>>, vector<16xi32>,
          %scan3A_117 = arith.constant 0 : i32
          scf.yield %scan3A_117 : i32
        }
        %scan3A_77 = arith.constant 8 : i32
        %dma_start3A_78 = arith.constant 0 : i32
        %dma_start3A_79 = arith.constant 0 : i32
        %dma_start3A_80 = tpu.memref_slice %arg2[%dma_start3A_78, %dma_start3A_79] : memref<80000x128xf32, #tpu.memory_space<hbm>> -> memref<80000x128xf32, #tpu.memory_space<hbm>>
        tpu.enqueue_indirect_dma source(%dma_start3A_80 : memref<80000x128xf32, #tpu.memory_space<hbm>>) target(%arg16 : memref<128x128xf32, #tpu.memory_space<vmem>>) offsets(%arg11 : memref<128xi32, #tpu.memory_space<vmem>>) semaphore(%arg18 : memref<!tpu.dma_semaphore, #tpu.memory_space<semaphore_mem>>)
        %scan3A_81 = arith.constant 0 : i32
        %scan3A_82 = arith.constant 0 : i32
        %scan3A_83 = arith.constant 8 : i32
        %scan3A_84 = arith.addi %scan3A_82, %scan3A_83 : i32
        %scan3A_85 = arith.constant 1 : i32
        %scan3A_86 = scf.for %scan3A_105 = %scan3A_82 to %scan3A_84 step %scan3A_85 iter_args(%scan3A_106 = %scan3A_81) -> (i32)  : i32 {
          %mul3A_107 = arith.constant 16 : i32
          %mul3A_108 = arith.muli %scan3A_105, %mul3A_107 : i32
          %get3A = arith.constant 0 : i32
          %get3A_109 = arith.index_cast %get3A : i32 to index
          %get3A_110 = arith.index_cast %mul3A_108 : i32 to index
          %get3A_111 = tpu.vector_load %arg8[%get3A_109, %get3A_110] {strides = array<i32>} : memref<2x128xi32, #tpu.memory_space<vmem>>, vector<16xi32>,
          %gather3A = tpu.vector_load_idx %arg7[%get3A_111] : memref<10000xf32, #tpu.memory_space<vmem>>[vector<16xi32>], vector<16xf32>,
          %mul3A_112 = arith.constant 16 : i32
          %mul3A_113 = arith.muli %scan3A_105, %mul3A_112 : i32
          %get3A_114 = arith.index_cast %mul3A_113 : i32 to index
          %get3A_115 = tpu.vector_load %arg12[%get3A_114] {strides = array<i32>} : memref<128xf32, #tpu.memory_space<vmem>>, vector<16xf32>,
          %mul3A_116 = arith.mulf %get3A_115, %gather3A : vector<16xf32>
          %swap3A = arith.constant 0 : index
          %swap3A_117 = tpu.vector_load %arg14[%swap3A] {strides = array<i32>} : memref<16xf32, #tpu.memory_space<vmem>>, vector<16xf32>,
          tpu.vector_store %arg14[%swap3A], %mul3A_116 {strides = array<i32>} : memref<16xf32, #tpu.memory_space<vmem>>, vector<16xf32>,
          %scan3A_118 = arith.constant 0 : i32
          %scan3A_119 = arith.constant 0 : i32
          %scan3A_120 = arith.constant 16 : i32
          %scan3A_121 = arith.addi %scan3A_119, %scan3A_120 : i32
          %scan3A_122 = arith.constant 1 : i32
          %scan3A_123 = scf.for %scan3A_126 = %scan3A_119 to %scan3A_121 step %scan3A_122 iter_args(%scan3A_127 = %scan3A_118) -> (i32)  : i32 {
            %broadcast_in_dim3A_128 = vector.broadcast %scan3A_126 : i32 to vector<16xi32>
            %gather3A_129 = tpu.vector_load_idx %arg14[%broadcast_in_dim3A_128] : memref<16xf32, #tpu.memory_space<vmem>>[vector<16xi32>], vector<16xf32>,
            %mul3A_130 = arith.constant 16 : i32
            %mul3A_131 = arith.muli %scan3A_105, %mul3A_130 : i32
            %add3A_132 = arith.addi %mul3A_131, %scan3A_126 : i32
            %get3A_133 = arith.index_cast %add3A_132 : i32 to index
            %get3A_134 = arith.constant 0 : index
            %get3A_135 = tpu.vector_load %arg15[%get3A_133, %get3A_134] {strides = array<i32>} : memref<128x128xf32, #tpu.memory_space<vmem>>, vector<16xf32>,
            %mul3A_136 = arith.mulf %get3A_135, %gather3A_129 : vector<16xf32>
            %swap3A_137 = arith.index_cast %add3A_132 : i32 to index
            %swap3A_138 = arith.constant 0 : index
            %swap3A_139 = tpu.vector_load %arg15[%swap3A_137, %swap3A_138] {strides = array<i32>} : memref<128x128xf32, #tpu.memory_space<vmem>>, vector<16xf32>,
            tpu.vector_store %arg15[%swap3A_137, %swap3A_138], %mul3A_136 {strides = array<i32>} : memref<128x128xf32, #tpu.memory_space<vmem>>, vector<16xf32>,
            %get3A_140 = arith.index_cast %add3A_132 : i32 to index
            %get3A_141 = arith.constant 16 : index
            %get3A_142 = tpu.vector_load %arg15[%get3A_140, %get3A_141] {strides = array<i32>} : memref<128x128xf32, #tpu.memory_space<vmem>>, vector<16xf32>,
            %mul3A_143 = arith.mulf %get3A_142, %gather3A_129 : vector<16xf32>
            %swap3A_144 = arith.index_cast %add3A_132 : i32 to index
            %swap3A_145 = arith.constant 16 : index
            %swap3A_146 = tpu.vector_load %arg15[%swap3A_144, %swap3A_145] {strides = array<i32>} : memref<128x128xf32, #tpu.memory_space<vmem>>, vector<16xf32>,
            tpu.vector_store %arg15[%swap3A_144, %swap3A_145], %mul3A_143 {strides = array<i32>} : memref<128x128xf32, #tpu.memory_space<vmem>>, vector<16xf32>,
            %get3A_147 = arith.index_cast %add3A_132 : i32 to index
            %get3A_148 = arith.constant 32 : index
            %get3A_149 = tpu.vector_load %arg15[%get3A_147, %get3A_148] {strides = array<i32>} : memref<128x128xf32, #tpu.memory_space<vmem>>, vector<16xf32>,
            %mul3A_150 = arith.mulf %get3A_149, %gather3A_129 : vector<16xf32>
            %swap3A_151 = arith.index_cast %add3A_132 : i32 to index
            %swap3A_152 = arith.constant 32 : index
            %swap3A_153 = tpu.vector_load %arg15[%swap3A_151, %swap3A_152] {strides = array<i32>} : memref<128x128xf32, #tpu.memory_space<vmem>>, vector<16xf32>,
            tpu.vector_store %arg15[%swap3A_151, %swap3A_152], %mul3A_150 {strides = array<i32>} : memref<128x128xf32, #tpu.memory_space<vmem>>, vector<16xf32>,
            %get3A_154 = arith.index_cast %add3A_132 : i32 to index
            %get3A_155 = arith.constant 48 : index
            %get3A_156 = tpu.vector_load %arg15[%get3A_154, %get3A_155] {strides = array<i32>} : memref<128x128xf32, #tpu.memory_space<vmem>>, vector<16xf32>,
            %mul3A_157 = arith.mulf %get3A_156, %gather3A_129 : vector<16xf32>
            %swap3A_158 = arith.index_cast %add3A_132 : i32 to index
            %swap3A_159 = arith.constant 48 : index
            %swap3A_160 = tpu.vector_load %arg15[%swap3A_158, %swap3A_159] {strides = array<i32>} : memref<128x128xf32, #tpu.memory_space<vmem>>, vector<16xf32>,
            tpu.vector_store %arg15[%swap3A_158, %swap3A_159], %mul3A_157 {strides = array<i32>} : memref<128x128xf32, #tpu.memory_space<vmem>>, vector<16xf32>,
            %get3A_161 = arith.index_cast %add3A_132 : i32 to index
            %get3A_162 = arith.constant 64 : index
            %get3A_163 = tpu.vector_load %arg15[%get3A_161, %get3A_162] {strides = array<i32>} : memref<128x128xf32, #tpu.memory_space<vmem>>, vector<16xf32>,
            %mul3A_164 = arith.mulf %get3A_163, %gather3A_129 : vector<16xf32>
            %swap3A_165 = arith.index_cast %add3A_132 : i32 to index
            %swap3A_166 = arith.constant 64 : index
            %swap3A_167 = tpu.vector_load %arg15[%swap3A_165, %swap3A_166] {strides = array<i32>} : memref<128x128xf32, #tpu.memory_space<vmem>>, vector<16xf32>,
            tpu.vector_store %arg15[%swap3A_165, %swap3A_166], %mul3A_164 {strides = array<i32>} : memref<128x128xf32, #tpu.memory_space<vmem>>, vector<16xf32>,
            %get3A_168 = arith.index_cast %add3A_132 : i32 to index
            %get3A_169 = arith.constant 80 : index
            %get3A_170 = tpu.vector_load %arg15[%get3A_168, %get3A_169] {strides = array<i32>} : memref<128x128xf32, #tpu.memory_space<vmem>>, vector<16xf32>,
            %mul3A_171 = arith.mulf %get3A_170, %gather3A_129 : vector<16xf32>
            %swap3A_172 = arith.index_cast %add3A_132 : i32 to index
            %swap3A_173 = arith.constant 80 : index
            %swap3A_174 = tpu.vector_load %arg15[%swap3A_172, %swap3A_173] {strides = array<i32>} : memref<128x128xf32, #tpu.memory_space<vmem>>, vector<16xf32>,
            tpu.vector_store %arg15[%swap3A_172, %swap3A_173], %mul3A_171 {strides = array<i32>} : memref<128x128xf32, #tpu.memory_space<vmem>>, vector<16xf32>,
            %get3A_175 = arith.index_cast %add3A_132 : i32 to index
            %get3A_176 = arith.constant 96 : index
            %get3A_177 = tpu.vector_load %arg15[%get3A_175, %get3A_176] {strides = array<i32>} : memref<128x128xf32, #tpu.memory_space<vmem>>, vector<16xf32>,
            %mul3A_178 = arith.mulf %get3A_177, %gather3A_129 : vector<16xf32>
            %swap3A_179 = arith.index_cast %add3A_132 : i32 to index
            %swap3A_180 = arith.constant 96 : index
            %swap3A_181 = tpu.vector_load %arg15[%swap3A_179, %swap3A_180] {strides = array<i32>} : memref<128x128xf32, #tpu.memory_space<vmem>>, vector<16xf32>,
            tpu.vector_store %arg15[%swap3A_179, %swap3A_180], %mul3A_178 {strides = array<i32>} : memref<128x128xf32, #tpu.memory_space<vmem>>, vector<16xf32>,
            %get3A_182 = arith.index_cast %add3A_132 : i32 to index
            %get3A_183 = arith.constant 112 : index
            %get3A_184 = tpu.vector_load %arg15[%get3A_182, %get3A_183] {strides = array<i32>} : memref<128x128xf32, #tpu.memory_space<vmem>>, vector<16xf32>,
            %mul3A_185 = arith.mulf %get3A_184, %gather3A_129 : vector<16xf32>
            %swap3A_186 = arith.index_cast %add3A_132 : i32 to index
            %swap3A_187 = arith.constant 112 : index
            %swap3A_188 = tpu.vector_load %arg15[%swap3A_186, %swap3A_187] {strides = array<i32>} : memref<128x128xf32, #tpu.memory_space<vmem>>, vector<16xf32>,
            tpu.vector_store %arg15[%swap3A_186, %swap3A_187], %mul3A_185 {strides = array<i32>} : memref<128x128xf32, #tpu.memory_space<vmem>>, vector<16xf32>,
            %scan3A_189 = arith.constant 0 : i32
            scf.yield %scan3A_189 : i32
          }
          %scan3A_124 = arith.constant 16 : i32
          %scan3A_125 = arith.constant 0 : i32
          scf.yield %scan3A_125 : i32
        }
        %scan3A_87 = arith.constant 8 : i32
        %run_scoped3A = arith.constant 0 : i32
        "tpu.region"() ({
          %run_scoped3A_105 = tpu.sem_alloc : memref<!tpu.dma_semaphore, #tpu.memory_space<semaphore_mem>>
          %dma_start3A_106 = arith.constant 0 : i32
          %dma_start3A_107 = tpu.memref_slice %arg8[%run_scoped3A, %dma_start3A_106] : memref<2x128xi32, #tpu.memory_space<vmem>> -> memref<1x128xi32, #tpu.memory_space<vmem>>
          %dma_start3A_108 = tpu.memref_squeeze %dma_start3A_107 : memref<1x128xi32, #tpu.memory_space<vmem>> -> memref<128xi32, #tpu.memory_space<vmem>>
          %dma_start3A_109 = arith.constant 0 : i32
          %dma_start3A_110 = arith.constant 0 : i32
          %dma_start3A_111 = tpu.memref_slice %arg17[%dma_start3A_109, %dma_start3A_110] : memref<10000x128xf32, #tpu.memory_space<vmem_shared>> -> memref<10000x128xf32, #tpu.memory_space<vmem_shared>>
          tpu.enqueue_indirect_dma source(%arg15 : memref<128x128xf32, #tpu.memory_space<vmem>>) target(%dma_start3A_111 : memref<10000x128xf32, #tpu.memory_space<vmem_shared>>) offsets(%dma_start3A_108 : memref<128xi32, #tpu.memory_space<vmem>>) semaphore(%run_scoped3A_105 : memref<!tpu.dma_semaphore, #tpu.memory_space<semaphore_mem>>) {add = true}
          %dma_wait3A_112 = arith.constant 0 : i32
          %dma_wait3A_113 = tpu.memref_slice %arg8[%run_scoped3A, %dma_wait3A_112] : memref<2x128xi32, #tpu.memory_space<vmem>> -> memref<1x128xi32, #tpu.memory_space<vmem>>
          %dma_wait3A_114 = tpu.memref_squeeze %dma_wait3A_113 : memref<1x128xi32, #tpu.memory_space<vmem>> -> memref<128xi32, #tpu.memory_space<vmem>>
          %dma_wait3A_115 = arith.constant 0 : i32
          %dma_wait3A_116 = arith.constant 0 : i32
          %dma_wait3A_117 = tpu.memref_slice %arg17[%dma_wait3A_115, %dma_wait3A_116] : memref<10000x128xf32, #tpu.memory_space<vmem_shared>> -> memref<10000x128xf32, #tpu.memory_space<vmem_shared>>
          tpu.wait_indirect_dma semaphore(%run_scoped3A_105 : memref<!tpu.dma_semaphore, #tpu.memory_space<semaphore_mem>>) src(%arg15 : memref<128x128xf32, #tpu.memory_space<vmem>>) dst(%dma_wait3A_117 : memref<10000x128xf32, #tpu.memory_space<vmem_shared>>)
          tpu.yield
        }) : () -> ()
        %dma_wait3A_88 = arith.constant 0 : i32
        %dma_wait3A_89 = arith.constant 0 : i32
        %dma_wait3A_90 = tpu.memref_slice %arg2[%dma_wait3A_88, %dma_wait3A_89] : memref<80000x128xf32, #tpu.memory_space<hbm>> -> memref<80000x128xf32, #tpu.memory_space<hbm>>
        tpu.wait_indirect_dma semaphore(%arg18 : memref<!tpu.dma_semaphore, #tpu.memory_space<semaphore_mem>>) src(%dma_wait3A_90 : memref<80000x128xf32, #tpu.memory_space<hbm>>) dst(%arg16 : memref<128x128xf32, #tpu.memory_space<vmem>>)
        %lt3A_91 = arith.constant 19 : i32
        %lt3A_92 = arith.cmpi slt, %scan3A_60, %lt3A_91 : i32
        %convert_element_type3A_93 = arith.extui %lt3A_92 : i1 to i32
        %cond3A_94 = arith.constant 0 : i32
        %cond3A_95 = arith.cmpi ne, %convert_element_type3A_93, %cond3A_94 : i32
        scf.if %cond3A_95 {
          %mul3A_105 = arith.constant 2 : i32
          %mul3A_106 = arith.muli %mul3A_105, %scan3A_60 : i32
          %add3A_107 = arith.constant 2 : i32
          %add3A_108 = arith.addi %mul3A_106, %add3A_107 : i32
          %mul3A_109 = arith.constant 128 : i32
          %mul3A_110 = arith.muli %add3A_108, %mul3A_109 : i32
          %add3A_111 = arith.addi %mul3A_2, %mul3A_110 : i32
          "tpu.region"() ({
            %run_scoped3A_122 = tpu.sem_alloc : memref<!tpu.dma_semaphore, #tpu.memory_space<semaphore_mem>>
            %dma_start3A_123 = arith.constant 0 : i32
            %dma_start3A_124 = tpu.memref_slice %arg3[%dma_start3A_123, %add3A_111] : memref<2x163840xi32, #tpu.memory_space<hbm>> -> memref<2x128xi32, #tpu.memory_space<hbm>>
            %dma_start3A_125 = arith.constant 0 : i32
            %dma_start3A_126 = tpu.memref_slice %arg3[%dma_start3A_125, %add3A_111] : memref<2x163840xi32, #tpu.memory_space<hbm>> -> memref<2x128xi32, #tpu.memory_space<hbm>>
            tpu.enqueue_dma source(%dma_start3A_126 : memref<2x128xi32, #tpu.memory_space<hbm>>) target(%arg8 : memref<2x128xi32, #tpu.memory_space<vmem>>) target_semaphore(%run_scoped3A_122 : memref<!tpu.dma_semaphore, #tpu.memory_space<semaphore_mem>>)
            %dma_wait3A_127 = arith.constant 0 : i32
            %dma_wait3A_128 = tpu.memref_slice %arg3[%dma_wait3A_127, %add3A_111] : memref<2x163840xi32, #tpu.memory_space<hbm>> -> memref<2x128xi32, #tpu.memory_space<hbm>>
            %dma_wait3A_129 = arith.constant 0 : i32
            %dma_wait3A_130 = tpu.memref_slice %arg3[%dma_wait3A_129, %add3A_111] : memref<2x163840xi32, #tpu.memory_space<hbm>> -> memref<2x128xi32, #tpu.memory_space<hbm>>
            tpu.wait_dma2 semaphore(%run_scoped3A_122 : memref<!tpu.dma_semaphore, #tpu.memory_space<semaphore_mem>>) src(%dma_wait3A_130 : memref<2x128xi32, #tpu.memory_space<hbm>>) dst(%arg8 : memref<2x128xi32, #tpu.memory_space<vmem>>)
            tpu.yield
          }) : () -> ()
          "tpu.region"() ({
            %run_scoped3A_122 = tpu.sem_alloc : memref<!tpu.dma_semaphore, #tpu.memory_space<semaphore_mem>>
            %dma_start3A_123 = tpu.memref_slice %arg4[%scan3A_12, %add3A_111] : memref<8x163840xf32, #tpu.memory_space<hbm>> -> memref<1x128xf32, #tpu.memory_space<hbm>>
            %dma_start3A_124 = tpu.memref_squeeze %dma_start3A_123 : memref<1x128xf32, #tpu.memory_space<hbm>> -> memref<128xf32, #tpu.memory_space<hbm>>
            %dma_start3A_125 = tpu.memref_slice %arg4[%scan3A_12, %add3A_111] : memref<8x163840xf32, #tpu.memory_space<hbm>> -> memref<1x128xf32, #tpu.memory_space<hbm>>
            %dma_start3A_126 = tpu.memref_squeeze %dma_start3A_125 : memref<1x128xf32, #tpu.memory_space<hbm>> -> memref<128xf32, #tpu.memory_space<hbm>>
            tpu.enqueue_dma source(%dma_start3A_126 : memref<128xf32, #tpu.memory_space<hbm>>) target(%arg12 : memref<128xf32, #tpu.memory_space<vmem>>) target_semaphore(%run_scoped3A_122 : memref<!tpu.dma_semaphore, #tpu.memory_space<semaphore_mem>>)
            %dma_wait3A_127 = tpu.memref_slice %arg4[%scan3A_12, %add3A_111] : memref<8x163840xf32, #tpu.memory_space<hbm>> -> memref<1x128xf32, #tpu.memory_space<hbm>>
            %dma_wait3A_128 = tpu.memref_squeeze %dma_wait3A_127 : memref<1x128xf32, #tpu.memory_space<hbm>> -> memref<128xf32, #tpu.memory_space<hbm>>
            %dma_wait3A_129 = tpu.memref_slice %arg4[%scan3A_12, %add3A_111] : memref<8x163840xf32, #tpu.memory_space<hbm>> -> memref<1x128xf32, #tpu.memory_space<hbm>>
            %dma_wait3A_130 = tpu.memref_squeeze %dma_wait3A_129 : memref<1x128xf32, #tpu.memory_space<hbm>> -> memref<128xf32, #tpu.memory_space<hbm>>
            tpu.wait_dma2 semaphore(%run_scoped3A_122 : memref<!tpu.dma_semaphore, #tpu.memory_space<semaphore_mem>>) src(%dma_wait3A_130 : memref<128xf32, #tpu.memory_space<hbm>>) dst(%arg12 : memref<128xf32, #tpu.memory_space<vmem>>)
            tpu.yield
          }) : () -> ()
          %scan3A_112 = arith.constant 0 : i32
          %scan3A_113 = arith.constant 0 : i32
          %scan3A_114 = arith.constant 8 : i32
          %scan3A_115 = arith.addi %scan3A_113, %scan3A_114 : i32
          %scan3A_116 = arith.constant 1 : i32
          %scan3A_117 = scf.for %scan3A_122 = %scan3A_113 to %scan3A_115 step %scan3A_116 iter_args(%scan3A_123 = %scan3A_112) -> (i32)  : i32 {
            %mul3A_124 = arith.constant 16 : i32
            %mul3A_125 = arith.muli %scan3A_122, %mul3A_124 : i32
            %get3A = arith.constant 1 : i32
            %get3A_126 = arith.index_cast %get3A : i32 to index
            %get3A_127 = arith.index_cast %mul3A_125 : i32 to index
            %get3A_128 = tpu.vector_load %arg8[%get3A_126, %get3A_127] {strides = array<i32>} : memref<2x128xi32, #tpu.memory_space<vmem>>, vector<16xi32>,
            %add3A_129 = vector.broadcast %mul3A_15 : i32 to vector<16xi32>
            %add3A_130 = arith.addi %get3A_128, %add3A_129 : vector<16xi32>
            %mul3A_131 = arith.constant 16 : i32
            %mul3A_132 = arith.muli %scan3A_122, %mul3A_131 : i32
            %swap3A = arith.index_cast %mul3A_132 : i32 to index
            %swap3A_133 = tpu.vector_load %arg10[%swap3A] {strides = array<i32>} : memref<128xi32, #tpu.memory_space<vmem>>, vector<16xi32>,
            tpu.vector_store %arg10[%swap3A], %add3A_130 {strides = array<i32>} : memref<128xi32, #tpu.memory_space<vmem>>, vector<16xi32>,
            %scan3A_134 = arith.constant 0 : i32
            scf.yield %scan3A_134 : i32
          }
          %scan3A_118 = arith.constant 8 : i32
          %dma_start3A_119 = arith.constant 0 : i32
          %dma_start3A_120 = arith.constant 0 : i32
          %dma_start3A_121 = tpu.memref_slice %arg2[%dma_start3A_119, %dma_start3A_120] : memref<80000x128xf32, #tpu.memory_space<hbm>> -> memref<80000x128xf32, #tpu.memory_space<hbm>>
          tpu.enqueue_indirect_dma source(%dma_start3A_121 : memref<80000x128xf32, #tpu.memory_space<hbm>>) target(%arg15 : memref<128x128xf32, #tpu.memory_space<vmem>>) offsets(%arg10 : memref<128xi32, #tpu.memory_space<vmem>>) semaphore(%arg18 : memref<!tpu.dma_semaphore, #tpu.memory_space<semaphore_mem>>)
        } else {
        }
        %scan3A_96 = arith.constant 0 : i32
        %scan3A_97 = arith.constant 0 : i32
        %scan3A_98 = arith.constant 8 : i32
        %scan3A_99 = arith.addi %scan3A_97, %scan3A_98 : i32
        %scan3A_100 = arith.constant 1 : i32
        %scan3A_101 = scf.for %scan3A_105 = %scan3A_97 to %scan3A_99 step %scan3A_100 iter_args(%scan3A_106 = %scan3A_96) -> (i32)  : i32 {
          %mul3A_107 = arith.constant 16 : i32
          %mul3A_108 = arith.muli %scan3A_105, %mul3A_107 : i32
          %get3A = arith.constant 0 : i32
          %get3A_109 = arith.index_cast %get3A : i32 to index
          %get3A_110 = arith.index_cast %mul3A_108 : i32 to index
          %get3A_111 = tpu.vector_load %arg9[%get3A_109, %get3A_110] {strides = array<i32>} : memref<2x128xi32, #tpu.memory_space<vmem>>, vector<16xi32>,
          %gather3A = tpu.vector_load_idx %arg7[%get3A_111] : memref<10000xf32, #tpu.memory_space<vmem>>[vector<16xi32>], vector<16xf32>,
          %mul3A_112 = arith.constant 16 : i32
          %mul3A_113 = arith.muli %scan3A_105, %mul3A_112 : i32
          %get3A_114 = arith.index_cast %mul3A_113 : i32 to index
          %get3A_115 = tpu.vector_load %arg13[%get3A_114] {strides = array<i32>} : memref<128xf32, #tpu.memory_space<vmem>>, vector<16xf32>,
          %mul3A_116 = arith.mulf %get3A_115, %gather3A : vector<16xf32>
          %swap3A = arith.constant 0 : index
          %swap3A_117 = tpu.vector_load %arg14[%swap3A] {strides = array<i32>} : memref<16xf32, #tpu.memory_space<vmem>>, vector<16xf32>,
          tpu.vector_store %arg14[%swap3A], %mul3A_116 {strides = array<i32>} : memref<16xf32, #tpu.memory_space<vmem>>, vector<16xf32>,
          %scan3A_118 = arith.constant 0 : i32
          %scan3A_119 = arith.constant 0 : i32
          %scan3A_120 = arith.constant 16 : i32
          %scan3A_121 = arith.addi %scan3A_119, %scan3A_120 : i32
          %scan3A_122 = arith.constant 1 : i32
          %scan3A_123 = scf.for %scan3A_126 = %scan3A_119 to %scan3A_121 step %scan3A_122 iter_args(%scan3A_127 = %scan3A_118) -> (i32)  : i32 {
            %broadcast_in_dim3A_128 = vector.broadcast %scan3A_126 : i32 to vector<16xi32>
            %gather3A_129 = tpu.vector_load_idx %arg14[%broadcast_in_dim3A_128] : memref<16xf32, #tpu.memory_space<vmem>>[vector<16xi32>], vector<16xf32>,
            %mul3A_130 = arith.constant 16 : i32
            %mul3A_131 = arith.muli %scan3A_105, %mul3A_130 : i32
            %add3A_132 = arith.addi %mul3A_131, %scan3A_126 : i32
            %get3A_133 = arith.index_cast %add3A_132 : i32 to index
            %get3A_134 = arith.constant 0 : index
            %get3A_135 = tpu.vector_load %arg16[%get3A_133, %get3A_134] {strides = array<i32>} : memref<128x128xf32, #tpu.memory_space<vmem>>, vector<16xf32>,
            %mul3A_136 = arith.mulf %get3A_135, %gather3A_129 : vector<16xf32>
            %swap3A_137 = arith.index_cast %add3A_132 : i32 to index
            %swap3A_138 = arith.constant 0 : index
            %swap3A_139 = tpu.vector_load %arg16[%swap3A_137, %swap3A_138] {strides = array<i32>} : memref<128x128xf32, #tpu.memory_space<vmem>>, vector<16xf32>,
            tpu.vector_store %arg16[%swap3A_137, %swap3A_138], %mul3A_136 {strides = array<i32>} : memref<128x128xf32, #tpu.memory_space<vmem>>, vector<16xf32>,
            %get3A_140 = arith.index_cast %add3A_132 : i32 to index
            %get3A_141 = arith.constant 16 : index
            %get3A_142 = tpu.vector_load %arg16[%get3A_140, %get3A_141] {strides = array<i32>} : memref<128x128xf32, #tpu.memory_space<vmem>>, vector<16xf32>,
            %mul3A_143 = arith.mulf %get3A_142, %gather3A_129 : vector<16xf32>
            %swap3A_144 = arith.index_cast %add3A_132 : i32 to index
            %swap3A_145 = arith.constant 16 : index
            %swap3A_146 = tpu.vector_load %arg16[%swap3A_144, %swap3A_145] {strides = array<i32>} : memref<128x128xf32, #tpu.memory_space<vmem>>, vector<16xf32>,
            tpu.vector_store %arg16[%swap3A_144, %swap3A_145], %mul3A_143 {strides = array<i32>} : memref<128x128xf32, #tpu.memory_space<vmem>>, vector<16xf32>,
            %get3A_147 = arith.index_cast %add3A_132 : i32 to index
            %get3A_148 = arith.constant 32 : index
            %get3A_149 = tpu.vector_load %arg16[%get3A_147, %get3A_148] {strides = array<i32>} : memref<128x128xf32, #tpu.memory_space<vmem>>, vector<16xf32>,
            %mul3A_150 = arith.mulf %get3A_149, %gather3A_129 : vector<16xf32>
            %swap3A_151 = arith.index_cast %add3A_132 : i32 to index
            %swap3A_152 = arith.constant 32 : index
            %swap3A_153 = tpu.vector_load %arg16[%swap3A_151, %swap3A_152] {strides = array<i32>} : memref<128x128xf32, #tpu.memory_space<vmem>>, vector<16xf32>,
            tpu.vector_store %arg16[%swap3A_151, %swap3A_152], %mul3A_150 {strides = array<i32>} : memref<128x128xf32, #tpu.memory_space<vmem>>, vector<16xf32>,
            %get3A_154 = arith.index_cast %add3A_132 : i32 to index
            %get3A_155 = arith.constant 48 : index
            %get3A_156 = tpu.vector_load %arg16[%get3A_154, %get3A_155] {strides = array<i32>} : memref<128x128xf32, #tpu.memory_space<vmem>>, vector<16xf32>,
            %mul3A_157 = arith.mulf %get3A_156, %gather3A_129 : vector<16xf32>
            %swap3A_158 = arith.index_cast %add3A_132 : i32 to index
            %swap3A_159 = arith.constant 48 : index
            %swap3A_160 = tpu.vector_load %arg16[%swap3A_158, %swap3A_159] {strides = array<i32>} : memref<128x128xf32, #tpu.memory_space<vmem>>, vector<16xf32>,
            tpu.vector_store %arg16[%swap3A_158, %swap3A_159], %mul3A_157 {strides = array<i32>} : memref<128x128xf32, #tpu.memory_space<vmem>>, vector<16xf32>,
            %get3A_161 = arith.index_cast %add3A_132 : i32 to index
            %get3A_162 = arith.constant 64 : index
            %get3A_163 = tpu.vector_load %arg16[%get3A_161, %get3A_162] {strides = array<i32>} : memref<128x128xf32, #tpu.memory_space<vmem>>, vector<16xf32>,
            %mul3A_164 = arith.mulf %get3A_163, %gather3A_129 : vector<16xf32>
            %swap3A_165 = arith.index_cast %add3A_132 : i32 to index
            %swap3A_166 = arith.constant 64 : index
            %swap3A_167 = tpu.vector_load %arg16[%swap3A_165, %swap3A_166] {strides = array<i32>} : memref<128x128xf32, #tpu.memory_space<vmem>>, vector<16xf32>,
            tpu.vector_store %arg16[%swap3A_165, %swap3A_166], %mul3A_164 {strides = array<i32>} : memref<128x128xf32, #tpu.memory_space<vmem>>, vector<16xf32>,
            %get3A_168 = arith.index_cast %add3A_132 : i32 to index
            %get3A_169 = arith.constant 80 : index
            %get3A_170 = tpu.vector_load %arg16[%get3A_168, %get3A_169] {strides = array<i32>} : memref<128x128xf32, #tpu.memory_space<vmem>>, vector<16xf32>,
            %mul3A_171 = arith.mulf %get3A_170, %gather3A_129 : vector<16xf32>
            %swap3A_172 = arith.index_cast %add3A_132 : i32 to index
            %swap3A_173 = arith.constant 80 : index
            %swap3A_174 = tpu.vector_load %arg16[%swap3A_172, %swap3A_173] {strides = array<i32>} : memref<128x128xf32, #tpu.memory_space<vmem>>, vector<16xf32>,
            tpu.vector_store %arg16[%swap3A_172, %swap3A_173], %mul3A_171 {strides = array<i32>} : memref<128x128xf32, #tpu.memory_space<vmem>>, vector<16xf32>,
            %get3A_175 = arith.index_cast %add3A_132 : i32 to index
            %get3A_176 = arith.constant 96 : index
            %get3A_177 = tpu.vector_load %arg16[%get3A_175, %get3A_176] {strides = array<i32>} : memref<128x128xf32, #tpu.memory_space<vmem>>, vector<16xf32>,
            %mul3A_178 = arith.mulf %get3A_177, %gather3A_129 : vector<16xf32>
            %swap3A_179 = arith.index_cast %add3A_132 : i32 to index
            %swap3A_180 = arith.constant 96 : index
            %swap3A_181 = tpu.vector_load %arg16[%swap3A_179, %swap3A_180] {strides = array<i32>} : memref<128x128xf32, #tpu.memory_space<vmem>>, vector<16xf32>,
            tpu.vector_store %arg16[%swap3A_179, %swap3A_180], %mul3A_178 {strides = array<i32>} : memref<128x128xf32, #tpu.memory_space<vmem>>, vector<16xf32>,
            %get3A_182 = arith.index_cast %add3A_132 : i32 to index
            %get3A_183 = arith.constant 112 : index
            %get3A_184 = tpu.vector_load %arg16[%get3A_182, %get3A_183] {strides = array<i32>} : memref<128x128xf32, #tpu.memory_space<vmem>>, vector<16xf32>,
            %mul3A_185 = arith.mulf %get3A_184, %gather3A_129 : vector<16xf32>
            %swap3A_186 = arith.index_cast %add3A_132 : i32 to index
            %swap3A_187 = arith.constant 112 : index
            %swap3A_188 = tpu.vector_load %arg16[%swap3A_186, %swap3A_187] {strides = array<i32>} : memref<128x128xf32, #tpu.memory_space<vmem>>, vector<16xf32>,
            tpu.vector_store %arg16[%swap3A_186, %swap3A_187], %mul3A_185 {strides = array<i32>} : memref<128x128xf32, #tpu.memory_space<vmem>>, vector<16xf32>,
            %scan3A_189 = arith.constant 0 : i32
            scf.yield %scan3A_189 : i32
          }
          %scan3A_124 = arith.constant 16 : i32
          %scan3A_125 = arith.constant 0 : i32
          scf.yield %scan3A_125 : i32
        }
        %scan3A_102 = arith.constant 8 : i32
        %run_scoped3A_103 = arith.constant 0 : i32
        "tpu.region"() ({
          %run_scoped3A_105 = tpu.sem_alloc : memref<!tpu.dma_semaphore, #tpu.memory_space<semaphore_mem>>
          %dma_start3A_106 = arith.constant 0 : i32
          %dma_start3A_107 = tpu.memref_slice %arg9[%run_scoped3A_103, %dma_start3A_106] : memref<2x128xi32, #tpu.memory_space<vmem>> -> memref<1x128xi32, #tpu.memory_space<vmem>>
          %dma_start3A_108 = tpu.memref_squeeze %dma_start3A_107 : memref<1x128xi32, #tpu.memory_space<vmem>> -> memref<128xi32, #tpu.memory_space<vmem>>
          %dma_start3A_109 = arith.constant 0 : i32
          %dma_start3A_110 = arith.constant 0 : i32
          %dma_start3A_111 = tpu.memref_slice %arg17[%dma_start3A_109, %dma_start3A_110] : memref<10000x128xf32, #tpu.memory_space<vmem_shared>> -> memref<10000x128xf32, #tpu.memory_space<vmem_shared>>
          tpu.enqueue_indirect_dma source(%arg16 : memref<128x128xf32, #tpu.memory_space<vmem>>) target(%dma_start3A_111 : memref<10000x128xf32, #tpu.memory_space<vmem_shared>>) offsets(%dma_start3A_108 : memref<128xi32, #tpu.memory_space<vmem>>) semaphore(%run_scoped3A_105 : memref<!tpu.dma_semaphore, #tpu.memory_space<semaphore_mem>>) {add = true}
          %dma_wait3A_112 = arith.constant 0 : i32
          %dma_wait3A_113 = tpu.memref_slice %arg9[%run_scoped3A_103, %dma_wait3A_112] : memref<2x128xi32, #tpu.memory_space<vmem>> -> memref<1x128xi32, #tpu.memory_space<vmem>>
          %dma_wait3A_114 = tpu.memref_squeeze %dma_wait3A_113 : memref<1x128xi32, #tpu.memory_space<vmem>> -> memref<128xi32, #tpu.memory_space<vmem>>
          %dma_wait3A_115 = arith.constant 0 : i32
          %dma_wait3A_116 = arith.constant 0 : i32
          %dma_wait3A_117 = tpu.memref_slice %arg17[%dma_wait3A_115, %dma_wait3A_116] : memref<10000x128xf32, #tpu.memory_space<vmem_shared>> -> memref<10000x128xf32, #tpu.memory_space<vmem_shared>>
          tpu.wait_indirect_dma semaphore(%run_scoped3A_105 : memref<!tpu.dma_semaphore, #tpu.memory_space<semaphore_mem>>) src(%arg16 : memref<128x128xf32, #tpu.memory_space<vmem>>) dst(%dma_wait3A_117 : memref<10000x128xf32, #tpu.memory_space<vmem_shared>>)
          tpu.yield
        }) : () -> ()
        %scan3A_104 = arith.constant 0 : i32
        scf.yield %scan3A_104 : i32
      }
      %scan3A_46 = arith.constant 20 : i32
      %barrier3A_47 = arith.constant 0 : index
      tpu.barrier barrier_id(%barrier3A_47)
      %lt3A_48 = arith.constant 15 : i32
      %lt3A_49 = arith.cmpi slt, %arg1, %lt3A_48 : i32
      %convert_element_type3A_50 = arith.extui %lt3A_49 : i1 to i32
      %cond3A_51 = arith.constant 0 : i32
      %cond3A_52 = arith.cmpi ne, %convert_element_type3A_50, %cond3A_51 : i32
      scf.if %cond3A_52 {
        "tpu.region"() ({
          %run_scoped3A = tpu.sem_alloc : memref<!tpu.dma_semaphore, #tpu.memory_space<semaphore_mem>>
          %dma_start3A_60 = arith.constant 0 : i32
          %dma_start3A_61 = tpu.memref_slice %arg6[%arg0, %scan3A_12, %mul3A_4, %dma_start3A_60] : memref<2x8x10000x128xf32, #tpu.memory_space<hbm>> -> memref<1x1x624x128xf32, #tpu.memory_space<hbm>>
          %dma_start3A_62 = tpu.memref_squeeze %dma_start3A_61 : memref<1x1x624x128xf32, #tpu.memory_space<hbm>> -> memref<624x128xf32, #tpu.memory_space<hbm>>
          %dma_start3A_63 = arith.constant 0 : i32
          %dma_start3A_64 = tpu.memref_slice %arg17[%mul3A_4, %dma_start3A_63] : memref<10000x128xf32, #tpu.memory_space<vmem_shared>> -> memref<624x128xf32, #tpu.memory_space<vmem_shared>>
          tpu.enqueue_dma source(%dma_start3A_64 : memref<624x128xf32, #tpu.memory_space<vmem_shared>>) target(%dma_start3A_62 : memref<624x128xf32, #tpu.memory_space<hbm>>) target_semaphore(%run_scoped3A : memref<!tpu.dma_semaphore, #tpu.memory_space<semaphore_mem>>)
          %dma_wait3A = arith.constant 0 : i32
          %dma_wait3A_65 = tpu.memref_slice %arg6[%arg0, %scan3A_12, %mul3A_4, %dma_wait3A] : memref<2x8x10000x128xf32, #tpu.memory_space<hbm>> -> memref<1x1x624x128xf32, #tpu.memory_space<hbm>>
          %dma_wait3A_66 = tpu.memref_squeeze %dma_wait3A_65 : memref<1x1x624x128xf32, #tpu.memory_space<hbm>> -> memref<624x128xf32, #tpu.memory_space<hbm>>
          %dma_wait3A_67 = arith.constant 0 : i32
          %dma_wait3A_68 = tpu.memref_slice %arg17[%mul3A_4, %dma_wait3A_67] : memref<10000x128xf32, #tpu.memory_space<vmem_shared>> -> memref<624x128xf32, #tpu.memory_space<vmem_shared>>
          tpu.wait_dma2 semaphore(%run_scoped3A : memref<!tpu.dma_semaphore, #tpu.memory_space<semaphore_mem>>) src(%dma_wait3A_68 : memref<624x128xf32, #tpu.memory_space<vmem_shared>>) dst(%dma_wait3A_66 : memref<624x128xf32, #tpu.memory_space<hbm>>)
          tpu.yield
        }) : () -> ()
      } else {
      }
      %eq3A_53 = arith.constant 15 : i32
      %eq3A_54 = arith.cmpi eq, %arg1, %eq3A_53 : i32
      %convert_element_type3A_55 = arith.extui %eq3A_54 : i1 to i32
      %cond3A_56 = arith.constant 0 : i32
      %cond3A_57 = arith.cmpi ne, %convert_element_type3A_55, %cond3A_56 : i32
      scf.if %cond3A_57 {
        "tpu.region"() ({
          %run_scoped3A = tpu.sem_alloc : memref<!tpu.dma_semaphore, #tpu.memory_space<semaphore_mem>>
          %dma_start3A_60 = arith.constant 0 : i32
          %dma_start3A_61 = tpu.memref_slice %arg6[%arg0, %scan3A_12, %mul3A_4, %dma_start3A_60] : memref<2x8x10000x128xf32, #tpu.memory_space<hbm>> -> memref<1x1x640x128xf32, #tpu.memory_space<hbm>>
          %dma_start3A_62 = tpu.memref_squeeze %dma_start3A_61 : memref<1x1x640x128xf32, #tpu.memory_space<hbm>> -> memref<640x128xf32, #tpu.memory_space<hbm>>
          %dma_start3A_63 = arith.constant 0 : i32
          %dma_start3A_64 = tpu.memref_slice %arg17[%mul3A_4, %dma_start3A_63] : memref<10000x128xf32, #tpu.memory_space<vmem_shared>> -> memref<640x128xf32, #tpu.memory_space<vmem_shared>>
          tpu.enqueue_dma source(%dma_start3A_64 : memref<640x128xf32, #tpu.memory_space<vmem_shared>>) target(%dma_start3A_62 : memref<640x128xf32, #tpu.memory_space<hbm>>) target_semaphore(%run_scoped3A : memref<!tpu.dma_semaphore, #tpu.memory_space<semaphore_mem>>)
          %dma_wait3A = arith.constant 0 : i32
          %dma_wait3A_65 = tpu.memref_slice %arg6[%arg0, %scan3A_12, %mul3A_4, %dma_wait3A] : memref<2x8x10000x128xf32, #tpu.memory_space<hbm>> -> memref<1x1x640x128xf32, #tpu.memory_space<hbm>>
          %dma_wait3A_66 = tpu.memref_squeeze %dma_wait3A_65 : memref<1x1x640x128xf32, #tpu.memory_space<hbm>> -> memref<640x128xf32, #tpu.memory_space<hbm>>
          %dma_wait3A_67 = arith.constant 0 : i32
          %dma_wait3A_68 = tpu.memref_slice %arg17[%mul3A_4, %dma_wait3A_67] : memref<10000x128xf32, #tpu.memory_space<vmem_shared>> -> memref<640x128xf32, #tpu.memory_space<vmem_shared>>
          tpu.wait_dma2 semaphore(%run_scoped3A : memref<!tpu.dma_semaphore, #tpu.memory_space<semaphore_mem>>) src(%dma_wait3A_68 : memref<640x128xf32, #tpu.memory_space<vmem_shared>>) dst(%dma_wait3A_66 : memref<640x128xf32, #tpu.memory_space<hbm>>)
          tpu.yield
        }) : () -> ()
      } else {
      }
      %barrier3A_58 = arith.constant 0 : index
      tpu.barrier barrier_id(%barrier3A_58)
      %scan3A_59 = arith.constant 0 : i32
      scf.yield %scan3A_59 : i32
    }
    %scan3A_11 = arith.constant 8 : i32
    return
  }
}

module attributes {stable_mosaic.version = 14 : i64} {
  func.func @_proj_body(%arg0: i32, %arg1: memref<1000x128xf32, #tpu.memory_space<vmem>>, %arg2: memref<128x2048xf32, #tpu.memory_space<vmem>>, %arg3: memref<1x2048xf32, #tpu.memory_space<vmem>>, %arg4: memref<1000x2048xf32, #tpu.memory_space<vmem>>) attributes {dimension_semantics = [#tpu.dimension_semantics<arbitrary>], iteration_bounds = array<i64: 10>, scalar_prefetch = 0 : i64, scratch_operands = 0 : i64, tpu.core_type = #tpu.core_type<tc>, window_params = [{transform_indices = @transform_0, window_bounds = array<i64: 1000, 128>}, {pipeline_mode = #tpu.pipeline_mode<synchronous>, transform_indices = @transform_1, window_bounds = array<i64: 128, 2048>}, {pipeline_mode = #tpu.pipeline_mode<synchronous>, transform_indices = @transform_2, window_bounds = array<i64: 1, 2048>}, {transform_indices = @transform_3, window_bounds = array<i64: 1000, 2048>}]} {
    %get3A = arith.constant 0 : index
    %get3A_0 = arith.constant 0 : index
    %get3A_1 = vector.load %arg1[%get3A, %get3A_0] : memref<1000x128xf32, #tpu.memory_space<vmem>>, vector<1000x128xf32>
    %get3A_2 = arith.constant 0 : index
    %get3A_3 = arith.constant 0 : index
    %get3A_4 = vector.load %arg2[%get3A_2, %get3A_3] : memref<128x2048xf32, #tpu.memory_space<vmem>>, vector<128x2048xf32>
    %dot_general3A = arith.constant dense<0.000000e+00> : vector<1000x2048xf32>
    %dot_general3A_5 = tpu.matmul %get3A_1, %get3A_4, %dot_general3A {dimension_numbers = #tpu.dot_dimension_numbers<[1], [0], [0], [1], [0, 0, 1, 1], [], []>, transpose_lhs_hint = false} : vector<1000x128xf32>, vector<128x2048xf32>, vector<1000x2048xf32> -> vector<1000x2048xf32>
    %get3A_6 = arith.constant 0 : index
    %get3A_7 = arith.constant 0 : index
    %get3A_8 = vector.load %arg3[%get3A_6, %get3A_7] : memref<1x2048xf32, #tpu.memory_space<vmem>>, vector<1x2048xf32>
    %add3A = vector.broadcast %get3A_8 : vector<1x2048xf32> to vector<1000x2048xf32>
    %add3A_9 = arith.addf %dot_general3A_5, %add3A : vector<1000x2048xf32>
    %swap3A = arith.constant 0 : index
    %swap3A_10 = arith.constant 0 : index
    %swap3A_11 = vector.load %arg4[%swap3A, %swap3A_10] : memref<1000x2048xf32, #tpu.memory_space<vmem>>, vector<1000x2048xf32>
    tpu.vector_store %arg4[%swap3A, %swap3A_10], %add3A_9 {strides = array<i32>} : memref<1000x2048xf32, #tpu.memory_space<vmem>>, vector<1000x2048xf32>,
    return
  }
  func.func @transform_0(%arg0: i32) -> (i32, i32) {
    %c0_i32 = arith.constant 0 : i32
    %c0_i32_0 = arith.constant 0 : i32
    return %arg0, %c0_i32 : i32, i32
  }
  func.func @transform_1(%arg0: i32) -> (i32, i32) {
    %c0_i32 = arith.constant 0 : i32
    %c0_i32_0 = arith.constant 0 : i32
    %c0_i32_1 = arith.constant 0 : i32
    return %c0_i32, %c0_i32_0 : i32, i32
  }
  func.func @transform_2(%arg0: i32) -> (i32, i32) {
    %c0_i32 = arith.constant 0 : i32
    %c0_i32_0 = arith.constant 0 : i32
    %c0_i32_1 = arith.constant 0 : i32
    return %c0_i32, %c0_i32_0 : i32, i32
  }
  func.func @transform_3(%arg0: i32) -> (i32, i32) {
    %c0_i32 = arith.constant 0 : i32
    %c0_i32_0 = arith.constant 0 : i32
    return %arg0, %c0_i32 : i32, i32
  }
}

module attributes {stable_mosaic.version = 14 : i64} {
  func.func @_att_body(%arg0: i32, %arg1: memref<1x1x2000xi32, #tpu.memory_space<smem>>, %arg2: memref<1x1x2000xi32, #tpu.memory_space<smem>>, %arg3: memref<10000x512xf32, #tpu.memory_space<vmem>>, %arg4: memref<10000x512xf32, #tpu.memory_space<vmem>>, %arg5: memref<2000x8xf32, #tpu.memory_space<vmem>>, %arg6: memref<1x1x8xf32, #tpu.memory_space<vmem>>, %arg7: memref<2000x512xf32, #tpu.memory_space<vmem>>) attributes {dimension_semantics = [#tpu.dimension_semantics<arbitrary>], iteration_bounds = array<i64: 80>, scalar_prefetch = 0 : i64, scratch_operands = 1 : i64, tpu.core_type = #tpu.core_type<tc>, window_params = [{transform_indices = @transform_0, window_bounds = array<i64: 1, 1, 2000>}, {transform_indices = @transform_1, window_bounds = array<i64: 1, 1, 2000>}, {pipeline_mode = #tpu.pipeline_mode<synchronous>, transform_indices = @transform_2, window_bounds = array<i64: 10000, 512>}, {pipeline_mode = #tpu.pipeline_mode<synchronous>, transform_indices = @transform_3, window_bounds = array<i64: 10000, 512>}, {transform_indices = @transform_4, window_bounds = array<i64: 2000, 8>}, {transform_indices = @transform_5, window_bounds = array<i64: 1, 1, 8>}]} {
    %scan3A = arith.constant 0 : i32
    %scan3A_0 = arith.constant 2000 : i32
    %scan3A_1 = arith.addi %scan3A, %scan3A_0 : i32
    %scan3A_2 = arith.constant 16 : i32
    scf.for %scan3A_40 = %scan3A to %scan3A_1 step %scan3A_2  : i32 {
      %get3A_41 = arith.constant 0 : index
      %get3A_42 = arith.constant 0 : index
      %get3A_43 = arith.index_cast %scan3A_40 : i32 to index
      %get3A_44 = memref.load %arg1[%get3A_41, %get3A_42, %get3A_43] : memref<1x1x2000xi32, #tpu.memory_space<smem>>
      %get3A_45 = arith.constant 0 : index
      %get3A_46 = arith.constant 0 : index
      %get3A_47 = arith.index_cast %scan3A_40 : i32 to index
      %get3A_48 = memref.load %arg2[%get3A_45, %get3A_46, %get3A_47] : memref<1x1x2000xi32, #tpu.memory_space<smem>>
      %get3A_49 = arith.index_cast %get3A_44 : i32 to index
      %get3A_50 = arith.constant 0 : index
      %get3A_51 = vector.load %arg3[%get3A_49, %get3A_50] : memref<10000x512xf32, #tpu.memory_space<vmem>>, vector<1x512xf32>
      %get3A_52 = arith.index_cast %get3A_48 : i32 to index
      %get3A_53 = arith.constant 0 : index
      %get3A_54 = vector.load %arg4[%get3A_52, %get3A_53] : memref<10000x512xf32, #tpu.memory_space<vmem>>, vector<1x512xf32>
      %mul3A = arith.mulf %get3A_51, %get3A_54 : vector<1x512xf32>
      %swap3A_55 = arith.index_cast %scan3A_40 : i32 to index
      %swap3A_56 = arith.constant 0 : index
      %swap3A_57 = vector.load %arg7[%swap3A_55, %swap3A_56] : memref<2000x512xf32, #tpu.memory_space<vmem>>, vector<1x512xf32>
      tpu.vector_store %arg7[%swap3A_55, %swap3A_56], %mul3A {strides = array<i32>} : memref<2000x512xf32, #tpu.memory_space<vmem>>, vector<1x512xf32>,
      %scan3A_58 = arith.constant 1 : i32
      %scan3A_59 = arith.addi %scan3A_40, %scan3A_58 : i32
      %get3A_60 = arith.constant 0 : index
      %get3A_61 = arith.constant 0 : index
      %get3A_62 = arith.index_cast %scan3A_59 : i32 to index
      %get3A_63 = memref.load %arg1[%get3A_60, %get3A_61, %get3A_62] : memref<1x1x2000xi32, #tpu.memory_space<smem>>
      %get3A_64 = arith.constant 0 : index
      %get3A_65 = arith.constant 0 : index
      %get3A_66 = arith.index_cast %scan3A_59 : i32 to index
      %get3A_67 = memref.load %arg2[%get3A_64, %get3A_65, %get3A_66] : memref<1x1x2000xi32, #tpu.memory_space<smem>>
      %get3A_68 = arith.index_cast %get3A_63 : i32 to index
      %get3A_69 = arith.constant 0 : index
      %get3A_70 = vector.load %arg3[%get3A_68, %get3A_69] : memref<10000x512xf32, #tpu.memory_space<vmem>>, vector<1x512xf32>
      %get3A_71 = arith.index_cast %get3A_67 : i32 to index
      %get3A_72 = arith.constant 0 : index
      %get3A_73 = vector.load %arg4[%get3A_71, %get3A_72] : memref<10000x512xf32, #tpu.memory_space<vmem>>, vector<1x512xf32>
      %mul3A_74 = arith.mulf %get3A_70, %get3A_73 : vector<1x512xf32>
      %swap3A_75 = arith.index_cast %scan3A_59 : i32 to index
      %swap3A_76 = arith.constant 0 : index
      %swap3A_77 = vector.load %arg7[%swap3A_75, %swap3A_76] : memref<2000x512xf32, #tpu.memory_space<vmem>>, vector<1x512xf32>
      tpu.vector_store %arg7[%swap3A_75, %swap3A_76], %mul3A_74 {strides = array<i32>} : memref<2000x512xf32, #tpu.memory_space<vmem>>, vector<1x512xf32>,
      %scan3A_78 = arith.constant 2 : i32
      %scan3A_79 = arith.addi %scan3A_40, %scan3A_78 : i32
      %get3A_80 = arith.constant 0 : index
      %get3A_81 = arith.constant 0 : index
      %get3A_82 = arith.index_cast %scan3A_79 : i32 to index
      %get3A_83 = memref.load %arg1[%get3A_80, %get3A_81, %get3A_82] : memref<1x1x2000xi32, #tpu.memory_space<smem>>
      %get3A_84 = arith.constant 0 : index
      %get3A_85 = arith.constant 0 : index
      %get3A_86 = arith.index_cast %scan3A_79 : i32 to index
      %get3A_87 = memref.load %arg2[%get3A_84, %get3A_85, %get3A_86] : memref<1x1x2000xi32, #tpu.memory_space<smem>>
      %get3A_88 = arith.index_cast %get3A_83 : i32 to index
      %get3A_89 = arith.constant 0 : index
      %get3A_90 = vector.load %arg3[%get3A_88, %get3A_89] : memref<10000x512xf32, #tpu.memory_space<vmem>>, vector<1x512xf32>
      %get3A_91 = arith.index_cast %get3A_87 : i32 to index
      %get3A_92 = arith.constant 0 : index
      %get3A_93 = vector.load %arg4[%get3A_91, %get3A_92] : memref<10000x512xf32, #tpu.memory_space<vmem>>, vector<1x512xf32>
      %mul3A_94 = arith.mulf %get3A_90, %get3A_93 : vector<1x512xf32>
      %swap3A_95 = arith.index_cast %scan3A_79 : i32 to index
      %swap3A_96 = arith.constant 0 : index
      %swap3A_97 = vector.load %arg7[%swap3A_95, %swap3A_96] : memref<2000x512xf32, #tpu.memory_space<vmem>>, vector<1x512xf32>
      tpu.vector_store %arg7[%swap3A_95, %swap3A_96], %mul3A_94 {strides = array<i32>} : memref<2000x512xf32, #tpu.memory_space<vmem>>, vector<1x512xf32>,
      %scan3A_98 = arith.constant 3 : i32
      %scan3A_99 = arith.addi %scan3A_40, %scan3A_98 : i32
      %get3A_100 = arith.constant 0 : index
      %get3A_101 = arith.constant 0 : index
      %get3A_102 = arith.index_cast %scan3A_99 : i32 to index
      %get3A_103 = memref.load %arg1[%get3A_100, %get3A_101, %get3A_102] : memref<1x1x2000xi32, #tpu.memory_space<smem>>
      %get3A_104 = arith.constant 0 : index
      %get3A_105 = arith.constant 0 : index
      %get3A_106 = arith.index_cast %scan3A_99 : i32 to index
      %get3A_107 = memref.load %arg2[%get3A_104, %get3A_105, %get3A_106] : memref<1x1x2000xi32, #tpu.memory_space<smem>>
      %get3A_108 = arith.index_cast %get3A_103 : i32 to index
      %get3A_109 = arith.constant 0 : index
      %get3A_110 = vector.load %arg3[%get3A_108, %get3A_109] : memref<10000x512xf32, #tpu.memory_space<vmem>>, vector<1x512xf32>
      %get3A_111 = arith.index_cast %get3A_107 : i32 to index
      %get3A_112 = arith.constant 0 : index
      %get3A_113 = vector.load %arg4[%get3A_111, %get3A_112] : memref<10000x512xf32, #tpu.memory_space<vmem>>, vector<1x512xf32>
      %mul3A_114 = arith.mulf %get3A_110, %get3A_113 : vector<1x512xf32>
      %swap3A_115 = arith.index_cast %scan3A_99 : i32 to index
      %swap3A_116 = arith.constant 0 : index
      %swap3A_117 = vector.load %arg7[%swap3A_115, %swap3A_116] : memref<2000x512xf32, #tpu.memory_space<vmem>>, vector<1x512xf32>
      tpu.vector_store %arg7[%swap3A_115, %swap3A_116], %mul3A_114 {strides = array<i32>} : memref<2000x512xf32, #tpu.memory_space<vmem>>, vector<1x512xf32>,
      %scan3A_118 = arith.constant 4 : i32
      %scan3A_119 = arith.addi %scan3A_40, %scan3A_118 : i32
      %get3A_120 = arith.constant 0 : index
      %get3A_121 = arith.constant 0 : index
      %get3A_122 = arith.index_cast %scan3A_119 : i32 to index
      %get3A_123 = memref.load %arg1[%get3A_120, %get3A_121, %get3A_122] : memref<1x1x2000xi32, #tpu.memory_space<smem>>
      %get3A_124 = arith.constant 0 : index
      %get3A_125 = arith.constant 0 : index
      %get3A_126 = arith.index_cast %scan3A_119 : i32 to index
      %get3A_127 = memref.load %arg2[%get3A_124, %get3A_125, %get3A_126] : memref<1x1x2000xi32, #tpu.memory_space<smem>>
      %get3A_128 = arith.index_cast %get3A_123 : i32 to index
      %get3A_129 = arith.constant 0 : index
      %get3A_130 = vector.load %arg3[%get3A_128, %get3A_129] : memref<10000x512xf32, #tpu.memory_space<vmem>>, vector<1x512xf32>
      %get3A_131 = arith.index_cast %get3A_127 : i32 to index
      %get3A_132 = arith.constant 0 : index
      %get3A_133 = vector.load %arg4[%get3A_131, %get3A_132] : memref<10000x512xf32, #tpu.memory_space<vmem>>, vector<1x512xf32>
      %mul3A_134 = arith.mulf %get3A_130, %get3A_133 : vector<1x512xf32>
      %swap3A_135 = arith.index_cast %scan3A_119 : i32 to index
      %swap3A_136 = arith.constant 0 : index
      %swap3A_137 = vector.load %arg7[%swap3A_135, %swap3A_136] : memref<2000x512xf32, #tpu.memory_space<vmem>>, vector<1x512xf32>
      tpu.vector_store %arg7[%swap3A_135, %swap3A_136], %mul3A_134 {strides = array<i32>} : memref<2000x512xf32, #tpu.memory_space<vmem>>, vector<1x512xf32>,
      %scan3A_138 = arith.constant 5 : i32
      %scan3A_139 = arith.addi %scan3A_40, %scan3A_138 : i32
      %get3A_140 = arith.constant 0 : index
      %get3A_141 = arith.constant 0 : index
      %get3A_142 = arith.index_cast %scan3A_139 : i32 to index
      %get3A_143 = memref.load %arg1[%get3A_140, %get3A_141, %get3A_142] : memref<1x1x2000xi32, #tpu.memory_space<smem>>
      %get3A_144 = arith.constant 0 : index
      %get3A_145 = arith.constant 0 : index
      %get3A_146 = arith.index_cast %scan3A_139 : i32 to index
      %get3A_147 = memref.load %arg2[%get3A_144, %get3A_145, %get3A_146] : memref<1x1x2000xi32, #tpu.memory_space<smem>>
      %get3A_148 = arith.index_cast %get3A_143 : i32 to index
      %get3A_149 = arith.constant 0 : index
      %get3A_150 = vector.load %arg3[%get3A_148, %get3A_149] : memref<10000x512xf32, #tpu.memory_space<vmem>>, vector<1x512xf32>
      %get3A_151 = arith.index_cast %get3A_147 : i32 to index
      %get3A_152 = arith.constant 0 : index
      %get3A_153 = vector.load %arg4[%get3A_151, %get3A_152] : memref<10000x512xf32, #tpu.memory_space<vmem>>, vector<1x512xf32>
      %mul3A_154 = arith.mulf %get3A_150, %get3A_153 : vector<1x512xf32>
      %swap3A_155 = arith.index_cast %scan3A_139 : i32 to index
      %swap3A_156 = arith.constant 0 : index
      %swap3A_157 = vector.load %arg7[%swap3A_155, %swap3A_156] : memref<2000x512xf32, #tpu.memory_space<vmem>>, vector<1x512xf32>
      tpu.vector_store %arg7[%swap3A_155, %swap3A_156], %mul3A_154 {strides = array<i32>} : memref<2000x512xf32, #tpu.memory_space<vmem>>, vector<1x512xf32>,
      %scan3A_158 = arith.constant 6 : i32
      %scan3A_159 = arith.addi %scan3A_40, %scan3A_158 : i32
      %get3A_160 = arith.constant 0 : index
      %get3A_161 = arith.constant 0 : index
      %get3A_162 = arith.index_cast %scan3A_159 : i32 to index
      %get3A_163 = memref.load %arg1[%get3A_160, %get3A_161, %get3A_162] : memref<1x1x2000xi32, #tpu.memory_space<smem>>
      %get3A_164 = arith.constant 0 : index
      %get3A_165 = arith.constant 0 : index
      %get3A_166 = arith.index_cast %scan3A_159 : i32 to index
      %get3A_167 = memref.load %arg2[%get3A_164, %get3A_165, %get3A_166] : memref<1x1x2000xi32, #tpu.memory_space<smem>>
      %get3A_168 = arith.index_cast %get3A_163 : i32 to index
      %get3A_169 = arith.constant 0 : index
      %get3A_170 = vector.load %arg3[%get3A_168, %get3A_169] : memref<10000x512xf32, #tpu.memory_space<vmem>>, vector<1x512xf32>
      %get3A_171 = arith.index_cast %get3A_167 : i32 to index
      %get3A_172 = arith.constant 0 : index
      %get3A_173 = vector.load %arg4[%get3A_171, %get3A_172] : memref<10000x512xf32, #tpu.memory_space<vmem>>, vector<1x512xf32>
      %mul3A_174 = arith.mulf %get3A_170, %get3A_173 : vector<1x512xf32>
      %swap3A_175 = arith.index_cast %scan3A_159 : i32 to index
      %swap3A_176 = arith.constant 0 : index
      %swap3A_177 = vector.load %arg7[%swap3A_175, %swap3A_176] : memref<2000x512xf32, #tpu.memory_space<vmem>>, vector<1x512xf32>
      tpu.vector_store %arg7[%swap3A_175, %swap3A_176], %mul3A_174 {strides = array<i32>} : memref<2000x512xf32, #tpu.memory_space<vmem>>, vector<1x512xf32>,
      %scan3A_178 = arith.constant 7 : i32
      %scan3A_179 = arith.addi %scan3A_40, %scan3A_178 : i32
      %get3A_180 = arith.constant 0 : index
      %get3A_181 = arith.constant 0 : index
      %get3A_182 = arith.index_cast %scan3A_179 : i32 to index
      %get3A_183 = memref.load %arg1[%get3A_180, %get3A_181, %get3A_182] : memref<1x1x2000xi32, #tpu.memory_space<smem>>
      %get3A_184 = arith.constant 0 : index
      %get3A_185 = arith.constant 0 : index
      %get3A_186 = arith.index_cast %scan3A_179 : i32 to index
      %get3A_187 = memref.load %arg2[%get3A_184, %get3A_185, %get3A_186] : memref<1x1x2000xi32, #tpu.memory_space<smem>>
      %get3A_188 = arith.index_cast %get3A_183 : i32 to index
      %get3A_189 = arith.constant 0 : index
      %get3A_190 = vector.load %arg3[%get3A_188, %get3A_189] : memref<10000x512xf32, #tpu.memory_space<vmem>>, vector<1x512xf32>
      %get3A_191 = arith.index_cast %get3A_187 : i32 to index
      %get3A_192 = arith.constant 0 : index
      %get3A_193 = vector.load %arg4[%get3A_191, %get3A_192] : memref<10000x512xf32, #tpu.memory_space<vmem>>, vector<1x512xf32>
      %mul3A_194 = arith.mulf %get3A_190, %get3A_193 : vector<1x512xf32>
      %swap3A_195 = arith.index_cast %scan3A_179 : i32 to index
      %swap3A_196 = arith.constant 0 : index
      %swap3A_197 = vector.load %arg7[%swap3A_195, %swap3A_196] : memref<2000x512xf32, #tpu.memory_space<vmem>>, vector<1x512xf32>
      tpu.vector_store %arg7[%swap3A_195, %swap3A_196], %mul3A_194 {strides = array<i32>} : memref<2000x512xf32, #tpu.memory_space<vmem>>, vector<1x512xf32>,
      %scan3A_198 = arith.constant 8 : i32
      %scan3A_199 = arith.addi %scan3A_40, %scan3A_198 : i32
      %get3A_200 = arith.constant 0 : index
      %get3A_201 = arith.constant 0 : index
      %get3A_202 = arith.index_cast %scan3A_199 : i32 to index
      %get3A_203 = memref.load %arg1[%get3A_200, %get3A_201, %get3A_202] : memref<1x1x2000xi32, #tpu.memory_space<smem>>
      %get3A_204 = arith.constant 0 : index
      %get3A_205 = arith.constant 0 : index
      %get3A_206 = arith.index_cast %scan3A_199 : i32 to index
      %get3A_207 = memref.load %arg2[%get3A_204, %get3A_205, %get3A_206] : memref<1x1x2000xi32, #tpu.memory_space<smem>>
      %get3A_208 = arith.index_cast %get3A_203 : i32 to index
      %get3A_209 = arith.constant 0 : index
      %get3A_210 = vector.load %arg3[%get3A_208, %get3A_209] : memref<10000x512xf32, #tpu.memory_space<vmem>>, vector<1x512xf32>
      %get3A_211 = arith.index_cast %get3A_207 : i32 to index
      %get3A_212 = arith.constant 0 : index
      %get3A_213 = vector.load %arg4[%get3A_211, %get3A_212] : memref<10000x512xf32, #tpu.memory_space<vmem>>, vector<1x512xf32>
      %mul3A_214 = arith.mulf %get3A_210, %get3A_213 : vector<1x512xf32>
      %swap3A_215 = arith.index_cast %scan3A_199 : i32 to index
      %swap3A_216 = arith.constant 0 : index
      %swap3A_217 = vector.load %arg7[%swap3A_215, %swap3A_216] : memref<2000x512xf32, #tpu.memory_space<vmem>>, vector<1x512xf32>
      tpu.vector_store %arg7[%swap3A_215, %swap3A_216], %mul3A_214 {strides = array<i32>} : memref<2000x512xf32, #tpu.memory_space<vmem>>, vector<1x512xf32>,
      %scan3A_218 = arith.constant 9 : i32
      %scan3A_219 = arith.addi %scan3A_40, %scan3A_218 : i32
      %get3A_220 = arith.constant 0 : index
      %get3A_221 = arith.constant 0 : index
      %get3A_222 = arith.index_cast %scan3A_219 : i32 to index
      %get3A_223 = memref.load %arg1[%get3A_220, %get3A_221, %get3A_222] : memref<1x1x2000xi32, #tpu.memory_space<smem>>
      %get3A_224 = arith.constant 0 : index
      %get3A_225 = arith.constant 0 : index
      %get3A_226 = arith.index_cast %scan3A_219 : i32 to index
      %get3A_227 = memref.load %arg2[%get3A_224, %get3A_225, %get3A_226] : memref<1x1x2000xi32, #tpu.memory_space<smem>>
      %get3A_228 = arith.index_cast %get3A_223 : i32 to index
      %get3A_229 = arith.constant 0 : index
      %get3A_230 = vector.load %arg3[%get3A_228, %get3A_229] : memref<10000x512xf32, #tpu.memory_space<vmem>>, vector<1x512xf32>
      %get3A_231 = arith.index_cast %get3A_227 : i32 to index
      %get3A_232 = arith.constant 0 : index
      %get3A_233 = vector.load %arg4[%get3A_231, %get3A_232] : memref<10000x512xf32, #tpu.memory_space<vmem>>, vector<1x512xf32>
      %mul3A_234 = arith.mulf %get3A_230, %get3A_233 : vector<1x512xf32>
      %swap3A_235 = arith.index_cast %scan3A_219 : i32 to index
      %swap3A_236 = arith.constant 0 : index
      %swap3A_237 = vector.load %arg7[%swap3A_235, %swap3A_236] : memref<2000x512xf32, #tpu.memory_space<vmem>>, vector<1x512xf32>
      tpu.vector_store %arg7[%swap3A_235, %swap3A_236], %mul3A_234 {strides = array<i32>} : memref<2000x512xf32, #tpu.memory_space<vmem>>, vector<1x512xf32>,
      %scan3A_238 = arith.constant 10 : i32
      %scan3A_239 = arith.addi %scan3A_40, %scan3A_238 : i32
      %get3A_240 = arith.constant 0 : index
      %get3A_241 = arith.constant 0 : index
      %get3A_242 = arith.index_cast %scan3A_239 : i32 to index
      %get3A_243 = memref.load %arg1[%get3A_240, %get3A_241, %get3A_242] : memref<1x1x2000xi32, #tpu.memory_space<smem>>
      %get3A_244 = arith.constant 0 : index
      %get3A_245 = arith.constant 0 : index
      %get3A_246 = arith.index_cast %scan3A_239 : i32 to index
      %get3A_247 = memref.load %arg2[%get3A_244, %get3A_245, %get3A_246] : memref<1x1x2000xi32, #tpu.memory_space<smem>>
      %get3A_248 = arith.index_cast %get3A_243 : i32 to index
      %get3A_249 = arith.constant 0 : index
      %get3A_250 = vector.load %arg3[%get3A_248, %get3A_249] : memref<10000x512xf32, #tpu.memory_space<vmem>>, vector<1x512xf32>
      %get3A_251 = arith.index_cast %get3A_247 : i32 to index
      %get3A_252 = arith.constant 0 : index
      %get3A_253 = vector.load %arg4[%get3A_251, %get3A_252] : memref<10000x512xf32, #tpu.memory_space<vmem>>, vector<1x512xf32>
      %mul3A_254 = arith.mulf %get3A_250, %get3A_253 : vector<1x512xf32>
      %swap3A_255 = arith.index_cast %scan3A_239 : i32 to index
      %swap3A_256 = arith.constant 0 : index
      %swap3A_257 = vector.load %arg7[%swap3A_255, %swap3A_256] : memref<2000x512xf32, #tpu.memory_space<vmem>>, vector<1x512xf32>
      tpu.vector_store %arg7[%swap3A_255, %swap3A_256], %mul3A_254 {strides = array<i32>} : memref<2000x512xf32, #tpu.memory_space<vmem>>, vector<1x512xf32>,
      %scan3A_258 = arith.constant 11 : i32
      %scan3A_259 = arith.addi %scan3A_40, %scan3A_258 : i32
      %get3A_260 = arith.constant 0 : index
      %get3A_261 = arith.constant 0 : index
      %get3A_262 = arith.index_cast %scan3A_259 : i32 to index
      %get3A_263 = memref.load %arg1[%get3A_260, %get3A_261, %get3A_262] : memref<1x1x2000xi32, #tpu.memory_space<smem>>
      %get3A_264 = arith.constant 0 : index
      %get3A_265 = arith.constant 0 : index
      %get3A_266 = arith.index_cast %scan3A_259 : i32 to index
      %get3A_267 = memref.load %arg2[%get3A_264, %get3A_265, %get3A_266] : memref<1x1x2000xi32, #tpu.memory_space<smem>>
      %get3A_268 = arith.index_cast %get3A_263 : i32 to index
      %get3A_269 = arith.constant 0 : index
      %get3A_270 = vector.load %arg3[%get3A_268, %get3A_269] : memref<10000x512xf32, #tpu.memory_space<vmem>>, vector<1x512xf32>
      %get3A_271 = arith.index_cast %get3A_267 : i32 to index
      %get3A_272 = arith.constant 0 : index
      %get3A_273 = vector.load %arg4[%get3A_271, %get3A_272] : memref<10000x512xf32, #tpu.memory_space<vmem>>, vector<1x512xf32>
      %mul3A_274 = arith.mulf %get3A_270, %get3A_273 : vector<1x512xf32>
      %swap3A_275 = arith.index_cast %scan3A_259 : i32 to index
      %swap3A_276 = arith.constant 0 : index
      %swap3A_277 = vector.load %arg7[%swap3A_275, %swap3A_276] : memref<2000x512xf32, #tpu.memory_space<vmem>>, vector<1x512xf32>
      tpu.vector_store %arg7[%swap3A_275, %swap3A_276], %mul3A_274 {strides = array<i32>} : memref<2000x512xf32, #tpu.memory_space<vmem>>, vector<1x512xf32>,
      %scan3A_278 = arith.constant 12 : i32
      %scan3A_279 = arith.addi %scan3A_40, %scan3A_278 : i32
      %get3A_280 = arith.constant 0 : index
      %get3A_281 = arith.constant 0 : index
      %get3A_282 = arith.index_cast %scan3A_279 : i32 to index
      %get3A_283 = memref.load %arg1[%get3A_280, %get3A_281, %get3A_282] : memref<1x1x2000xi32, #tpu.memory_space<smem>>
      %get3A_284 = arith.constant 0 : index
      %get3A_285 = arith.constant 0 : index
      %get3A_286 = arith.index_cast %scan3A_279 : i32 to index
      %get3A_287 = memref.load %arg2[%get3A_284, %get3A_285, %get3A_286] : memref<1x1x2000xi32, #tpu.memory_space<smem>>
      %get3A_288 = arith.index_cast %get3A_283 : i32 to index
      %get3A_289 = arith.constant 0 : index
      %get3A_290 = vector.load %arg3[%get3A_288, %get3A_289] : memref<10000x512xf32, #tpu.memory_space<vmem>>, vector<1x512xf32>
      %get3A_291 = arith.index_cast %get3A_287 : i32 to index
      %get3A_292 = arith.constant 0 : index
      %get3A_293 = vector.load %arg4[%get3A_291, %get3A_292] : memref<10000x512xf32, #tpu.memory_space<vmem>>, vector<1x512xf32>
      %mul3A_294 = arith.mulf %get3A_290, %get3A_293 : vector<1x512xf32>
      %swap3A_295 = arith.index_cast %scan3A_279 : i32 to index
      %swap3A_296 = arith.constant 0 : index
      %swap3A_297 = vector.load %arg7[%swap3A_295, %swap3A_296] : memref<2000x512xf32, #tpu.memory_space<vmem>>, vector<1x512xf32>
      tpu.vector_store %arg7[%swap3A_295, %swap3A_296], %mul3A_294 {strides = array<i32>} : memref<2000x512xf32, #tpu.memory_space<vmem>>, vector<1x512xf32>,
      %scan3A_298 = arith.constant 13 : i32
      %scan3A_299 = arith.addi %scan3A_40, %scan3A_298 : i32
      %get3A_300 = arith.constant 0 : index
      %get3A_301 = arith.constant 0 : index
      %get3A_302 = arith.index_cast %scan3A_299 : i32 to index
      %get3A_303 = memref.load %arg1[%get3A_300, %get3A_301, %get3A_302] : memref<1x1x2000xi32, #tpu.memory_space<smem>>
      %get3A_304 = arith.constant 0 : index
      %get3A_305 = arith.constant 0 : index
      %get3A_306 = arith.index_cast %scan3A_299 : i32 to index
      %get3A_307 = memref.load %arg2[%get3A_304, %get3A_305, %get3A_306] : memref<1x1x2000xi32, #tpu.memory_space<smem>>
      %get3A_308 = arith.index_cast %get3A_303 : i32 to index
      %get3A_309 = arith.constant 0 : index
      %get3A_310 = vector.load %arg3[%get3A_308, %get3A_309] : memref<10000x512xf32, #tpu.memory_space<vmem>>, vector<1x512xf32>
      %get3A_311 = arith.index_cast %get3A_307 : i32 to index
      %get3A_312 = arith.constant 0 : index
      %get3A_313 = vector.load %arg4[%get3A_311, %get3A_312] : memref<10000x512xf32, #tpu.memory_space<vmem>>, vector<1x512xf32>
      %mul3A_314 = arith.mulf %get3A_310, %get3A_313 : vector<1x512xf32>
      %swap3A_315 = arith.index_cast %scan3A_299 : i32 to index
      %swap3A_316 = arith.constant 0 : index
      %swap3A_317 = vector.load %arg7[%swap3A_315, %swap3A_316] : memref<2000x512xf32, #tpu.memory_space<vmem>>, vector<1x512xf32>
      tpu.vector_store %arg7[%swap3A_315, %swap3A_316], %mul3A_314 {strides = array<i32>} : memref<2000x512xf32, #tpu.memory_space<vmem>>, vector<1x512xf32>,
      %scan3A_318 = arith.constant 14 : i32
      %scan3A_319 = arith.addi %scan3A_40, %scan3A_318 : i32
      %get3A_320 = arith.constant 0 : index
      %get3A_321 = arith.constant 0 : index
      %get3A_322 = arith.index_cast %scan3A_319 : i32 to index
      %get3A_323 = memref.load %arg1[%get3A_320, %get3A_321, %get3A_322] : memref<1x1x2000xi32, #tpu.memory_space<smem>>
      %get3A_324 = arith.constant 0 : index
      %get3A_325 = arith.constant 0 : index
      %get3A_326 = arith.index_cast %scan3A_319 : i32 to index
      %get3A_327 = memref.load %arg2[%get3A_324, %get3A_325, %get3A_326] : memref<1x1x2000xi32, #tpu.memory_space<smem>>
      %get3A_328 = arith.index_cast %get3A_323 : i32 to index
      %get3A_329 = arith.constant 0 : index
      %get3A_330 = vector.load %arg3[%get3A_328, %get3A_329] : memref<10000x512xf32, #tpu.memory_space<vmem>>, vector<1x512xf32>
      %get3A_331 = arith.index_cast %get3A_327 : i32 to index
      %get3A_332 = arith.constant 0 : index
      %get3A_333 = vector.load %arg4[%get3A_331, %get3A_332] : memref<10000x512xf32, #tpu.memory_space<vmem>>, vector<1x512xf32>
      %mul3A_334 = arith.mulf %get3A_330, %get3A_333 : vector<1x512xf32>
      %swap3A_335 = arith.index_cast %scan3A_319 : i32 to index
      %swap3A_336 = arith.constant 0 : index
      %swap3A_337 = vector.load %arg7[%swap3A_335, %swap3A_336] : memref<2000x512xf32, #tpu.memory_space<vmem>>, vector<1x512xf32>
      tpu.vector_store %arg7[%swap3A_335, %swap3A_336], %mul3A_334 {strides = array<i32>} : memref<2000x512xf32, #tpu.memory_space<vmem>>, vector<1x512xf32>,
      %scan3A_338 = arith.constant 15 : i32
      %scan3A_339 = arith.addi %scan3A_40, %scan3A_338 : i32
      %get3A_340 = arith.constant 0 : index
      %get3A_341 = arith.constant 0 : index
      %get3A_342 = arith.index_cast %scan3A_339 : i32 to index
      %get3A_343 = memref.load %arg1[%get3A_340, %get3A_341, %get3A_342] : memref<1x1x2000xi32, #tpu.memory_space<smem>>
      %get3A_344 = arith.constant 0 : index
      %get3A_345 = arith.constant 0 : index
      %get3A_346 = arith.index_cast %scan3A_339 : i32 to index
      %get3A_347 = memref.load %arg2[%get3A_344, %get3A_345, %get3A_346] : memref<1x1x2000xi32, #tpu.memory_space<smem>>
      %get3A_348 = arith.index_cast %get3A_343 : i32 to index
      %get3A_349 = arith.constant 0 : index
      %get3A_350 = vector.load %arg3[%get3A_348, %get3A_349] : memref<10000x512xf32, #tpu.memory_space<vmem>>, vector<1x512xf32>
      %get3A_351 = arith.index_cast %get3A_347 : i32 to index
      %get3A_352 = arith.constant 0 : index
      %get3A_353 = vector.load %arg4[%get3A_351, %get3A_352] : memref<10000x512xf32, #tpu.memory_space<vmem>>, vector<1x512xf32>
      %mul3A_354 = arith.mulf %get3A_350, %get3A_353 : vector<1x512xf32>
      %swap3A_355 = arith.index_cast %scan3A_339 : i32 to index
      %swap3A_356 = arith.constant 0 : index
      %swap3A_357 = vector.load %arg7[%swap3A_355, %swap3A_356] : memref<2000x512xf32, #tpu.memory_space<vmem>>, vector<1x512xf32>
      tpu.vector_store %arg7[%swap3A_355, %swap3A_356], %mul3A_354 {strides = array<i32>} : memref<2000x512xf32, #tpu.memory_space<vmem>>, vector<1x512xf32>,
    }
    %scan3A_3 = arith.constant 2000 : i32
    %get3A = arith.constant 0 : index
    %get3A_4 = arith.constant 0 : index
    %get3A_5 = vector.load %arg7[%get3A, %get3A_4] : memref<2000x512xf32, #tpu.memory_space<vmem>>, vector<2000x512xf32>
    %iota3A = tpu.iota {dimensions = array<i32: 0>} : vector<512x8xi32>
    %iota3A_6 = tpu.iota {dimensions = array<i32: 1>} : vector<512x8xi32>
    %jit3A = arith.constant 64 : i32
    %div3A = vector.broadcast %jit3A : i32 to vector<512x8xi32>
    %div3A_7 = arith.divsi %iota3A, %div3A : vector<512x8xi32>
    %sign3A = arith.constant 0 : i32
    %sign3A_8 = vector.broadcast %sign3A : i32 to vector<512x8xi32>
    %sign3A_9 = arith.cmpi sgt, %iota3A, %sign3A_8 : vector<512x8xi32>
    %sign3A_10 = arith.extui %sign3A_9 : vector<512x8xi1> to vector<512x8xi32>
    %sign3A_11 = arith.constant 0 : i32
    %sign3A_12 = vector.broadcast %sign3A_11 : i32 to vector<512x8xi32>
    %sign3A_13 = arith.cmpi slt, %iota3A, %sign3A_12 : vector<512x8xi32>
    %sign3A_14 = arith.extui %sign3A_13 : vector<512x8xi1> to vector<512x8xi32>
    %sign3A_15 = arith.subi %sign3A_10, %sign3A_14 : vector<512x8xi32>
    %sign3A_16 = arith.constant 0 : i32
    %sign3A_17 = arith.cmpi sgt, %jit3A, %sign3A_16 : i32
    %sign3A_18 = arith.extui %sign3A_17 : i1 to i32
    %sign3A_19 = arith.constant 0 : i32
    %sign3A_20 = arith.cmpi slt, %jit3A, %sign3A_19 : i32
    %sign3A_21 = arith.extui %sign3A_20 : i1 to i32
    %sign3A_22 = arith.subi %sign3A_18, %sign3A_21 : i32
    %ne3A = vector.broadcast %sign3A_22 : i32 to vector<512x8xi32>
    %ne3A_23 = arith.cmpi ne, %sign3A_15, %ne3A : vector<512x8xi32>
    %rem3A = vector.broadcast %jit3A : i32 to vector<512x8xi32>
    %rem3A_24 = arith.remsi %iota3A, %rem3A : vector<512x8xi32>
    %ne3A_25 = arith.constant 0 : i32
    %ne3A_26 = vector.broadcast %ne3A_25 : i32 to vector<512x8xi32>
    %ne3A_27 = arith.cmpi ne, %rem3A_24, %ne3A_26 : vector<512x8xi32>
    %and3A = arith.andi %ne3A_23, %ne3A_27 : vector<512x8xi1>
    %sub3A = arith.constant 1 : i32
    %sub3A_28 = vector.broadcast %sub3A : i32 to vector<512x8xi32>
    %sub3A_29 = arith.subi %div3A_7, %sub3A_28 : vector<512x8xi32>
    %select_n3A = arith.select %and3A, %sub3A_29, %div3A_7 : vector<512x8xi1>, vector<512x8xi32>
    %eq3A = arith.cmpi eq, %select_n3A, %iota3A_6 : vector<512x8xi32>
    %convert_element_type3A = arith.extui %eq3A : vector<512x8xi1> to vector<512x8xi32>
    %convert_element_type3A_30 = arith.sitofp %convert_element_type3A : vector<512x8xi32> to vector<512x8xf32>
    %dot_general3A = arith.constant dense<0.000000e+00> : vector<2000x8xf32>
    %dot_general3A_31 = tpu.matmul %get3A_5, %convert_element_type3A_30, %dot_general3A {dimension_numbers = #tpu.dot_dimension_numbers<[1], [0], [0], [1], [0, 0, 1, 1], [], []>, transpose_lhs_hint = false} : vector<2000x512xf32>, vector<512x8xf32>, vector<2000x8xf32> -> vector<2000x8xf32>
    %swap3A = arith.constant 0 : index
    %swap3A_32 = arith.constant 0 : index
    %swap3A_33 = vector.load %arg5[%swap3A, %swap3A_32] : memref<2000x8xf32, #tpu.memory_space<vmem>>, vector<2000x8xf32>
    tpu.vector_store %arg5[%swap3A, %swap3A_32], %dot_general3A_31 {strides = array<i32>} : memref<2000x8xf32, #tpu.memory_space<vmem>>, vector<2000x8xf32>,
    %reduce_max3A = arith.constant dense<0xFF800000> : vector<8xf32>
    %reduce_max3A_34 = vector.multi_reduction <maximumf>, %dot_general3A_31, %reduce_max3A [0] : vector<2000x8xf32> to vector<8xf32>
    %broadcast_in_dim3A = vector.shape_cast %reduce_max3A_34 : vector<8xf32> to vector<1x8xf32>
    %broadcast_in_dim3A_35 = vector.shape_cast %broadcast_in_dim3A : vector<1x8xf32> to vector<1x1x8xf32>
    %swap3A_36 = arith.constant 0 : index
    %swap3A_37 = arith.constant 0 : index
    %swap3A_38 = arith.constant 0 : index
    %swap3A_39 = vector.load %arg6[%swap3A_36, %swap3A_37, %swap3A_38] : memref<1x1x8xf32, #tpu.memory_space<vmem>>, vector<1x1x8xf32>
    tpu.vector_store %arg6[%swap3A_36, %swap3A_37, %swap3A_38], %broadcast_in_dim3A_35 {strides = array<i32>} : memref<1x1x8xf32, #tpu.memory_space<vmem>>, vector<1x1x8xf32>,
    return
  }
  func.func @transform_0(%arg0: i32) -> (i32, i32, i32) {
    %c0_i32 = arith.constant 0 : i32
    %c0_i32_0 = arith.constant 0 : i32
    %c0_i32_1 = arith.constant 0 : i32
    return %arg0, %c0_i32, %c0_i32_0 : i32, i32, i32
  }
  func.func @transform_1(%arg0: i32) -> (i32, i32, i32) {
    %c0_i32 = arith.constant 0 : i32
    %c0_i32_0 = arith.constant 0 : i32
    %c0_i32_1 = arith.constant 0 : i32
    return %arg0, %c0_i32, %c0_i32_0 : i32, i32, i32
  }
  func.func @transform_2(%arg0: i32) -> (i32, i32) {
    %c0_i32 = arith.constant 0 : i32
    %c0_i32_0 = arith.constant 0 : i32
    %c0_i32_1 = arith.constant 0 : i32
    return %c0_i32, %c0_i32_0 : i32, i32
  }
  func.func @transform_3(%arg0: i32) -> (i32, i32) {
    %c0_i32 = arith.constant 0 : i32
    %c0_i32_0 = arith.constant 0 : i32
    %c0_i32_1 = arith.constant 0 : i32
    return %c0_i32, %c0_i32_0 : i32, i32
  }
  func.func @transform_4(%arg0: i32) -> (i32, i32) {
    %c0_i32 = arith.constant 0 : i32
    %c0_i32_0 = arith.constant 0 : i32
    return %arg0, %c0_i32 : i32, i32
  }
  func.func @transform_5(%arg0: i32) -> (i32, i32, i32) {
    %c0_i32 = arith.constant 0 : i32
    %c0_i32_0 = arith.constant 0 : i32
    %c0_i32_1 = arith.constant 0 : i32
    return %arg0, %c0_i32, %c0_i32_0 : i32, i32, i32
  }
}

module attributes {stable_mosaic.version = 14 : i64} {
  func.func @_sums_body(%arg0: i32, %arg1: memref<1x1x2000xi32, #tpu.memory_space<smem>>, %arg2: memref<2000x8xf32, #tpu.memory_space<vmem>>, %arg3: memref<80x1x8xf32, #tpu.memory_space<vmem>>, %arg4: memref<2000x8xf32, #tpu.memory_space<vmem>>, %arg5: memref<10000x8xf32, #tpu.memory_space<vmem>>, %arg6: memref<10000x8xf32, #tpu.memory_space<vmem>>) attributes {dimension_semantics = [#tpu.dimension_semantics<arbitrary>], iteration_bounds = array<i64: 80>, scalar_prefetch = 0 : i64, scratch_operands = 0 : i64, tpu.core_type = #tpu.core_type<tc>, window_params = [{transform_indices = @transform_0, window_bounds = array<i64: 1, 1, 2000>}, {transform_indices = @transform_1, window_bounds = array<i64: 2000, 8>}, {pipeline_mode = #tpu.pipeline_mode<synchronous>, transform_indices = @transform_2, window_bounds = array<i64: 80, 1, 8>}, {transform_indices = @transform_3, window_bounds = array<i64: 2000, 8>}, {pipeline_mode = #tpu.pipeline_mode<synchronous>, transform_indices = @transform_4, window_bounds = array<i64: 10000, 8>}, {pipeline_mode = #tpu.pipeline_mode<synchronous>, transform_indices = @transform_5, window_bounds = array<i64: 10000, 8>}]} {
    %eq3A = arith.constant 0 : i32
    %eq3A_0 = arith.cmpi eq, %arg0, %eq3A : i32
    %convert_element_type3A = arith.extui %eq3A_0 : i1 to i32
    %cond3A = arith.constant 0 : i32
    %cond3A_1 = arith.cmpi ne, %convert_element_type3A, %cond3A : i32
    scf.if %cond3A_1 {
      %broadcast_in_dim3A = arith.constant 0.000000e+00 : f32
      %broadcast_in_dim3A_25 = vector.broadcast %broadcast_in_dim3A : f32 to vector<10000x8xf32>
      %swap3A_26 = arith.constant 0 : index
      %swap3A_27 = arith.constant 0 : index
      %swap3A_28 = vector.load %arg5[%swap3A_26, %swap3A_27] : memref<10000x8xf32, #tpu.memory_space<vmem>>, vector<10000x8xf32>
      tpu.vector_store %arg5[%swap3A_26, %swap3A_27], %broadcast_in_dim3A_25 {strides = array<i32>} : memref<10000x8xf32, #tpu.memory_space<vmem>>, vector<10000x8xf32>,
    } else {
    }
    %get3A = arith.constant 0 : index
    %get3A_2 = arith.constant 0 : index
    %get3A_3 = arith.constant 0 : index
    %get3A_4 = vector.load %arg3[%get3A, %get3A_2, %get3A_3] : memref<80x1x8xf32, #tpu.memory_space<vmem>>, vector<80x1x8xf32>
    %reduce_max3A = vector.shape_cast %get3A_4 : vector<80x1x8xf32> to vector<1x80x1x8xf32>
    %reduce_max3A_5 = arith.constant dense<0xFF800000> : vector<1xf32>
    %reduce_max3A_6 = vector.multi_reduction <maximumf>, %reduce_max3A, %reduce_max3A_5 [1, 2, 3] : vector<1x80x1x8xf32> to vector<1xf32>
    %reduce_max3A_7 = vector.shape_cast %reduce_max3A_6 : vector<1xf32> to vector<1x1x1x1xf32>
    %reduce_max3A_8 = vector.extract %reduce_max3A_7[0, 0, 0, 0] : f32 from vector<1x1x1x1xf32>
    %div3A = arith.constant 3.000000e+00 : f32
    %div3A_9 = arith.divf %div3A, %reduce_max3A_8 : f32
    %get3A_10 = arith.constant 0 : index
    %get3A_11 = arith.constant 0 : index
    %get3A_12 = vector.load %arg2[%get3A_10, %get3A_11] : memref<2000x8xf32, #tpu.memory_space<vmem>>, vector<2000x8xf32>
    %mul3A = vector.broadcast %div3A_9 : f32 to vector<2000x8xf32>
    %mul3A_13 = arith.mulf %get3A_12, %mul3A : vector<2000x8xf32>
    %exp3A = math.exp %mul3A_13 : vector<2000x8xf32>
    %swap3A = arith.constant 0 : index
    %swap3A_14 = arith.constant 0 : index
    %swap3A_15 = vector.load %arg4[%swap3A, %swap3A_14] : memref<2000x8xf32, #tpu.memory_space<vmem>>, vector<2000x8xf32>
    tpu.vector_store %arg4[%swap3A, %swap3A_14], %exp3A {strides = array<i32>} : memref<2000x8xf32, #tpu.memory_space<vmem>>, vector<2000x8xf32>,
    %scan3A = arith.constant 0 : i32
    %scan3A_16 = arith.constant 2000 : i32
    %scan3A_17 = arith.addi %scan3A, %scan3A_16 : i32
    %scan3A_18 = arith.constant 16 : i32
    scf.for %scan3A_25 = %scan3A to %scan3A_17 step %scan3A_18  : i32 {
      %get3A_26 = arith.constant 0 : index
      %get3A_27 = arith.constant 0 : index
      %get3A_28 = arith.index_cast %scan3A_25 : i32 to index
      %get3A_29 = memref.load %arg1[%get3A_26, %get3A_27, %get3A_28] : memref<1x1x2000xi32, #tpu.memory_space<smem>>
      %get3A_30 = arith.index_cast %get3A_29 : i32 to index
      %get3A_31 = arith.constant 0 : index
      %get3A_32 = vector.load %arg5[%get3A_30, %get3A_31] : memref<10000x8xf32, #tpu.memory_space<vmem>>, vector<1x8xf32>
      %get3A_33 = arith.index_cast %scan3A_25 : i32 to index
      %get3A_34 = arith.constant 0 : index
      %get3A_35 = vector.load %arg4[%get3A_33, %get3A_34] : memref<2000x8xf32, #tpu.memory_space<vmem>>, vector<1x8xf32>
      %add3A = arith.addf %get3A_32, %get3A_35 : vector<1x8xf32>
      %swap3A_36 = arith.index_cast %get3A_29 : i32 to index
      %swap3A_37 = arith.constant 0 : index
      %swap3A_38 = vector.load %arg5[%swap3A_36, %swap3A_37] : memref<10000x8xf32, #tpu.memory_space<vmem>>, vector<1x8xf32>
      tpu.vector_store %arg5[%swap3A_36, %swap3A_37], %add3A {strides = array<i32>} : memref<10000x8xf32, #tpu.memory_space<vmem>>, vector<1x8xf32>,
      %scan3A_39 = arith.constant 1 : i32
      %scan3A_40 = arith.addi %scan3A_25, %scan3A_39 : i32
      %get3A_41 = arith.constant 0 : index
      %get3A_42 = arith.constant 0 : index
      %get3A_43 = arith.index_cast %scan3A_40 : i32 to index
      %get3A_44 = memref.load %arg1[%get3A_41, %get3A_42, %get3A_43] : memref<1x1x2000xi32, #tpu.memory_space<smem>>
      %get3A_45 = arith.index_cast %get3A_44 : i32 to index
      %get3A_46 = arith.constant 0 : index
      %get3A_47 = vector.load %arg5[%get3A_45, %get3A_46] : memref<10000x8xf32, #tpu.memory_space<vmem>>, vector<1x8xf32>
      %get3A_48 = arith.index_cast %scan3A_40 : i32 to index
      %get3A_49 = arith.constant 0 : index
      %get3A_50 = vector.load %arg4[%get3A_48, %get3A_49] : memref<2000x8xf32, #tpu.memory_space<vmem>>, vector<1x8xf32>
      %add3A_51 = arith.addf %get3A_47, %get3A_50 : vector<1x8xf32>
      %swap3A_52 = arith.index_cast %get3A_44 : i32 to index
      %swap3A_53 = arith.constant 0 : index
      %swap3A_54 = vector.load %arg5[%swap3A_52, %swap3A_53] : memref<10000x8xf32, #tpu.memory_space<vmem>>, vector<1x8xf32>
      tpu.vector_store %arg5[%swap3A_52, %swap3A_53], %add3A_51 {strides = array<i32>} : memref<10000x8xf32, #tpu.memory_space<vmem>>, vector<1x8xf32>,
      %scan3A_55 = arith.constant 2 : i32
      %scan3A_56 = arith.addi %scan3A_25, %scan3A_55 : i32
      %get3A_57 = arith.constant 0 : index
      %get3A_58 = arith.constant 0 : index
      %get3A_59 = arith.index_cast %scan3A_56 : i32 to index
      %get3A_60 = memref.load %arg1[%get3A_57, %get3A_58, %get3A_59] : memref<1x1x2000xi32, #tpu.memory_space<smem>>
      %get3A_61 = arith.index_cast %get3A_60 : i32 to index
      %get3A_62 = arith.constant 0 : index
      %get3A_63 = vector.load %arg5[%get3A_61, %get3A_62] : memref<10000x8xf32, #tpu.memory_space<vmem>>, vector<1x8xf32>
      %get3A_64 = arith.index_cast %scan3A_56 : i32 to index
      %get3A_65 = arith.constant 0 : index
      %get3A_66 = vector.load %arg4[%get3A_64, %get3A_65] : memref<2000x8xf32, #tpu.memory_space<vmem>>, vector<1x8xf32>
      %add3A_67 = arith.addf %get3A_63, %get3A_66 : vector<1x8xf32>
      %swap3A_68 = arith.index_cast %get3A_60 : i32 to index
      %swap3A_69 = arith.constant 0 : index
      %swap3A_70 = vector.load %arg5[%swap3A_68, %swap3A_69] : memref<10000x8xf32, #tpu.memory_space<vmem>>, vector<1x8xf32>
      tpu.vector_store %arg5[%swap3A_68, %swap3A_69], %add3A_67 {strides = array<i32>} : memref<10000x8xf32, #tpu.memory_space<vmem>>, vector<1x8xf32>,
      %scan3A_71 = arith.constant 3 : i32
      %scan3A_72 = arith.addi %scan3A_25, %scan3A_71 : i32
      %get3A_73 = arith.constant 0 : index
      %get3A_74 = arith.constant 0 : index
      %get3A_75 = arith.index_cast %scan3A_72 : i32 to index
      %get3A_76 = memref.load %arg1[%get3A_73, %get3A_74, %get3A_75] : memref<1x1x2000xi32, #tpu.memory_space<smem>>
      %get3A_77 = arith.index_cast %get3A_76 : i32 to index
      %get3A_78 = arith.constant 0 : index
      %get3A_79 = vector.load %arg5[%get3A_77, %get3A_78] : memref<10000x8xf32, #tpu.memory_space<vmem>>, vector<1x8xf32>
      %get3A_80 = arith.index_cast %scan3A_72 : i32 to index
      %get3A_81 = arith.constant 0 : index
      %get3A_82 = vector.load %arg4[%get3A_80, %get3A_81] : memref<2000x8xf32, #tpu.memory_space<vmem>>, vector<1x8xf32>
      %add3A_83 = arith.addf %get3A_79, %get3A_82 : vector<1x8xf32>
      %swap3A_84 = arith.index_cast %get3A_76 : i32 to index
      %swap3A_85 = arith.constant 0 : index
      %swap3A_86 = vector.load %arg5[%swap3A_84, %swap3A_85] : memref<10000x8xf32, #tpu.memory_space<vmem>>, vector<1x8xf32>
      tpu.vector_store %arg5[%swap3A_84, %swap3A_85], %add3A_83 {strides = array<i32>} : memref<10000x8xf32, #tpu.memory_space<vmem>>, vector<1x8xf32>,
      %scan3A_87 = arith.constant 4 : i32
      %scan3A_88 = arith.addi %scan3A_25, %scan3A_87 : i32
      %get3A_89 = arith.constant 0 : index
      %get3A_90 = arith.constant 0 : index
      %get3A_91 = arith.index_cast %scan3A_88 : i32 to index
      %get3A_92 = memref.load %arg1[%get3A_89, %get3A_90, %get3A_91] : memref<1x1x2000xi32, #tpu.memory_space<smem>>
      %get3A_93 = arith.index_cast %get3A_92 : i32 to index
      %get3A_94 = arith.constant 0 : index
      %get3A_95 = vector.load %arg5[%get3A_93, %get3A_94] : memref<10000x8xf32, #tpu.memory_space<vmem>>, vector<1x8xf32>
      %get3A_96 = arith.index_cast %scan3A_88 : i32 to index
      %get3A_97 = arith.constant 0 : index
      %get3A_98 = vector.load %arg4[%get3A_96, %get3A_97] : memref<2000x8xf32, #tpu.memory_space<vmem>>, vector<1x8xf32>
      %add3A_99 = arith.addf %get3A_95, %get3A_98 : vector<1x8xf32>
      %swap3A_100 = arith.index_cast %get3A_92 : i32 to index
      %swap3A_101 = arith.constant 0 : index
      %swap3A_102 = vector.load %arg5[%swap3A_100, %swap3A_101] : memref<10000x8xf32, #tpu.memory_space<vmem>>, vector<1x8xf32>
      tpu.vector_store %arg5[%swap3A_100, %swap3A_101], %add3A_99 {strides = array<i32>} : memref<10000x8xf32, #tpu.memory_space<vmem>>, vector<1x8xf32>,
      %scan3A_103 = arith.constant 5 : i32
      %scan3A_104 = arith.addi %scan3A_25, %scan3A_103 : i32
      %get3A_105 = arith.constant 0 : index
      %get3A_106 = arith.constant 0 : index
      %get3A_107 = arith.index_cast %scan3A_104 : i32 to index
      %get3A_108 = memref.load %arg1[%get3A_105, %get3A_106, %get3A_107] : memref<1x1x2000xi32, #tpu.memory_space<smem>>
      %get3A_109 = arith.index_cast %get3A_108 : i32 to index
      %get3A_110 = arith.constant 0 : index
      %get3A_111 = vector.load %arg5[%get3A_109, %get3A_110] : memref<10000x8xf32, #tpu.memory_space<vmem>>, vector<1x8xf32>
      %get3A_112 = arith.index_cast %scan3A_104 : i32 to index
      %get3A_113 = arith.constant 0 : index
      %get3A_114 = vector.load %arg4[%get3A_112, %get3A_113] : memref<2000x8xf32, #tpu.memory_space<vmem>>, vector<1x8xf32>
      %add3A_115 = arith.addf %get3A_111, %get3A_114 : vector<1x8xf32>
      %swap3A_116 = arith.index_cast %get3A_108 : i32 to index
      %swap3A_117 = arith.constant 0 : index
      %swap3A_118 = vector.load %arg5[%swap3A_116, %swap3A_117] : memref<10000x8xf32, #tpu.memory_space<vmem>>, vector<1x8xf32>
      tpu.vector_store %arg5[%swap3A_116, %swap3A_117], %add3A_115 {strides = array<i32>} : memref<10000x8xf32, #tpu.memory_space<vmem>>, vector<1x8xf32>,
      %scan3A_119 = arith.constant 6 : i32
      %scan3A_120 = arith.addi %scan3A_25, %scan3A_119 : i32
      %get3A_121 = arith.constant 0 : index
      %get3A_122 = arith.constant 0 : index
      %get3A_123 = arith.index_cast %scan3A_120 : i32 to index
      %get3A_124 = memref.load %arg1[%get3A_121, %get3A_122, %get3A_123] : memref<1x1x2000xi32, #tpu.memory_space<smem>>
      %get3A_125 = arith.index_cast %get3A_124 : i32 to index
      %get3A_126 = arith.constant 0 : index
      %get3A_127 = vector.load %arg5[%get3A_125, %get3A_126] : memref<10000x8xf32, #tpu.memory_space<vmem>>, vector<1x8xf32>
      %get3A_128 = arith.index_cast %scan3A_120 : i32 to index
      %get3A_129 = arith.constant 0 : index
      %get3A_130 = vector.load %arg4[%get3A_128, %get3A_129] : memref<2000x8xf32, #tpu.memory_space<vmem>>, vector<1x8xf32>
      %add3A_131 = arith.addf %get3A_127, %get3A_130 : vector<1x8xf32>
      %swap3A_132 = arith.index_cast %get3A_124 : i32 to index
      %swap3A_133 = arith.constant 0 : index
      %swap3A_134 = vector.load %arg5[%swap3A_132, %swap3A_133] : memref<10000x8xf32, #tpu.memory_space<vmem>>, vector<1x8xf32>
      tpu.vector_store %arg5[%swap3A_132, %swap3A_133], %add3A_131 {strides = array<i32>} : memref<10000x8xf32, #tpu.memory_space<vmem>>, vector<1x8xf32>,
      %scan3A_135 = arith.constant 7 : i32
      %scan3A_136 = arith.addi %scan3A_25, %scan3A_135 : i32
      %get3A_137 = arith.constant 0 : index
      %get3A_138 = arith.constant 0 : index
      %get3A_139 = arith.index_cast %scan3A_136 : i32 to index
      %get3A_140 = memref.load %arg1[%get3A_137, %get3A_138, %get3A_139] : memref<1x1x2000xi32, #tpu.memory_space<smem>>
      %get3A_141 = arith.index_cast %get3A_140 : i32 to index
      %get3A_142 = arith.constant 0 : index
      %get3A_143 = vector.load %arg5[%get3A_141, %get3A_142] : memref<10000x8xf32, #tpu.memory_space<vmem>>, vector<1x8xf32>
      %get3A_144 = arith.index_cast %scan3A_136 : i32 to index
      %get3A_145 = arith.constant 0 : index
      %get3A_146 = vector.load %arg4[%get3A_144, %get3A_145] : memref<2000x8xf32, #tpu.memory_space<vmem>>, vector<1x8xf32>
      %add3A_147 = arith.addf %get3A_143, %get3A_146 : vector<1x8xf32>
      %swap3A_148 = arith.index_cast %get3A_140 : i32 to index
      %swap3A_149 = arith.constant 0 : index
      %swap3A_150 = vector.load %arg5[%swap3A_148, %swap3A_149] : memref<10000x8xf32, #tpu.memory_space<vmem>>, vector<1x8xf32>
      tpu.vector_store %arg5[%swap3A_148, %swap3A_149], %add3A_147 {strides = array<i32>} : memref<10000x8xf32, #tpu.memory_space<vmem>>, vector<1x8xf32>,
      %scan3A_151 = arith.constant 8 : i32
      %scan3A_152 = arith.addi %scan3A_25, %scan3A_151 : i32
      %get3A_153 = arith.constant 0 : index
      %get3A_154 = arith.constant 0 : index
      %get3A_155 = arith.index_cast %scan3A_152 : i32 to index
      %get3A_156 = memref.load %arg1[%get3A_153, %get3A_154, %get3A_155] : memref<1x1x2000xi32, #tpu.memory_space<smem>>
      %get3A_157 = arith.index_cast %get3A_156 : i32 to index
      %get3A_158 = arith.constant 0 : index
      %get3A_159 = vector.load %arg5[%get3A_157, %get3A_158] : memref<10000x8xf32, #tpu.memory_space<vmem>>, vector<1x8xf32>
      %get3A_160 = arith.index_cast %scan3A_152 : i32 to index
      %get3A_161 = arith.constant 0 : index
      %get3A_162 = vector.load %arg4[%get3A_160, %get3A_161] : memref<2000x8xf32, #tpu.memory_space<vmem>>, vector<1x8xf32>
      %add3A_163 = arith.addf %get3A_159, %get3A_162 : vector<1x8xf32>
      %swap3A_164 = arith.index_cast %get3A_156 : i32 to index
      %swap3A_165 = arith.constant 0 : index
      %swap3A_166 = vector.load %arg5[%swap3A_164, %swap3A_165] : memref<10000x8xf32, #tpu.memory_space<vmem>>, vector<1x8xf32>
      tpu.vector_store %arg5[%swap3A_164, %swap3A_165], %add3A_163 {strides = array<i32>} : memref<10000x8xf32, #tpu.memory_space<vmem>>, vector<1x8xf32>,
      %scan3A_167 = arith.constant 9 : i32
      %scan3A_168 = arith.addi %scan3A_25, %scan3A_167 : i32
      %get3A_169 = arith.constant 0 : index
      %get3A_170 = arith.constant 0 : index
      %get3A_171 = arith.index_cast %scan3A_168 : i32 to index
      %get3A_172 = memref.load %arg1[%get3A_169, %get3A_170, %get3A_171] : memref<1x1x2000xi32, #tpu.memory_space<smem>>
      %get3A_173 = arith.index_cast %get3A_172 : i32 to index
      %get3A_174 = arith.constant 0 : index
      %get3A_175 = vector.load %arg5[%get3A_173, %get3A_174] : memref<10000x8xf32, #tpu.memory_space<vmem>>, vector<1x8xf32>
      %get3A_176 = arith.index_cast %scan3A_168 : i32 to index
      %get3A_177 = arith.constant 0 : index
      %get3A_178 = vector.load %arg4[%get3A_176, %get3A_177] : memref<2000x8xf32, #tpu.memory_space<vmem>>, vector<1x8xf32>
      %add3A_179 = arith.addf %get3A_175, %get3A_178 : vector<1x8xf32>
      %swap3A_180 = arith.index_cast %get3A_172 : i32 to index
      %swap3A_181 = arith.constant 0 : index
      %swap3A_182 = vector.load %arg5[%swap3A_180, %swap3A_181] : memref<10000x8xf32, #tpu.memory_space<vmem>>, vector<1x8xf32>
      tpu.vector_store %arg5[%swap3A_180, %swap3A_181], %add3A_179 {strides = array<i32>} : memref<10000x8xf32, #tpu.memory_space<vmem>>, vector<1x8xf32>,
      %scan3A_183 = arith.constant 10 : i32
      %scan3A_184 = arith.addi %scan3A_25, %scan3A_183 : i32
      %get3A_185 = arith.constant 0 : index
      %get3A_186 = arith.constant 0 : index
      %get3A_187 = arith.index_cast %scan3A_184 : i32 to index
      %get3A_188 = memref.load %arg1[%get3A_185, %get3A_186, %get3A_187] : memref<1x1x2000xi32, #tpu.memory_space<smem>>
      %get3A_189 = arith.index_cast %get3A_188 : i32 to index
      %get3A_190 = arith.constant 0 : index
      %get3A_191 = vector.load %arg5[%get3A_189, %get3A_190] : memref<10000x8xf32, #tpu.memory_space<vmem>>, vector<1x8xf32>
      %get3A_192 = arith.index_cast %scan3A_184 : i32 to index
      %get3A_193 = arith.constant 0 : index
      %get3A_194 = vector.load %arg4[%get3A_192, %get3A_193] : memref<2000x8xf32, #tpu.memory_space<vmem>>, vector<1x8xf32>
      %add3A_195 = arith.addf %get3A_191, %get3A_194 : vector<1x8xf32>
      %swap3A_196 = arith.index_cast %get3A_188 : i32 to index
      %swap3A_197 = arith.constant 0 : index
      %swap3A_198 = vector.load %arg5[%swap3A_196, %swap3A_197] : memref<10000x8xf32, #tpu.memory_space<vmem>>, vector<1x8xf32>
      tpu.vector_store %arg5[%swap3A_196, %swap3A_197], %add3A_195 {strides = array<i32>} : memref<10000x8xf32, #tpu.memory_space<vmem>>, vector<1x8xf32>,
      %scan3A_199 = arith.constant 11 : i32
      %scan3A_200 = arith.addi %scan3A_25, %scan3A_199 : i32
      %get3A_201 = arith.constant 0 : index
      %get3A_202 = arith.constant 0 : index
      %get3A_203 = arith.index_cast %scan3A_200 : i32 to index
      %get3A_204 = memref.load %arg1[%get3A_201, %get3A_202, %get3A_203] : memref<1x1x2000xi32, #tpu.memory_space<smem>>
      %get3A_205 = arith.index_cast %get3A_204 : i32 to index
      %get3A_206 = arith.constant 0 : index
      %get3A_207 = vector.load %arg5[%get3A_205, %get3A_206] : memref<10000x8xf32, #tpu.memory_space<vmem>>, vector<1x8xf32>
      %get3A_208 = arith.index_cast %scan3A_200 : i32 to index
      %get3A_209 = arith.constant 0 : index
      %get3A_210 = vector.load %arg4[%get3A_208, %get3A_209] : memref<2000x8xf32, #tpu.memory_space<vmem>>, vector<1x8xf32>
      %add3A_211 = arith.addf %get3A_207, %get3A_210 : vector<1x8xf32>
      %swap3A_212 = arith.index_cast %get3A_204 : i32 to index
      %swap3A_213 = arith.constant 0 : index
      %swap3A_214 = vector.load %arg5[%swap3A_212, %swap3A_213] : memref<10000x8xf32, #tpu.memory_space<vmem>>, vector<1x8xf32>
      tpu.vector_store %arg5[%swap3A_212, %swap3A_213], %add3A_211 {strides = array<i32>} : memref<10000x8xf32, #tpu.memory_space<vmem>>, vector<1x8xf32>,
      %scan3A_215 = arith.constant 12 : i32
      %scan3A_216 = arith.addi %scan3A_25, %scan3A_215 : i32
      %get3A_217 = arith.constant 0 : index
      %get3A_218 = arith.constant 0 : index
      %get3A_219 = arith.index_cast %scan3A_216 : i32 to index
      %get3A_220 = memref.load %arg1[%get3A_217, %get3A_218, %get3A_219] : memref<1x1x2000xi32, #tpu.memory_space<smem>>
      %get3A_221 = arith.index_cast %get3A_220 : i32 to index
      %get3A_222 = arith.constant 0 : index
      %get3A_223 = vector.load %arg5[%get3A_221, %get3A_222] : memref<10000x8xf32, #tpu.memory_space<vmem>>, vector<1x8xf32>
      %get3A_224 = arith.index_cast %scan3A_216 : i32 to index
      %get3A_225 = arith.constant 0 : index
      %get3A_226 = vector.load %arg4[%get3A_224, %get3A_225] : memref<2000x8xf32, #tpu.memory_space<vmem>>, vector<1x8xf32>
      %add3A_227 = arith.addf %get3A_223, %get3A_226 : vector<1x8xf32>
      %swap3A_228 = arith.index_cast %get3A_220 : i32 to index
      %swap3A_229 = arith.constant 0 : index
      %swap3A_230 = vector.load %arg5[%swap3A_228, %swap3A_229] : memref<10000x8xf32, #tpu.memory_space<vmem>>, vector<1x8xf32>
      tpu.vector_store %arg5[%swap3A_228, %swap3A_229], %add3A_227 {strides = array<i32>} : memref<10000x8xf32, #tpu.memory_space<vmem>>, vector<1x8xf32>,
      %scan3A_231 = arith.constant 13 : i32
      %scan3A_232 = arith.addi %scan3A_25, %scan3A_231 : i32
      %get3A_233 = arith.constant 0 : index
      %get3A_234 = arith.constant 0 : index
      %get3A_235 = arith.index_cast %scan3A_232 : i32 to index
      %get3A_236 = memref.load %arg1[%get3A_233, %get3A_234, %get3A_235] : memref<1x1x2000xi32, #tpu.memory_space<smem>>
      %get3A_237 = arith.index_cast %get3A_236 : i32 to index
      %get3A_238 = arith.constant 0 : index
      %get3A_239 = vector.load %arg5[%get3A_237, %get3A_238] : memref<10000x8xf32, #tpu.memory_space<vmem>>, vector<1x8xf32>
      %get3A_240 = arith.index_cast %scan3A_232 : i32 to index
      %get3A_241 = arith.constant 0 : index
      %get3A_242 = vector.load %arg4[%get3A_240, %get3A_241] : memref<2000x8xf32, #tpu.memory_space<vmem>>, vector<1x8xf32>
      %add3A_243 = arith.addf %get3A_239, %get3A_242 : vector<1x8xf32>
      %swap3A_244 = arith.index_cast %get3A_236 : i32 to index
      %swap3A_245 = arith.constant 0 : index
      %swap3A_246 = vector.load %arg5[%swap3A_244, %swap3A_245] : memref<10000x8xf32, #tpu.memory_space<vmem>>, vector<1x8xf32>
      tpu.vector_store %arg5[%swap3A_244, %swap3A_245], %add3A_243 {strides = array<i32>} : memref<10000x8xf32, #tpu.memory_space<vmem>>, vector<1x8xf32>,
      %scan3A_247 = arith.constant 14 : i32
      %scan3A_248 = arith.addi %scan3A_25, %scan3A_247 : i32
      %get3A_249 = arith.constant 0 : index
      %get3A_250 = arith.constant 0 : index
      %get3A_251 = arith.index_cast %scan3A_248 : i32 to index
      %get3A_252 = memref.load %arg1[%get3A_249, %get3A_250, %get3A_251] : memref<1x1x2000xi32, #tpu.memory_space<smem>>
      %get3A_253 = arith.index_cast %get3A_252 : i32 to index
      %get3A_254 = arith.constant 0 : index
      %get3A_255 = vector.load %arg5[%get3A_253, %get3A_254] : memref<10000x8xf32, #tpu.memory_space<vmem>>, vector<1x8xf32>
      %get3A_256 = arith.index_cast %scan3A_248 : i32 to index
      %get3A_257 = arith.constant 0 : index
      %get3A_258 = vector.load %arg4[%get3A_256, %get3A_257] : memref<2000x8xf32, #tpu.memory_space<vmem>>, vector<1x8xf32>
      %add3A_259 = arith.addf %get3A_255, %get3A_258 : vector<1x8xf32>
      %swap3A_260 = arith.index_cast %get3A_252 : i32 to index
      %swap3A_261 = arith.constant 0 : index
      %swap3A_262 = vector.load %arg5[%swap3A_260, %swap3A_261] : memref<10000x8xf32, #tpu.memory_space<vmem>>, vector<1x8xf32>
      tpu.vector_store %arg5[%swap3A_260, %swap3A_261], %add3A_259 {strides = array<i32>} : memref<10000x8xf32, #tpu.memory_space<vmem>>, vector<1x8xf32>,
      %scan3A_263 = arith.constant 15 : i32
      %scan3A_264 = arith.addi %scan3A_25, %scan3A_263 : i32
      %get3A_265 = arith.constant 0 : index
      %get3A_266 = arith.constant 0 : index
      %get3A_267 = arith.index_cast %scan3A_264 : i32 to index
      %get3A_268 = memref.load %arg1[%get3A_265, %get3A_266, %get3A_267] : memref<1x1x2000xi32, #tpu.memory_space<smem>>
      %get3A_269 = arith.index_cast %get3A_268 : i32 to index
      %get3A_270 = arith.constant 0 : index
      %get3A_271 = vector.load %arg5[%get3A_269, %get3A_270] : memref<10000x8xf32, #tpu.memory_space<vmem>>, vector<1x8xf32>
      %get3A_272 = arith.index_cast %scan3A_264 : i32 to index
      %get3A_273 = arith.constant 0 : index
      %get3A_274 = vector.load %arg4[%get3A_272, %get3A_273] : memref<2000x8xf32, #tpu.memory_space<vmem>>, vector<1x8xf32>
      %add3A_275 = arith.addf %get3A_271, %get3A_274 : vector<1x8xf32>
      %swap3A_276 = arith.index_cast %get3A_268 : i32 to index
      %swap3A_277 = arith.constant 0 : index
      %swap3A_278 = vector.load %arg5[%swap3A_276, %swap3A_277] : memref<10000x8xf32, #tpu.memory_space<vmem>>, vector<1x8xf32>
      tpu.vector_store %arg5[%swap3A_276, %swap3A_277], %add3A_275 {strides = array<i32>} : memref<10000x8xf32, #tpu.memory_space<vmem>>, vector<1x8xf32>,
    }
    %scan3A_19 = arith.constant 2000 : i32
    %eq3A_20 = arith.constant 79 : i32
    %eq3A_21 = arith.cmpi eq, %arg0, %eq3A_20 : i32
    %convert_element_type3A_22 = arith.extui %eq3A_21 : i1 to i32
    %cond3A_23 = arith.constant 0 : i32
    %cond3A_24 = arith.cmpi ne, %convert_element_type3A_22, %cond3A_23 : i32
    scf.if %cond3A_24 {
      %get3A_25 = arith.constant 0 : index
      %get3A_26 = arith.constant 0 : index
      %get3A_27 = vector.load %arg5[%get3A_25, %get3A_26] : memref<10000x8xf32, #tpu.memory_space<vmem>>, vector<10000x8xf32>
      %div3A_28 = arith.constant 1.250000e-01 : f32
      %div3A_29 = vector.broadcast %div3A_28 : f32 to vector<10000x8xf32>
      %div3A_30 = arith.divf %div3A_29, %get3A_27 : vector<10000x8xf32>
      %swap3A_31 = arith.constant 0 : index
      %swap3A_32 = arith.constant 0 : index
      %swap3A_33 = vector.load %arg6[%swap3A_31, %swap3A_32] : memref<10000x8xf32, #tpu.memory_space<vmem>>, vector<10000x8xf32>
      tpu.vector_store %arg6[%swap3A_31, %swap3A_32], %div3A_30 {strides = array<i32>} : memref<10000x8xf32, #tpu.memory_space<vmem>>, vector<10000x8xf32>,
    } else {
    }
    return
  }
  func.func @transform_0(%arg0: i32) -> (i32, i32, i32) {
    %c0_i32 = arith.constant 0 : i32
    %c0_i32_0 = arith.constant 0 : i32
    %c0_i32_1 = arith.constant 0 : i32
    return %arg0, %c0_i32, %c0_i32_0 : i32, i32, i32
  }
  func.func @transform_1(%arg0: i32) -> (i32, i32) {
    %c0_i32 = arith.constant 0 : i32
    %c0_i32_0 = arith.constant 0 : i32
    return %arg0, %c0_i32 : i32, i32
  }
  func.func @transform_2(%arg0: i32) -> (i32, i32, i32) {
    %c0_i32 = arith.constant 0 : i32
    %c0_i32_0 = arith.constant 0 : i32
    %c0_i32_1 = arith.constant 0 : i32
    %c0_i32_2 = arith.constant 0 : i32
    return %c0_i32, %c0_i32_0, %c0_i32_1 : i32, i32, i32
  }
  func.func @transform_3(%arg0: i32) -> (i32, i32) {
    %c0_i32 = arith.constant 0 : i32
    %c0_i32_0 = arith.constant 0 : i32
    return %arg0, %c0_i32 : i32, i32
  }
  func.func @transform_4(%arg0: i32) -> (i32, i32) {
    %c0_i32 = arith.constant 0 : i32
    %c0_i32_0 = arith.constant 0 : i32
    %c0_i32_1 = arith.constant 0 : i32
    return %c0_i32, %c0_i32_0 : i32, i32
  }
  func.func @transform_5(%arg0: i32) -> (i32, i32) {
    %c0_i32 = arith.constant 0 : i32
    %c0_i32_0 = arith.constant 0 : i32
    %c0_i32_1 = arith.constant 0 : i32
    return %c0_i32, %c0_i32_0 : i32, i32
  }
}

module attributes {stable_mosaic.version = 14 : i64} {
  func.func @_dense_body(%arg0: i32, %arg1: memref<1000x1024xf32, #tpu.memory_space<vmem>>, %arg2: memref<1000x1024xf32, #tpu.memory_space<vmem>>, %arg3: memref<1024x128xf32, #tpu.memory_space<vmem>>, %arg4: memref<1x128xf32, #tpu.memory_space<vmem>>, %arg5: memref<128x128xf32, #tpu.memory_space<vmem>>, %arg6: memref<1x128xf32, #tpu.memory_space<vmem>>, %arg7: memref<1000x128xf32, #tpu.memory_space<vmem>>, %arg8: memref<1000x128xf32, #tpu.memory_space<vmem>>) attributes {dimension_semantics = [#tpu.dimension_semantics<arbitrary>], iteration_bounds = array<i64: 10>, scalar_prefetch = 0 : i64, scratch_operands = 0 : i64, tpu.core_type = #tpu.core_type<tc>, window_params = [{transform_indices = @transform_0, window_bounds = array<i64: 1000, 1024>}, {transform_indices = @transform_1, window_bounds = array<i64: 1000, 1024>}, {pipeline_mode = #tpu.pipeline_mode<synchronous>, transform_indices = @transform_2, window_bounds = array<i64: 1024, 128>}, {pipeline_mode = #tpu.pipeline_mode<synchronous>, transform_indices = @transform_3, window_bounds = array<i64: 1, 128>}, {pipeline_mode = #tpu.pipeline_mode<synchronous>, transform_indices = @transform_4, window_bounds = array<i64: 128, 128>}, {pipeline_mode = #tpu.pipeline_mode<synchronous>, transform_indices = @transform_5, window_bounds = array<i64: 1, 128>}, {transform_indices = @transform_6, window_bounds = array<i64: 1000, 128>}, {transform_indices = @transform_7, window_bounds = array<i64: 1000, 128>}]} {
    %get3A = arith.constant 0 : index
    %get3A_0 = arith.constant 0 : index
    %get3A_1 = vector.load %arg1[%get3A, %get3A_0] : memref<1000x1024xf32, #tpu.memory_space<vmem>>, vector<1000x1024xf32>
    %get3A_2 = arith.constant 0 : index
    %get3A_3 = arith.constant 0 : index
    %get3A_4 = vector.load %arg2[%get3A_2, %get3A_3] : memref<1000x1024xf32, #tpu.memory_space<vmem>>, vector<1000x1024xf32>
    %add3A = arith.addf %get3A_1, %get3A_4 : vector<1000x1024xf32>
    %max3A = arith.constant 0.000000e+00 : f32
    %max3A_5 = vector.broadcast %max3A : f32 to vector<1000x1024xf32>
    %max3A_6 = arith.maximumf %add3A, %max3A_5 : vector<1000x1024xf32>
    %get3A_7 = arith.constant 0 : index
    %get3A_8 = arith.constant 0 : index
    %get3A_9 = vector.load %arg3[%get3A_7, %get3A_8] : memref<1024x128xf32, #tpu.memory_space<vmem>>, vector<1024x128xf32>
    %dot_general3A = arith.constant dense<0.000000e+00> : vector<1000x128xf32>
    %dot_general3A_10 = tpu.matmul %max3A_6, %get3A_9, %dot_general3A {dimension_numbers = #tpu.dot_dimension_numbers<[1], [0], [0], [1], [0, 0, 1, 1], [], []>, transpose_lhs_hint = false} : vector<1000x1024xf32>, vector<1024x128xf32>, vector<1000x128xf32> -> vector<1000x128xf32>
    %get3A_11 = arith.constant 0 : index
    %get3A_12 = arith.constant 0 : index
    %get3A_13 = vector.load %arg4[%get3A_11, %get3A_12] : memref<1x128xf32, #tpu.memory_space<vmem>>, vector<1x128xf32>
    %add3A_14 = vector.broadcast %get3A_13 : vector<1x128xf32> to vector<1000x128xf32>
    %add3A_15 = arith.addf %dot_general3A_10, %add3A_14 : vector<1000x128xf32>
    %max3A_16 = arith.constant 0.000000e+00 : f32
    %max3A_17 = vector.broadcast %max3A_16 : f32 to vector<1000x128xf32>
    %max3A_18 = arith.maximumf %add3A_15, %max3A_17 : vector<1000x128xf32>
    %get3A_19 = arith.constant 0 : index
    %get3A_20 = arith.constant 0 : index
    %get3A_21 = vector.load %arg5[%get3A_19, %get3A_20] : memref<128x128xf32, #tpu.memory_space<vmem>>, vector<128x128xf32>
    %dot_general3A_22 = arith.constant dense<0.000000e+00> : vector<1000x128xf32>
    %dot_general3A_23 = tpu.matmul %max3A_18, %get3A_21, %dot_general3A_22 {dimension_numbers = #tpu.dot_dimension_numbers<[1], [0], [0], [1], [0, 0, 1, 1], [], []>, transpose_lhs_hint = false} : vector<1000x128xf32>, vector<128x128xf32>, vector<1000x128xf32> -> vector<1000x128xf32>
    %get3A_24 = arith.constant 0 : index
    %get3A_25 = arith.constant 0 : index
    %get3A_26 = vector.load %arg6[%get3A_24, %get3A_25] : memref<1x128xf32, #tpu.memory_space<vmem>>, vector<1x128xf32>
    %add3A_27 = vector.broadcast %get3A_26 : vector<1x128xf32> to vector<1000x128xf32>
    %add3A_28 = arith.addf %dot_general3A_23, %add3A_27 : vector<1000x128xf32>
    %max3A_29 = arith.constant 0.000000e+00 : f32
    %max3A_30 = vector.broadcast %max3A_29 : f32 to vector<1000x128xf32>
    %max3A_31 = arith.maximumf %add3A_28, %max3A_30 : vector<1000x128xf32>
    %get3A_32 = arith.constant 0 : index
    %get3A_33 = arith.constant 0 : index
    %get3A_34 = vector.load %arg7[%get3A_32, %get3A_33] : memref<1000x128xf32, #tpu.memory_space<vmem>>, vector<1000x128xf32>
    %add3A_35 = arith.addf %get3A_34, %max3A_31 : vector<1000x128xf32>
    %swap3A = arith.constant 0 : index
    %swap3A_36 = arith.constant 0 : index
    %swap3A_37 = vector.load %arg8[%swap3A, %swap3A_36] : memref<1000x128xf32, #tpu.memory_space<vmem>>, vector<1000x128xf32>
    tpu.vector_store %arg8[%swap3A, %swap3A_36], %add3A_35 {strides = array<i32>} : memref<1000x128xf32, #tpu.memory_space<vmem>>, vector<1000x128xf32>,
    return
  }
  func.func @transform_0(%arg0: i32) -> (i32, i32) {
    %c0_i32 = arith.constant 0 : i32
    %c0_i32_0 = arith.constant 0 : i32
    return %arg0, %c0_i32 : i32, i32
  }
  func.func @transform_1(%arg0: i32) -> (i32, i32) {
    %c0_i32 = arith.constant 0 : i32
    %c0_i32_0 = arith.constant 0 : i32
    return %arg0, %c0_i32 : i32, i32
  }
  func.func @transform_2(%arg0: i32) -> (i32, i32) {
    %c0_i32 = arith.constant 0 : i32
    %c0_i32_0 = arith.constant 0 : i32
    %c0_i32_1 = arith.constant 0 : i32
    return %c0_i32, %c0_i32_0 : i32, i32
  }
  func.func @transform_3(%arg0: i32) -> (i32, i32) {
    %c0_i32 = arith.constant 0 : i32
    %c0_i32_0 = arith.constant 0 : i32
    %c0_i32_1 = arith.constant 0 : i32
    return %c0_i32, %c0_i32_0 : i32, i32
  }
  func.func @transform_4(%arg0: i32) -> (i32, i32) {
    %c0_i32 = arith.constant 0 : i32
    %c0_i32_0 = arith.constant 0 : i32
    %c0_i32_1 = arith.constant 0 : i32
    return %c0_i32, %c0_i32_0 : i32, i32
  }
  func.func @transform_5(%arg0: i32) -> (i32, i32) {
    %c0_i32 = arith.constant 0 : i32
    %c0_i32_0 = arith.constant 0 : i32
    %c0_i32_1 = arith.constant 0 : i32
    return %c0_i32, %c0_i32_0 : i32, i32
  }
  func.func @transform_6(%arg0: i32) -> (i32, i32) {
    %c0_i32 = arith.constant 0 : i32
    %c0_i32_0 = arith.constant 0 : i32
    return %arg0, %c0_i32 : i32, i32
  }
  func.func @transform_7(%arg0: i32) -> (i32, i32) {
    %c0_i32 = arith.constant 0 : i32
    %c0_i32_0 = arith.constant 0 : i32
    return %arg0, %c0_i32 : i32, i32
  }
}

</mosaic_0001>

<sc_bundles>
// kernel: kernel.7.cloned.1.call-start
scs
__scs_entry_jumppad:
0x0: {  	(pc) =	sbr.rel $0x88, $3  }
0x1: {  	(tag) =	ssettag $0x0;
	lr =	simm.s32 $0x1  }
0x2: {  	[smem:$0x3F95] =	sst lr;
	_ =	strace $0xD0000000  }
0x3: {  	_ = 	snop  }
0x4: {  	_ = 	snop  }
0x5: {  	_ = 	snop  }
0x6: {  	_ = 	snop  }
0x7: {  	_ = 	snop  }
__scs_overlays_trampoline_lowered:
0x8: {  	[smem:$0x3FA4] =	sst s0  }
0x9: {  	[smem:$0x3FA5] =	sst s1  }
0xa: {  	[smem:$0x3FA6] =	sst s2  }
0xb: {  	[smem:$0x3FA7] =	sst s3  }
0xc: {  	[smem:$0x3FA8] =	sst s4  }
0xd: {  	[smem:$0x3FA9] =	sst s5  }
0xe: {  	[smem:$0x3FAA] =	sst s6  }
0xf: {  	[smem:$0x3FAB] =	sst s7  }
0x10: {  	[smem:$0x3FAC] =	sst s8  }
0x11: {  	[smem:$0x3FAD] =	sst s9;
	s0 =	simm.s32 @!p0 $0x0  }
0x12: {  	s1 =	sld [smem:$0x3F93];
	s0 =	simm.s32 @p0 $0x1  }
0x13: {  	[smem:$0x3FAE] =	sst s0;
	s0 =	simm.s32 @!p1 $0x0  }
0x14: {  	s2 =	sld [smem:$0x3F92];
	s0 =	simm.s32 @p1 $0x1  }
0x15: {  	[smem:$0x3FAF] =	sst s0;
	s0 =	simm.s32 @!p2 $0x0  }
0x16: {  	s3 =	sld [smem:$0x3FDB];
	s0 =	simm.s32 @p2 $0x1  }
0x17: {  	s4 =	simm.s32 $0x1BF5;
	[smem:$0x3FB1] =	sst s0  }
0x18: {  	s0 =	sld [smem:$0x3F94];
	_ =	swait.ge [sflag:s4], $0x0  }
0x19: {  	s7 =	sld [smem:$0x3F95]  }
0x1a: {  	s8 =	sadd.s32 $0xFFFFE003, lr  }
0x1b: {  	s9 =	sadd.s32 $0xFFFFFEF7, lr;
	s5 =	simm.s32 $0xFFFFFFFF;
	p2 =	slt.u32 s8, $0xFFFFF086  }
0x1c: {  	p1 =	slt.u32 s9, $0xF7A;
	s5 =	simm.s32 @!p2 $0x0  }
0x1d: {  	s5 =	simm.s32 @p1 $0x1;
	p0 =	seq.s32 s7, s2  }
0x1e: {  	s7 =	smul.u32 @!p0 $0xF7A, s2;
	p2 =	seq.s32 @!p0 s5, $0x0  }
0x1f: {  	s9 =	smul.u32 $0xF7A, s1;
	s8 =	simm.s32 @!p0 $0x1BF5;
	p2 =	por !p2, p0  }
0x20: {  	[sflag:s8] =	ssyncset.s32 @!p0 $0xFFFFF086;
	s6 =	sadd.s32 @!p0 s3, s7;
	s7 =	simm.s32 @!p0 $0x108  }
0x21: {  	s3 =	sadd.s32 s3, s9;
	s6 =	sadd.s32 @!p0 $0x88, s6;
	s7 =	simm.s32 @p2 $0x1082  }
0x22: {  	[simem:s7], [sflag:s8] =	dma.local @!p0 [hbm:s6], $0xF7A  }
0x23: {  	s9 =	sor.u32 $0xD0000000, s2;
	s6 =	simm.s32 $0x108;
	_ =	swait.ge @!p0 [sflag:s8], $0x0  }
0x24: {  	s3 =	sadd.s32 $0x88, s3;
	s6 =	simm.s32 @!p1 $0x1082;
	[sflag:s4] =	ssyncset.s32 $0xFFFFF086  }
0x25: {  	[simem:s6], [sflag:s4] =	dma.local [hbm:s3], $0xF7A  }
0x26: {  	[smem:$0x3F95] =	sst s1;
	(tag) =	ssettag s2;
	_ =	strace s9  }
0x27: {  	s1 =	sld [smem:$0x3FA5]  }
0x28: {  	s2 =	sld [smem:$0x3FA6]  }
0x29: {  	s4 =	sld [smem:$0x3FA8]  }
0x2a: {  	p0 =	seq.s32 s5, $0x0;
	s5 =	sld [smem:$0x3FA9]  }
0x2b: {  	s6 =	sld [smem:$0x3FAA]  }
0x2c: {  	s7 =	sld [smem:$0x3FAB]  }
0x2d: {  	s3 =	simm.s32 $0x108;
	s8 =	sld [smem:$0x3FAC]  }
0x2e: {  	s3 =	simm.s32 @!p0 $0x1082;
	s9 =	sld [smem:$0x3FAD]  }
0x2f: {  	lr =	sadd.s32 s0, s3;
	s0 =	sld [smem:$0x3FA4]  }
0x30: {  	s3 =	sld [smem:$0x3FA7]  }
0x31: {  	[smem:$0x3FB0] =	sst s10  }
0x32: {  	s10 =	sld [smem:$0x3FAE];
	_ =	sdelay $0x3  }
0x33: {  	p0 =	seq.s32 s10, $0x1;
	s10 =	sld [smem:$0x3FB0];
	_ =	sdelay $0x3  }
0x34: {  	[smem:$0x3FB0] =	sst s10  }
0x35: {  	s10 =	sld [smem:$0x3FAF];
	_ =	sdelay $0x3  }
0x36: {  	p1 =	seq.s32 s10, $0x1;
	s10 =	sld [smem:$0x3FB0];
	_ =	sdelay $0x3  }
0x37: {  	[smem:$0x3FB0] =	sst s10  }
0x38: {  	s10 =	sld [smem:$0x3FB1]  }
0x39: {  	_ = 	snop;
	(pc) =	sbr.ind lr, $3  }
0x3a: {  	_ = 	snop  }
0x3b: {  	_ = 	snop  }
0x3c: {  	p2 =	seq.s32 s10, $0x1;
	s10 =	sld [smem:$0x3FB0]  }
0x3d: {  	_ =	shalt  }
0x3e: {  	_ =	shalt  }
0x3f: {  	_ =	shalt  }
0x40: {  	_ =	shalt  }
0x41: {  	_ =	shalt  }
0x42: {  	_ =	shalt  }
0x43: {  	_ =	shalt  }
0x44: {  	_ =	shalt  }
0x45: {  	_ =	shalt  }
0x46: {  	_ =	shalt  }
0x47: {  	_ =	shalt  }
0x48: {  	_ =	shalt  }
0x49: {  	_ =	shalt  }
0x4a: {  	_ =	shalt  }
0x4b: {  	_ =	shalt  }
0x4c: {  	_ =	shalt  }
0x4d: {  	_ =	shalt  }
0x4e: {  	_ =	shalt  }
0x4f: {  	_ =	shalt  }
0x50: {  	_ =	shalt  }
0x51: {  	_ =	shalt  }
0x52: {  	_ =	shalt  }
0x53: {  	_ =	shalt  }
0x54: {  	_ =	shalt  }
0x55: {  	_ =	shalt  }
0x56: {  	_ =	shalt  }
0x57: {  	_ =	shalt  }
0x58: {  	_ =	shalt  }
0x59: {  	_ =	shalt  }
0x5a: {  	_ =	shalt  }
0x5b: {  	_ =	shalt  }
0x5c: {  	_ =	shalt  }
0x5d: {  	_ =	shalt  }
0x5e: {  	_ =	shalt  }
0x5f: {  	_ =	shalt  }
0x60: {  	_ =	shalt  }
0x61: {  	_ =	shalt  }
0x62: {  	_ =	shalt  }
0x63: {  	_ =	shalt  }
0x64: {  	_ =	shalt  }
0x65: {  	_ =	shalt  }
0x66: {  	_ =	shalt  }
0x67: {  	_ =	shalt  }
0x68: {  	_ =	shalt  }
0x69: {  	_ =	shalt  }
0x6a: {  	_ =	shalt  }
0x6b: {  	_ =	shalt  }
0x6c: {  	_ =	shalt  }
0x6d: {  	_ =	shalt  }
0x6e: {  	_ =	shalt  }
0x6f: {  	_ =	shalt  }
0x70: {  	_ =	shalt  }
0x71: {  	_ =	shalt  }
0x72: {  	_ =	shalt  }
0x73: {  	_ =	shalt  }
0x74: {  	_ =	shalt  }
0x75: {  	_ =	shalt  }
0x76: {  	_ =	shalt  }
0x77: {  	_ =	shalt  }
0x78: {  	_ =	shalt  }
0x79: {  	_ =	shalt  }
0x7a: {  	_ =	shalt  }
0x7b: {  	_ =	shalt  }
0x7c: {  	_ =	shalt  }
0x7d: {  	_ =	shalt  }
0x7e: {  	_ =	shalt  }
0x7f: {  	_ =	shalt  }
0x80: {  	_ =	shalt  }
0x81: {  	_ =	shalt  }
0x82: {  	_ =	shalt  }
0x83: {  	_ =	shalt  }
0x84: {  	_ =	shalt  }
0x85: {  	_ =	shalt  }
0x86: {  	_ =	shalt  }
0x87: {  	_ =	shalt  }
.Lfunc_end0:
.L_simem_size_0:
called_computation.2_lowered:
.L_overlay_start_0:
0x88: {  	s2 =	sld [smem:$0x3FD9]  }
0x89: {  	s3 =	sld [smem:$0x3FFE];
	_ =	sdelay $0x1  }
0x8a: {  	s1 =	srdreg.scid  }
0x8b: {  	s0 =	sand.u32 $0x1, s1  }
0x8c: {  	s16 =	sshll.u32 s0, $0xA;
	s2 =	sadd.s32 s3, s2  }
0x8d: {  	s2 =	sadd.s32 s2, s16  }
0x8e: {  	[smem:$0x3FBC] =	sst s2  }
0x8f: {  	_ = 	snop  }
0x90: {  	(tm) =	ssettm $0x1  }
0x91: {  	s17 =	sld [smem:$0x3FFB];
	_ =	sdelay $0x3  }
0x92: {  	_ =	strace s17  }
0x93: {  	s2 =	sld [smem:$0x3FFC];
	_ =	sdelay $0x3  }
0x94: {  	_ =	strace s2  }
0x95: {  	s2 =	sld [smem:$0x3FFD];
	_ =	sdelay $0x3  }
0x96: {  	_ =	strace s2  }
0x97: {  	_ =	strace $0x8FFFFFFF  }
0x98: {  	s18 =	sld [smem:$0x3FDB];
	_ =	sdelay $0x1  }
0x99: {  	s19 =	simm.s32 $_scs_section_size  }
0x9a: {  	s4 =	simm.s32 $_size__tile_overlayer_lowered;
	s5 =	simm.s32 $_tile_overlayer_lowered  }
0x9b: {  	s22 =	simm.s32 $0x1BFF;
	s21 =	sshll.u32 s5, $0x1;
	s2 =	sadd.s32 s19, s18  }
0x9c: {  	s6 =	simm.s32 $0x0;
	s20 =	sshll.u32 s4, $0x1;
	s4 =	sadd.s32 s21, s2  }
0x9d: {  	[timem:s6], [sflag:s22] =	dma.local [hbm:s4], s20  }
0x9e: {  	_ =	swait.ge [sflag:s22], s20  }
0x9f: {  	s3 =	ssub.s32 $0x0, s20;
	[sflag:s22] =	ssyncset.done $0x0  }
0xa0: {  	[sflag:s22] =	ssyncadd.s32 s3;
	_ =	sdelay $0x1  }
0xa1: {  	s23 =	simm.s32 $0x1B8B  }
0xa2: {  	_ =	swait.ge [sflag:s23], $0x1  }
0xa3: {  	[sflag:s23] =	ssyncset.done $0x0  }
0xa4: {  	s25 =	simm.s32 $0x1B8E;
	s24 =	sld [smem:$0x3FFE];
	[sflag:s23] =	ssyncadd.s32 $0xFFFFFFFF  }
0xa5: {  	s26 =	simm.s32 $execute0_lowered;
	[smem:$0x3FD2] =	sst s25  }
0xa6: {  	s4 =	sshll.u32 s26, $0x1;
	_ =	strace $0x80000046;
	[dreg:$0x1] =	wrdreg $0xFFFFFFFF  }
0xa7: {  	s28 =	simm.s32 $_size_execute0_lowered;
	s2 =	sadd.s32 s2, s4;
	[dreg:$0x0] =	wrdreg $0x0  }
0xa8: {  	s4 =	sshll.u32 s28, $0x1;
	[dreg:$0x2] =	wrdreg s2  }
0xa9: {  	[dreg:$0x3] =	wrdreg s4  }
0xaa: {  	[dreg:$0x4] =	wrdreg $0xC0  }
0xab: {  	_ =	task [dreg:s6], $0x5FFFF  }
0xac: {  	[dreg:$0x1] =	wrdreg $0xFFFFFFFF  }
0xad: {  	[dreg:$0x0] =	wrdreg $0x60  }
0xae: {  	[dreg:$0x2] =	wrdreg s24  }
0xaf: {  	[dreg:$0x3] =	wrdreg $0xAC000  }
0xb0: {  	[dreg:$0x4] =	wrdreg $0x9  }
0xb1: {  	_ =	task.clear_ibuf [dreg:s6], $0x5FFFF;
	_ =	strace $0x90000046  }
0xb2: {  	s29 =	simm.s32 $0x9;
	_ =	strace $0x80000048  }
0xb3: {  	_ =	swait.ge [sflag:s29], $0x1  }
0xb4: {  	[sflag:s29] =	ssyncadd.s32 $0xFFFFFFFF  }
0xb5: {  	_ =	strace $0x90000048  }
0xb6: {  	_ =	sfence  }
0xb7: {  	s30 =	sld [smem:$0x0];
	_ =	sdelay $0x2  }
0xb8: {  	s31 =	sshll.u32 s1, $0xD;
	s1 =	sshrl.u32 s1, $0x2  }
0xb9: {  	s3 =	sand.u32 $0x4000, s31;
	s1 =	sadd.s32 s1, s30  }
0xba: {  	s0 =	sor.u32 s3, s0;
	s1 =	sshll.u32 s1, $0x11  }
0xbb: {  	s0 =	sor.u32 s1, s0  }
0xbc: {  	s0 =	sadd.s32 $0x8F2B, s0  }
0xbd: {  	[sflag:s0] =	ssyncadd.remote.s32 $0x1  }
0xbe: {  	_ =	sfence.sel $0xFFFF  }
0xbf: {  	[dreg:$0x0] =	wrdreg $0xFFFFFFFF;
	(pc) =	sbr.abs _section_cstart, $3  }
0xc0: {  	[dreg:$0x1] =	wrdreg $0xFFFFFFFF  }
0xc1: {  	_ =	task.clear_ibuf [dreg:s6], $0x2FFFF;
	_ =	strace $0x9FFFFFFF  }
0xc2: {  	(tm) =	ssettm $0x7FFFFFFF  }
0xc3: {  	_ =	shalt  }
tec
execute0_lowered:
.L_overlay_start_1:
0x0: {  	(tag) =	ssettag $0x1  }
0x1: {  	s0 =	rddreg [dreg:$0x0]  }
0x2: {  	s1 =	rddreg [dreg:$0x1];
	s13 =	simm.s32 $0x0;
	s2 =	srdreg.scid  }
0x3: {  	s14 =	stileid.u32;
	s29 =	simm.s32 $0x2;
	s30 =	simm.s32 $0x2780  }
0x4: {  	s28 =	simm.s32 $0x2B00;
	s31 =	simm.s32 $0x2A00;
	[smem:$0x7FF] =	sst s13  }
0x5: {  	s4 =	sadd.s32 $0x273200, s0;
	s5 =	sadd.s32 $0x2200, s0;
	s6 =	sadd.s32 $0xC200, s0  }
0x6: {  	s3 =	smul.u32 $0x4E000, s14;
	s7 =	sadd.s32 $0x34200, s0;
	s8 =	sadd.s32 $0x3ABA00, s0  }
0x7: {  	s2 =	sand.u32 $0x1, s2;
	s12 =	sadd.s32 $0x124800, s1;
	s19 =	sadd.s32 $0x128800, s1  }
0x8: {  	s21 =	sadd.s32 $0x12C800, s1;
	_ =	strace $0x80000047;
	[dreg:$0x4] =	wrdreg s7  }
0x9: {  	s23 =	sadd.s32 $0x130800, s1;
	s24 =	smul.u32 $0x13800, s14;
	[dreg:$0x7] =	wrdreg s19  }
0xa: {  	p0 =	seq.s32 s14, $0xF;
	s15 =	ssub.s32 $0x2, s2;
	[dreg:$0x9] =	wrdreg s21  }
0xb: {  	s9 =	sshll.u32 s2, $0x4;
	s2 =	smul.u32 $0x9C4000, s2;
	[dreg:$0xb] =	wrdreg s23  }
0xc: {  	s7 =	simm.s32 $0x2B80;
	s16 =	sshrl.u32 s15, $0x1;
	s3 =	sshrl.u32 s3, $0x2  }
0xd: {  	s17 =	sor.u32 s14, s9;
	s0 =	ssub.s32 s15, s16;
	s15 =	sadd.s32 $0x134800, s1  }
0xe: {  	s9 =	sadd.s32 s3, s1;
	s26 =	sadd.s32 s2, s24;
	[dreg:$0xc] =	wrdreg s15  }
0xf: {  	s10 =	smul.u32 $0x1400, s17;
	s3 =	sadd.s32 $0x4000, s9;
	[dreg:$0xf] =	wrdreg s26  }
0x10: {  	s20 =	smul.u32 $0x500, s17;
	s18 =	sadd.s32 $0x8000, s9;
	[dreg:$0x5] =	wrdreg s3  }
0x11: {  	s25 =	smul.u32 $0xA000, s17;
	s11 =	sadd.s32 $0xC000, s9;
	[dreg:$0x6] =	wrdreg s18  }
0x12: {  	s24 =	sadd.s32 $0x124800, s2;
	s22 =	sadd.s32 $0x10000, s9;
	[dreg:$0x8] =	wrdreg s11  }
0x13: {  	s2 =	simm.s32 $0x1;
	s0 =	smax.u32 s0, $0x1;
	[dreg:$0xa] =	wrdreg s22  }
0x14: {  	s26 =	simm.s32 $0x80;
	s3 =	sadd.s32 s5, s20;
	[dreg:$0xe] =	wrdreg s25  }
0x15: {  	s22 =	sor.u32 $0x100, s10;
	[dreg:$0x10] =	wrdreg s0;
	s25 =	simm.s32 $0x2C00  }
0x16: {  	v0 =	vimm.f32 $0.0e+00;
	s0 =	simm.s32 $0x6C00;
	[dreg:$0xd] =	wrdreg s3;
	s3 =	simm.s32 $0x2880  }
.LBB2_1:
0x17: {  	[dreg:$0x3] =	wrdreg s13;
	s11 =	simm.s32 $0x0  }
.LBB2_2:
0x18: {  	s14 =	sshll.u32 s11, $0x4;
	s13 =	rddreg [dreg:$0x4]  }
0x19: {  	s15 =	simm.s32 $0x0;
	s16 =	simm.s32 $0x400;
	s13 =	sadd.s32 s13, s14  }
0x1a: {  	[tilespmem:s15], [sflag:$0x2] =	stream.strided.gather [hbm4b:s13+s26], $0x2780, s16, s26, $0x38;
	[tilespmem:$0x1E480] =	vst v63  }
0x1b: {  	_ =	swait.ge [sflag:s29], $0x2780  }
0x1c: {  	[sflag:s29] =	ssyncset.done $0x0  }
0x1d: {  	s13 =	simm.s32 $0x0;
	s15 =	simm.s32 $0x200;
	[sflag:s29] =	ssyncadd.s32 $0xFFFFD880  }
.LBB2_3:
0x1e: {  	p1 =	sne.s32 s15, $0xFE00;
	[tilespmem:s13+$0x2C70] =	vst v0  }
0x1f: {  	[tilespmem:s13+$0x2C00] =	vst v0  }
0x20: {  	[tilespmem:s13+$0x2C10] =	vst v0  }
.Ltmp0:
0x21: {  	[tilespmem:s13+$0x2C20] =	vst v0;
	(pc) =	sbr.rel @p1 .LBB2_3-.Ltmp0, $4  }
0x22: {  	[tilespmem:s13+$0x2C30] =	vst v0  }
0x23: {  	[tilespmem:s13+$0x2C40] =	vst v0  }
0x24: {  	[tilespmem:s13+$0x2C50] =	vst v0  }
0x25: {  	[tilespmem:s13+$0x2C60] =	vst v0;
	s13 =	sshra.s32 s15, $0x2;
	s15 =	sadd.s32 $0x200, s15  }
0x26: {  	[tilespmem:s13+$0x2C70] =	vst v0  }
0x27: {  	[tilespmem:s13+$0x2C00] =	vst v0  }
0x28: {  	[tilespmem:s13+$0x2C10] =	vst v0  }
0x29: {  	[tilespmem:s13+$0x2C20] =	vst v0  }
0x2a: {  	[tilespmem:s13+$0x2C30] =	vst v0  }
0x2b: {  	[tilespmem:s13+$0x2C40] =	vst v0  }
0x2c: {  	[tilespmem:s13+$0x2C50] =	vst v0  }
0x2d: {  	[tilespmem:s13+$0x2C60] =	vst v0;
	s13 =	simm.s32 @p0 $0x2C00;
	s15 =	simm.s32 @p0 $0x2  }
0x2e: {  	[spmem:s12] =	stream.linear.scatter @p0 [tilespmem:s13], [sflag:$0x2], $0x4000, $0x38;
	[tilespmem:$0x1E480] =	vst v63  }
0x2f: {  	_ =	swait.ge @p0 [sflag:s15], $0x4000  }
0x30: {  	[sflag:s15] =	ssyncset.done @p0 $0x0  }
0x31: {  	s16 =	rddreg [dreg:$0x7];
	[sflag:s15] =	ssyncadd.s32 @p0 $0xFFFFC000  }
0x32: {  	[spmem:s16] =	stream.linear.scatter @p0 [tilespmem:s13], [sflag:$0x2], $0x4000, $0x38;
	[tilespmem:$0x1E480] =	vst v63  }
0x33: {  	_ =	swait.ge @p0 [sflag:s15], $0x4000  }
0x34: {  	[sflag:s15] =	ssyncset.done @p0 $0x0  }
0x35: {  	s16 =	rddreg [dreg:$0x9];
	[sflag:s15] =	ssyncadd.s32 @p0 $0xFFFFC000  }
0x36: {  	[spmem:s16] =	stream.linear.scatter @p0 [tilespmem:s13], [sflag:$0x2], $0x4000, $0x38;
	[tilespmem:$0x1E480] =	vst v63  }
0x37: {  	_ =	swait.ge @p0 [sflag:s15], $0x4000  }
0x38: {  	[sflag:s15] =	ssyncset.done @p0 $0x0  }
0x39: {  	s16 =	rddreg [dreg:$0xb];
	[sflag:s15] =	ssyncadd.s32 @p0 $0xFFFFC000  }
0x3a: {  	[spmem:s16] =	stream.linear.scatter @p0 [tilespmem:s13], [sflag:$0x2], $0x4000, $0x38;
	[tilespmem:$0x1E480] =	vst v63  }
0x3b: {  	_ =	swait.ge @p0 [sflag:s15], $0x4000  }
0x3c: {  	[sflag:s15] =	ssyncset.done @p0 $0x0  }
0x3d: {  	s16 =	rddreg [dreg:$0xc];
	[sflag:s15] =	ssyncadd.s32 @p0 $0xFFFFC000  }
0x3e: {  	[spmem:s16] =	stream.linear.scatter @p0 [tilespmem:s13], [sflag:$0x2], $0x4000, $0x38;
	[tilespmem:$0x1E480] =	vst v63  }
0x3f: {  	_ =	swait.ge @p0 [sflag:s15], $0x4000  }
0x40: {  	[sflag:s15] =	ssyncset.done @p0 $0x0  }
0x41: {  	s13 =	simm.s32 @!p0 $0x2C00;
	[sflag:s15] =	ssyncadd.s32 @p0 $0xFFFFC000;
	s15 =	simm.s32 @!p0 $0x2  }
0x42: {  	[spmem:s9] =	stream.linear.scatter @!p0 [tilespmem:s13], [sflag:$0x2], $0x4000, $0x38;
	[tilespmem:$0x1E480] =	vst v63  }
0x43: {  	_ =	swait.ge @!p0 [sflag:s15], $0x4000  }
0x44: {  	[sflag:s15] =	ssyncset.done @!p0 $0x0  }
0x45: {  	s16 =	rddreg [dreg:$0x5];
	[sflag:s15] =	ssyncadd.s32 @!p0 $0xFFFFC000  }
0x46: {  	[spmem:s16] =	stream.linear.scatter @!p0 [tilespmem:s13], [sflag:$0x2], $0x4000, $0x38;
	[tilespmem:$0x1E480] =	vst v63  }
0x47: {  	_ =	swait.ge @!p0 [sflag:s15], $0x4000  }
0x48: {  	[sflag:s15] =	ssyncset.done @!p0 $0x0  }
0x49: {  	s16 =	rddreg [dreg:$0x6];
	[sflag:s15] =	ssyncadd.s32 @!p0 $0xFFFFC000  }
0x4a: {  	[spmem:s16] =	stream.linear.scatter @!p0 [tilespmem:s13], [sflag:$0x2], $0x4000, $0x38;
	[tilespmem:$0x1E480] =	vst v63  }
0x4b: {  	_ =	swait.ge @!p0 [sflag:s15], $0x4000  }
0x4c: {  	[sflag:s15] =	ssyncset.done @!p0 $0x0  }
0x4d: {  	s16 =	rddreg [dreg:$0x8];
	[sflag:s15] =	ssyncadd.s32 @!p0 $0xFFFFC000  }
0x4e: {  	[spmem:s16] =	stream.linear.scatter @!p0 [tilespmem:s13], [sflag:$0x2], $0x4000, $0x38;
	[tilespmem:$0x1E480] =	vst v63  }
0x4f: {  	_ =	swait.ge @!p0 [sflag:s15], $0x4000  }
0x50: {  	[sflag:s15] =	ssyncset.done @!p0 $0x0  }
0x51: {  	s16 =	rddreg [dreg:$0xa];
	[sflag:s15] =	ssyncadd.s32 @!p0 $0xFFFFC000  }
0x52: {  	[spmem:s16] =	stream.linear.scatter @!p0 [tilespmem:s13], [sflag:$0x2], $0x3800, $0x38;
	[tilespmem:$0x1E480] =	vst v63  }
0x53: {  	_ =	swait.ge @!p0 [sflag:s15], $0x3800  }
0x54: {  	[sflag:s15] =	ssyncset.done @!p0 $0x0  }
0x55: {  	[sflag:s15] =	ssyncadd.s32 @!p0 $0xFFFFC800  }
0x56: {  	[bflag:$0x0] =	sbarrier.arrive $0xFFFF  }
0x57: {  	s13 =	simm.s32 $0x0;
	s18 =	rddreg [dreg:$0xd]  }
0x58: {  	[tilespmem:s30], [sflag:$0x2] =	stream.linear.gather [hbm4b:s18+s13], $0x100, $0x38;
	[tilespmem:$0x1E480] =	vst v63  }
0x59: {  	_ =	swait.ge [sflag:s29], $0x100  }
0x5a: {  	s17 =	sshll.u32 s11, $0x7;
	s19 =	rddreg [dreg:$0xe]  }
0x5b: {  	s15 =	sadd.s32 s19, s17  }
0x5c: {  	[sflag:s29] =	ssyncset.done $0x0;
	s15 =	sshrl.u32 s15, $0x3  }
0x5d: {  	s20 =	simm.s32 $0x2A80;
	[sflag:s29] =	ssyncadd.s32 $0xFFFFFF00;
	s15 =	sadd.s32 s6, s15  }
0x5e: {  	[tilespmem:s20], [sflag:$0x2] =	stream.linear.gather [hbm4b:s15+s13], $0x80, $0x38;
	[tilespmem:$0x1E480] =	vst v63  }
0x5f: {  	_ =	swait.ge [sflag:s29], $0x80  }
0x60: {  	[sflag:s29] =	ssyncset.done $0x0  }
0x61: {  	[sflag:s29] =	ssyncadd.s32 $0xFFFFFF80  }
0x62: {  	v1 =	vld [tilespmem:$0x2800]  }
0x63: {  	v2 =	vld [tilespmem:$0x2810]  }
0x64: {  	v3 =	vld [tilespmem:$0x2820]  }
0x65: {  	s21 =	smul.u32 $0x2710, s11;
	v4 =	vld [tilespmem:$0x2830]  }
0x66: {  	v5 =	vld [tilespmem:$0x2840]  }
0x67: {  	v6 =	vld [tilespmem:$0x2850];
	v1 =	vadd.s32 s21, v1  }
0x68: {  	[tilespmem:$0x2980] =	vst v1;
	v1 =	vadd.s32 s21, v2;
	v2 =	vld [tilespmem:$0x2860]  }
0x69: {  	[tilespmem:$0x2990] =	vst v1;
	v1 =	vadd.s32 s21, v3;
	v3 =	vld [tilespmem:$0x2870]  }
0x6a: {  	[tilespmem:$0x29A0] =	vst v1;
	v1 =	vadd.s32 s21, v4  }
0x6b: {  	[tilespmem:$0x29B0] =	vst v1;
	v1 =	vadd.s32 s21, v5  }
0x6c: {  	[tilespmem:$0x29C0] =	vst v1;
	v1 =	vadd.s32 s21, v6  }
0x6d: {  	[tilespmem:$0x29D0] =	vst v1;
	v1 =	vadd.s32 s21, v2  }
0x6e: {  	[tilespmem:$0x29E0] =	vst v1;
	v1 =	vadd.s32 s21, v3  }
0x6f: {  	s23 =	simm.s32 $0x2980;
	s14 =	sadd.s32 s6, s14;
	s15 =	simm.s32 $0x0;
	[tilespmem:$0x29F0] =	vst v1  }
0x70: {  	v1 =	vmov s21;
	[tilespmem:s25], [sflag:$0x1] =	stream.indirect.gather [hbm4b:s4+s26], $0x80, s23, s26, $0xb8;
	[tilespmem:$0x1E480] =	vst v63  }
.LBB2_5:
0x71: {  	s16 =	sshll.u32 s15, $0x8  }
0x72: {  	s17 =	sadd.s32 s16, s10  }
0x73: {  	_ =	swait.ge [sflag:s2], $0x4000;
	s17 =	sadd.s32 $0x80, s17  }
0x74: {  	[sflag:s2] =	ssyncset.done $0x0;
	s18 =	sshrl.u32 s17, $0x2  }
0x75: {  	[sflag:s2] =	ssyncadd.s32 $0xFFFFC000;
	s18 =	sadd.s32 s5, s18  }
0x76: {  	[tilespmem:s3], [sflag:$0x2] =	stream.linear.gather [hbm4b:s18+s13], $0x100, $0x38;
	[tilespmem:$0x1E480] =	vst v63  }
0x77: {  	_ =	swait.ge [sflag:s29], $0x100  }
0x78: {  	[sflag:s29] =	ssyncset.done $0x0  }
0x79: {  	s17 =	sadd.s32 s17, s14;
	[sflag:s29] =	ssyncadd.s32 $0xFFFFFF00  }
0x7a: {  	[tilespmem:s28], [sflag:$0x2] =	stream.linear.gather [hbm4b:s17+s13], $0x80, $0x38;
	[tilespmem:$0x1E480] =	vst v63  }
0x7b: {  	_ =	swait.ge [sflag:s29], $0x80  }
0x7c: {  	[sflag:s29] =	ssyncset.done $0x0  }
0x7d: {  	[sflag:s29] =	ssyncadd.s32 $0xFFFFFF80  }
0x7e: {  	v2 =	vld [tilespmem:$0x2900]  }
0x7f: {  	v3 =	vld [tilespmem:$0x2910]  }
0x80: {  	v4 =	vld [tilespmem:$0x2920]  }
0x81: {  	v5 =	vld [tilespmem:$0x2930]  }
0x82: {  	v6 =	vld [tilespmem:$0x2940]  }
0x83: {  	v7 =	vld [tilespmem:$0x2950];
	v2 =	vadd.s32 v1, v2  }
0x84: {  	[tilespmem:$0x2A00] =	vst v2;
	v2 =	vadd.s32 v1, v3;
	v3 =	vld [tilespmem:$0x2960]  }
0x85: {  	v63 =	vld [tilespmem:$0x2970];
	[tilespmem:$0x2A10] =	vst v2;
	v2 =	vadd.s32 v1, v4  }
0x86: {  	[tilespmem:$0x2A20] =	vst v2;
	v2 =	vadd.s32 v1, v5  }
0x87: {  	[tilespmem:$0x2A30] =	vst v2;
	v2 =	vadd.s32 v1, v6  }
0x88: {  	[tilespmem:$0x2A40] =	vst v2;
	v2 =	vadd.s32 v1, v7  }
0x89: {  	[tilespmem:$0x2A50] =	vst v2;
	v2 =	vadd.s32 v1, v3  }
0x8a: {  	[tilespmem:$0x2A60] =	vst v2;
	v2 =	vadd.s32 v1, v63  }
0x8b: {  	s21 =	simm.s32 $0x2C40;
	s18 =	simm.s32 $0x0;
	[tilespmem:$0x2A70] =	vst v2  }
0x8c: {  	[tilespmem:s0], [sflag:$0x1] =	stream.indirect.gather [hbm4b:s4+s26], $0x80, s31, s26, $0xb8;
	[tilespmem:$0x1E480] =	vst v63  }
.LBB2_6:
0x8d: {  	s17 =	sshll.u32 s18, $0x4  }
0x8e: {  	v2 =	vld [tilespmem:s17+$0x2780];
	_ =	sdelay $0x6  }
0x8f: {  	s19 =	simm.s32 $0x0;
	v3 =	vld [tilespmem:s17+$0x2A80]  }
0x90: {  	v2 =	vld.idx.msk [tilespmem:v2+s19+$0x0], $0xffff;
	_ =	sdelay $0x4  }
0x91: {  	v2 =	vmul.f32 v3, v2  }
0x92: {  	v3 =	vmov s19  }
0x93: {  	[tilespmem:$0x2B80] =	vst v2  }
0x94: {  	v6 =	vld [tilespmem:s21+$0x30]  }
0x95: {  	v9 =	vld [tilespmem:s21+$0x10]  }
0x96: {  	v7 =	vld [tilespmem:s21+$0xFFFFFFC0]  }
0x97: {  	v3 =	vld.idx.msk [tilespmem:v3+s7+$0x0], $0xffff  }
0x98: {  	v11 =	vld [tilespmem:s21+$0xFFFFFFE0]  }
0x99: {  	v2 =	vld [tilespmem:s21+$0xFFFFFFF0]  }
0x9a: {  	v4 =	vld [tilespmem:s21+$0x20]  }
0x9b: {  	v5 =	vld [tilespmem:s21+$0xFFFFFFD0]  }
0x9c: {  	v10 =	vmul.f32 v6, v3;
	v6 =	vld [tilespmem:s21+$0x0]  }
0x9d: {  	v8 =	vmul.f32 v7, v3  }
0x9e: {  	s20 =	simm.s32 $0x1;
	s17 =	smov.u32 s21;
	s19 =	smov.u32 s21;
	v7 =	vmul.f32 v11, v3;
	v9 =	vmul.f32 v9, v3  }
.LBB2_7:
0x9f: {  	p1 =	sne.s32 s20, $0xF  }
0xa0: {  	v5 =	vmul.f32 v5, v3;
	v4 =	vmul.f32 v4, v3;
	[tilespmem:s17+$0x30] =	vst v10;
	s19 =	sadd.s32 $0x80, s19;
	s23 =	smov.u32 s20;
	s20 =	sadd.s32 $0x1, s20  }
0xa1: {  	[tilespmem:s17+$0xFFFFFFC0] =	vst v8;
	v8 =	vmul.f32 v2, v3;
	v3 =	vmul.f32 v6, v3  }
0xa2: {  	[tilespmem:s17+$0x10] =	vst v9  }
0xa3: {  	v6 =	vmov s23;
	[tilespmem:s17+$0xFFFFFFE0] =	vst v7  }
0xa4: {  	v2 =	vld [tilespmem:s19+$0xFFFFFFF0];
	[tilespmem:s17+$0xFFFFFFF0] =	vst v8  }
0xa5: {  	v7 =	vld [tilespmem:s19+$0x30];
	[tilespmem:s17+$0x0] =	vst v3  }
0xa6: {  	v9 =	vld [tilespmem:s19+$0x10];
	[tilespmem:s17+$0x20] =	vst v4  }
0xa7: {  	v8 =	vld [tilespmem:s19+$0xFFFFFFC0];
	[tilespmem:s17+$0xFFFFFFD0] =	vst v5;
	s17 =	smov.u32 s19  }
0xa8: {  	v3 =	vld.idx.msk [tilespmem:v6+s7+$0x0], $0xffff  }
0xa9: {  	v11 =	vld [tilespmem:s19+$0xFFFFFFE0]  }
0xaa: {  	v4 =	vld [tilespmem:s19+$0x20]  }
.Ltmp1:
0xab: {  	v5 =	vld [tilespmem:s19+$0xFFFFFFD0];
	(pc) =	sbr.rel @p1 .LBB2_7-.Ltmp1, $3  }
0xac: {  	v6 =	vld [tilespmem:s19+$0x0];
	_ =	sdelay $0x1  }
0xad: {  	v8 =	vmul.f32 v8, v3;
	v10 =	vmul.f32 v7, v3  }
0xae: {  	v9 =	vmul.f32 v9, v3;
	v7 =	vmul.f32 v11, v3  }
0xaf: {  	[tilespmem:s17+$0x30] =	vst v10  }
0xb0: {  	[tilespmem:s17+$0xFFFFFFC0] =	vst v8;
	s18 =	sadd.s32 $0x1, s18  }
0xb1: {  	v2 =	vmul.f32 v2, v3;
	[tilespmem:s17+$0x10] =	vst v9;
	p1 =	sne.s32 s18, $0x8  }
.Ltmp2:
0xb2: {  	v4 =	vmul.f32 v4, v3;
	[tilespmem:s17+$0xFFFFFFE0] =	vst v7;
	(pc) =	sbr.rel @p1 .LBB2_6-.Ltmp2, $4  }
0xb3: {  	v6 =	vmul.f32 v6, v3;
	[tilespmem:s17+$0xFFFFFFF0] =	vst v2  }
0xb4: {  	v2 =	vmul.f32 v5, v3;
	[tilespmem:s17+$0x20] =	vst v4  }
0xb5: {  	[tilespmem:s17+$0x0] =	vst v6  }
0xb6: {  	s21 =	sadd.s32 $0x800, s21;
	[tilespmem:s17+$0xFFFFFFD0] =	vst v2  }
0xb7: {  	[spmem:s1] =	stream.indirect.scatter.add.f32 [tilespmem:s25], [sflag:$0x2], $0x80, s30, s26, $0xb8;
	[tilespmem:$0x1E480] =	vst v63  }
0xb8: {  	_ =	swait.ge [sflag:s29], $0x4000  }
0xb9: {  	[sflag:s29] =	ssyncset.done $0x0  }
0xba: {  	p1 =	seq.s32 s15, $0x13;
	[sflag:s29] =	ssyncadd.s32 $0xFFFFC000  }
0xbb: {  	s16 =	sadd.s32 @!p1 s16, s22;
	_ =	swait.ge [sflag:s2], $0x4000  }
0xbc: {  	s18 =	simm.s32 @!p1 $0x0;
	s17 =	sshrl.u32 @!p1 s16, $0x2;
	[sflag:s2] =	ssyncset.done $0x0  }
0xbd: {  	s19 =	simm.s32 @!p1 $0x2780;
	s17 =	sadd.s32 @!p1 s5, s17;
	[sflag:s2] =	ssyncadd.s32 $0xFFFFC000  }
0xbe: {  	[tilespmem:s19], [sflag:$0x2] =	stream.linear.gather @!p1 [hbm4b:s17+s18], $0x100, $0x38;
	[tilespmem:$0x1E480] =	vst v63  }
0xbf: {  	s17 =	simm.s32 @!p1 $0x2  }
0xc0: {  	_ =	swait.ge @!p1 [sflag:s17], $0x100  }
0xc1: {  	[sflag:s17] =	ssyncset.done @!p1 $0x0  }
0xc2: {  	s16 =	sadd.s32 @!p1 s16, s14;
	s19 =	simm.s32 @!p1 $0x2A80;
	[sflag:s17] =	ssyncadd.s32 @!p1 $0xFFFFFF00  }
0xc3: {  	[tilespmem:s19], [sflag:$0x2] =	stream.linear.gather @!p1 [hbm4b:s16+s18], $0x80, $0x38;
	[tilespmem:$0x1E480] =	vst v63  }
0xc4: {  	_ =	swait.ge @!p1 [sflag:s17], $0x80  }
0xc5: {  	[sflag:s17] =	ssyncset.done @!p1 $0x0  }
0xc6: {  	[sflag:s17] =	ssyncadd.s32 @!p1 $0xFFFFFF80  }
0xc7: {  	v2 =	vld @!p1 [tilespmem:$0x2800]  }
0xc8: {  	v3 =	vld @!p1 [tilespmem:$0x2810]  }
0xc9: {  	v4 =	vld @!p1 [tilespmem:$0x2820]  }
0xca: {  	v5 =	vld @!p1 [tilespmem:$0x2830]  }
0xcb: {  	v6 =	vld @!p1 [tilespmem:$0x2840]  }
0xcc: {  	v7 =	vld @!p1 [tilespmem:$0x2850];
	v2 =	vadd.s32 @!p1 v1, v2  }
0xcd: {  	[tilespmem:$0x2980] =	vst @!p1 v2;
	v2 =	vadd.s32 @!p1 v1, v3;
	v3 =	vld @!p1 [tilespmem:$0x2860]  }
0xce: {  	[tilespmem:$0x2990] =	vst @!p1 v2;
	v2 =	vadd.s32 @!p1 v1, v4;
	v4 =	vld @!p1 [tilespmem:$0x2870]  }
0xcf: {  	[tilespmem:$0x29A0] =	vst @!p1 v2;
	v2 =	vadd.s32 @!p1 v1, v5  }
0xd0: {  	[tilespmem:$0x29B0] =	vst @!p1 v2;
	v2 =	vadd.s32 @!p1 v1, v6  }
0xd1: {  	[tilespmem:$0x29C0] =	vst @!p1 v2;
	v2 =	vadd.s32 @!p1 v1, v7  }
0xd2: {  	[tilespmem:$0x29D0] =	vst @!p1 v2;
	v2 =	vadd.s32 @!p1 v1, v3  }
0xd3: {  	[tilespmem:$0x29E0] =	vst @!p1 v2;
	v2 =	vadd.s32 @!p1 v1, v4  }
0xd4: {  	s16 =	simm.s32 @!p1 $0x80;
	s18 =	simm.s32 @!p1 $0x2C00;
	s17 =	simm.s32 @!p1 $0x2980;
	[tilespmem:$0x29F0] =	vst @!p1 v2  }
0xd5: {  	[tilespmem:s18], [sflag:$0x1] =	stream.indirect.gather @!p1 [hbm4b:s4+s16], $0x80, s17, s16, $0xb8;
	[tilespmem:$0x1E480] =	vst v63  }
0xd6: {  	s16 =	simm.s32 $0x0;
	s17 =	simm.s32 $0x6C40;
	s18 =	simm.s32 $0x0  }
.LBB2_10:
0xd7: {  	s19 =	sshll.u32 s18, $0x4  }
0xd8: {  	v2 =	vld [tilespmem:s19+$0x2880];
	_ =	sdelay $0x6  }
0xd9: {  	v3 =	vld [tilespmem:s19+$0x2B00]  }
0xda: {  	v2 =	vld.idx.msk [tilespmem:v2+s16+$0x0], $0xffff;
	_ =	sdelay $0x4  }
0xdb: {  	v2 =	vmul.f32 v3, v2  }
0xdc: {  	v3 =	vmov s16  }
0xdd: {  	[tilespmem:$0x2B80] =	vst v2  }
0xde: {  	v6 =	vld [tilespmem:s17+$0x30]  }
0xdf: {  	v9 =	vld [tilespmem:s17+$0x10]  }
0xe0: {  	v7 =	vld [tilespmem:s17+$0xFFFFFFC0]  }
0xe1: {  	v3 =	vld.idx.msk [tilespmem:v3+s7+$0x0], $0xffff  }
0xe2: {  	v11 =	vld [tilespmem:s17+$0xFFFFFFE0]  }
0xe3: {  	v2 =	vld [tilespmem:s17+$0xFFFFFFF0]  }
0xe4: {  	v4 =	vld [tilespmem:s17+$0x20]  }
0xe5: {  	v5 =	vld [tilespmem:s17+$0xFFFFFFD0]  }
0xe6: {  	v10 =	vmul.f32 v6, v3;
	v6 =	vld [tilespmem:s17+$0x0]  }
0xe7: {  	v8 =	vmul.f32 v7, v3  }
0xe8: {  	s20 =	simm.s32 $0x1;
	s21 =	smov.u32 s17;
	s19 =	smov.u32 s17;
	v7 =	vmul.f32 v11, v3;
	v9 =	vmul.f32 v9, v3  }
.LBB2_11:
0xe9: {  	p1 =	sne.s32 s20, $0xF  }
0xea: {  	v5 =	vmul.f32 v5, v3;
	v4 =	vmul.f32 v4, v3;
	[tilespmem:s19+$0x30] =	vst v10;
	s21 =	sadd.s32 $0x80, s21;
	s23 =	smov.u32 s20;
	s20 =	sadd.s32 $0x1, s20  }
0xeb: {  	[tilespmem:s19+$0xFFFFFFC0] =	vst v8;
	v8 =	vmul.f32 v2, v3;
	v3 =	vmul.f32 v6, v3  }
0xec: {  	[tilespmem:s19+$0x10] =	vst v9  }
0xed: {  	v6 =	vmov s23;
	[tilespmem:s19+$0xFFFFFFE0] =	vst v7  }
0xee: {  	v2 =	vld [tilespmem:s21+$0xFFFFFFF0];
	[tilespmem:s19+$0xFFFFFFF0] =	vst v8  }
0xef: {  	v7 =	vld [tilespmem:s21+$0x30];
	[tilespmem:s19+$0x0] =	vst v3  }
0xf0: {  	v9 =	vld [tilespmem:s21+$0x10];
	[tilespmem:s19+$0x20] =	vst v4  }
0xf1: {  	v8 =	vld [tilespmem:s21+$0xFFFFFFC0];
	[tilespmem:s19+$0xFFFFFFD0] =	vst v5;
	s19 =	smov.u32 s21  }
0xf2: {  	v3 =	vld.idx.msk [tilespmem:v6+s7+$0x0], $0xffff  }
0xf3: {  	v11 =	vld [tilespmem:s21+$0xFFFFFFE0]  }
0xf4: {  	v4 =	vld [tilespmem:s21+$0x20]  }
.Ltmp3:
0xf5: {  	v5 =	vld [tilespmem:s21+$0xFFFFFFD0];
	(pc) =	sbr.rel @p1 .LBB2_11-.Ltmp3, $3  }
0xf6: {  	v6 =	vld [tilespmem:s21+$0x0];
	_ =	sdelay $0x1  }
0xf7: {  	v8 =	vmul.f32 v8, v3;
	v10 =	vmul.f32 v7, v3  }
0xf8: {  	v9 =	vmul.f32 v9, v3;
	v7 =	vmul.f32 v11, v3  }
0xf9: {  	[tilespmem:s19+$0x30] =	vst v10  }
0xfa: {  	[tilespmem:s19+$0xFFFFFFC0] =	vst v8;
	s18 =	sadd.s32 $0x1, s18  }
0xfb: {  	v2 =	vmul.f32 v2, v3;
	[tilespmem:s19+$0x10] =	vst v9;
	p1 =	sne.s32 s18, $0x8  }
.Ltmp4:
0xfc: {  	v4 =	vmul.f32 v4, v3;
	[tilespmem:s19+$0xFFFFFFE0] =	vst v7;
	(pc) =	sbr.rel @p1 .LBB2_10-.Ltmp4, $4  }
0xfd: {  	v6 =	vmul.f32 v6, v3;
	[tilespmem:s19+$0xFFFFFFF0] =	vst v2  }
0xfe: {  	v2 =	vmul.f32 v5, v3;
	[tilespmem:s19+$0x20] =	vst v4  }
0xff: {  	[tilespmem:s19+$0x0] =	vst v6  }
0x100: {  	s17 =	sadd.s32 $0x800, s17;
	[tilespmem:s19+$0xFFFFFFD0] =	vst v2  }
0x101: {  	s15 =	sadd.s32 $0x1, s15  }
0x102: {  	p1 =	sne.s32 s15, $0x14  }
.Ltmp5:
0x103: {  	_ = 	snop;
	(pc) =	sbr.rel @p1 .LBB2_5-.Ltmp5, $4  }
0x104: {  	[spmem:s1] =	stream.indirect.scatter.add.f32 [tilespmem:s0], [sflag:$0x2], $0x80, s3, s26, $0xb8;
	[tilespmem:$0x1E480] =	vst v63  }
0x105: {  	_ =	swait.ge [sflag:s29], $0x4000  }
0x106: {  	[sflag:s29] =	ssyncset.done $0x0  }
0x107: {  	[sflag:s29] =	ssyncadd.s32 $0xFFFFC000  }
0x108: {  	s13 =	smul.u32 $0x138800, s11;
	_ =	sdelay $0x1  }
0x109: {  	s14 =	sadd.s32 @p0 s13, s24  }
0x10a: {  	[bflag:$0x0] =	sbarrier.arrive $0xFFFF;
	s14 =	sshrl.u32 @p0 s14, $0x3  }
0x10b: {  	s15 =	sshrl.u32 @p0 s12, $0x3;
	s16 =	simm.s32 @p0 $0x1FC2;
	s14 =	sadd.s32 @p0 s8, s14  }
0x10c: {  	[hbm:s14], [sflag:s16] =	dma.local @p0 [spmem:s15], $0x2800  }
0x10d: {  	s14 =	simm.s32 @p0 $0x2  }
0x10e: {  	_ =	swait.ge @p0 [sflag:s14], $0x2800  }
0x10f: {  	[sflag:s14] =	ssyncset.done @p0 $0x0;
	s15 =	rddreg [dreg:$0xf]  }
0x110: {  	s13 =	sadd.s32 @!p0 s13, s15;
	[sflag:s14] =	ssyncadd.s32 @p0 $0xFFFFD800;
	s14 =	stileid.u32  }
0x111: {  	s11 =	sadd.s32 $0x1, s11;
	s13 =	sshrl.u32 @!p0 s13, $0x3;
	s14 =	sshll.u32 @!p0 s14, $0x6  }
0x112: {  	s15 =	sshrl.u32 @!p0 s9, $0x3;
	s13 =	sadd.s32 @!p0 s8, s13;
	s14 =	sor.u32 @!p0 $0x1C02, s14  }
0x113: {  	[hbm:s13], [sflag:s14] =	dma.local @!p0 [spmem:s15], $0x2700  }
0x114: {  	p1 =	sne.s32 s11, $0x8;
	s13 =	simm.s32 @!p0 $0x2  }
.Ltmp6:
0x115: {  	_ =	swait.ge @!p0 [sflag:s13], $0x2700;
	(pc) =	sbr.rel @p1 .LBB2_2-.Ltmp6, $3  }
0x116: {  	[sflag:s13] =	ssyncset.done @!p0 $0x0  }
0x117: {  	[sflag:s13] =	ssyncadd.s32 @!p0 $0xFFFFD900  }
0x118: {  	[bflag:$0x0] =	sbarrier.arrive $0xFFFF;
	_ =	sdelay $0x1  }
0x119: {  	s13 =	rddreg [dreg:$0x3]  }
0x11a: {  	s11 =	rddreg [dreg:$0x10];
	s13 =	sadd.s32 $0x1, s13  }
0x11b: {  	p1 =	sne.s32 s13, s11  }
.Ltmp7:
0x11c: {  	_ = 	snop;
	(pc) =	sbr.rel @p1 .LBB2_1-.Ltmp7, $1  }
0x11d: {  	_ =	sdelay $0x3  }
0x11e: {  	_ =	sfence.sel $0x180000  }
0x11f: {  	[bflag:$0x0] =	sbarrier.arrive $0xFFFF  }
0x120: {  	_ =	strace $0x90000047  }
0x121: {  	s0 =	stileid.u32;
	[bflag:$0x2] =	sbarrier.arrive $0xFFFF  }
0x122: {  	p0 =	sne.s32 s0, $0x0;
	s0 =	rddreg [dreg:$0x2]  }
0x123: {  	s0 =	sadd.s32 @!p0 $0x100000, s0  }
0x124: {  	[sflag:s0] =	ssyncadd.tile.s32 @!p0 $0x1;
	_ =	shalt  }
.Lfunc_end2:
_tile_overlayer_lowered:
.L_overlay_start_2:
0x125: {  	(tag) =	ssettag $0x2  }
0x126: {  	s0 =	rddreg [dreg:$0x0];
	s2 =	stileid.u32  }
0x127: {  	s1 =	rddreg [dreg:$0x1];
	p0 =	sne.s32 s2, $0x0  }
0x128: {  	s3 =	rddreg [dreg:$0x2];
	[bflag:$0x3] =	sbarrier.arrive $0xFFFF;
	s2 =	simm.s32 @!p0 $0x1C02  }
0x129: {  	[timem:s3], [sflag:s2] =	dma.local @!p0 [hbm:s0], s1  }
0x12a: {  	s0 =	simm.s32 @!p0 $0x2  }
0x12b: {  	_ =	swait.ge @!p0 [sflag:s0], s1  }
0x12c: {  	s1 =	ssub.s32 @!p0 $0x0, s1;
	[sflag:s0] =	ssyncset.done @!p0 $0x0  }
0x12d: {  	[sflag:s0] =	ssyncadd.s32 @!p0 s1  }
0x12e: {  	[bflag:$0x3] =	sbarrier.arrive $0xFFFF  }
0x12f: {  	_ =	shalt  }

// kernel: sparse-core-data-format-call.1.cloned.1.call-start
scs
called_computation.1_lowered:
.L_overlay_start_0:
0x0: {  	s1 =	sld [smem:$0x3FD9]  }
0x1: {  	s2 =	sld [smem:$0x3FFE];
	_ =	sdelay $0x1  }
0x2: {  	s3 =	srdreg.scid  }
0x3: {  	s0 =	sand.u32 $0x1, s3  }
0x4: {  	s17 =	sshll.u32 s0, $0xA;
	s1 =	sadd.s32 s2, s1  }
0x5: {  	s1 =	sadd.s32 s1, s17  }
0x6: {  	[smem:$0x3FBC] =	sst s1  }
0x7: {  	_ = 	snop  }
0x8: {  	(tm) =	ssettm $0x1  }
0x9: {  	s18 =	sld [smem:$0x3FFB];
	_ =	sdelay $0x3  }
0xa: {  	_ =	strace s18  }
0xb: {  	s1 =	sld [smem:$0x3FFC];
	_ =	sdelay $0x3  }
0xc: {  	_ =	strace s1  }
0xd: {  	s1 =	sld [smem:$0x3FFD];
	_ =	sdelay $0x3  }
0xe: {  	_ =	strace s1  }
0xf: {  	_ =	strace $0x8FFFFFFF  }
0x10: {  	s19 =	sld [smem:$0x3FDB];
	_ =	sdelay $0x1  }
0x11: {  	s20 =	simm.s32 $_scs_section_size  }
0x12: {  	s4 =	simm.s32 $_size__tile_overlayer_lowered;
	s5 =	simm.s32 $_tile_overlayer_lowered  }
0x13: {  	s23 =	simm.s32 $0x1BFF;
	s22 =	sshll.u32 s5, $0x1;
	s1 =	sadd.s32 s20, s19  }
0x14: {  	s6 =	simm.s32 $0x0;
	s21 =	sshll.u32 s4, $0x1;
	s4 =	sadd.s32 s22, s1  }
0x15: {  	[timem:s6], [sflag:s23] =	dma.local [hbm:s4], s21  }
0x16: {  	_ =	swait.ge [sflag:s23], s21  }
0x17: {  	s2 =	ssub.s32 $0x0, s21;
	[sflag:s23] =	ssyncset.done $0x0  }
0x18: {  	[sflag:s23] =	ssyncadd.s32 s2;
	_ =	sdelay $0x1  }
0x19: {  	s24 =	simm.s32 $0x1B8B  }
0x1a: {  	_ =	swait.ge [sflag:s24], $0x1  }
0x1b: {  	[sflag:s24] =	ssyncset.done $0x0  }
0x1c: {  	s26 =	simm.s32 $0x1B8E;
	s25 =	sld [smem:$0x3FFE];
	[sflag:s24] =	ssyncadd.s32 $0xFFFFFFFF  }
0x1d: {  	s27 =	simm.s32 $execute0_lowered;
	[smem:$0x3FD2] =	sst s26  }
0x1e: {  	s4 =	sshll.u32 s27, $0x1;
	_ =	strace $0x80000049;
	[dreg:$0x1] =	wrdreg $0xFFFFFFFF  }
0x1f: {  	s28 =	simm.s32 $_size_execute0_lowered;
	s1 =	sadd.s32 s1, s4;
	[dreg:$0x0] =	wrdreg $0x0  }
0x20: {  	s4 =	sshll.u32 s28, $0x1;
	[dreg:$0x2] =	wrdreg s1  }
0x21: {  	[dreg:$0x3] =	wrdreg s4  }
0x22: {  	[dreg:$0x4] =	wrdreg $0xC0  }
0x23: {  	_ =	task [dreg:s6], $0x5FFFF  }
0x24: {  	[dreg:$0x1] =	wrdreg $0xFFFFFFFF  }
0x25: {  	[dreg:$0x0] =	wrdreg $0x60  }
0x26: {  	[dreg:$0x2] =	wrdreg s25  }
0x27: {  	[dreg:$0x3] =	wrdreg $0x9  }
0x28: {  	_ =	task.clear_ibuf [dreg:s6], $0x4FFFF;
	_ =	strace $0x90000049  }
0x29: {  	s29 =	simm.s32 $0x9;
	_ =	strace $0x8000004B  }
0x2a: {  	_ =	swait.ge [sflag:s29], $0x1  }
0x2b: {  	[sflag:s29] =	ssyncadd.s32 $0xFFFFFFFF  }
0x2c: {  	_ =	strace $0x9000004B  }
0x2d: {  	_ =	sfence  }
0x2e: {  	s30 =	sld [smem:$0x0];
	_ =	sdelay $0x2  }
0x2f: {  	s31 =	sshll.u32 s3, $0xD;
	s3 =	sshrl.u32 s3, $0x2  }
0x30: {  	s2 =	sand.u32 $0x4000, s31;
	s1 =	sadd.s32 s3, s30  }
0x31: {  	s0 =	sor.u32 s2, s0;
	s1 =	sshll.u32 s1, $0x11  }
0x32: {  	s0 =	sor.u32 s1, s0  }
0x33: {  	s0 =	sadd.s32 $0x8F2B, s0  }
0x34: {  	[sflag:s0] =	ssyncadd.remote.s32 $0x1  }
0x35: {  	_ =	sfence.sel $0xFFFF  }
0x36: {  	[dreg:$0x0] =	wrdreg $0xFFFFFFFF;
	(pc) =	sbr.abs _section_cstart, $3  }
0x37: {  	[dreg:$0x1] =	wrdreg $0xFFFFFFFF  }
0x38: {  	_ =	task.clear_ibuf [dreg:s6], $0x2FFFF;
	_ =	strace $0x9FFFFFFF  }
0x39: {  	(tm) =	ssettm $0x7FFFFFFF  }
tec
execute0_lowered:
.L_overlay_start_1:
0x0: {  	(tag) =	ssettag $0x1  }
0x1: {  	s0 =	srdreg.scid  }
0x2: {  	s6 =	rddreg [dreg:$0x0];
	s7 =	simm.s32 $0x1;
	s1 =	sshll.u32 s0, $0x4  }
0x3: {  	s8 =	simm.s32 $0x2;
	s0 =	stileid.u32;
	s1 =	sand.u32 $0x10, s1  }
0x4: {  	s9 =	simm.s32 $0x0;
	s13 =	simm.s32 $0x0;
	s1 =	sor.u32 s0, s1  }
0x5: {  	s14 =	simm.s32 $0x0;
	s11 =	simm.s32 $0x0;
	s2 =	sshll.u32 s1, $0x4  }
0x6: {  	s12 =	simm.s32 $0x0;
	s3 =	sadd.s32 $0x37200, s6;
	s5 =	ssub.s32 $0x2710, s2  }
.Ltmp0:
0x7: {  	s6 =	sadd.s32 $0x16FA00, s6;
	s4 =	sand.u32 $0x1F0, s5;
	(pc) =	sbr.rel .LBB1_1-.Ltmp0, $4  }
0x8: {  	s1 =	rddreg [dreg:$0x1];
	_ =	strace $0x8000004A;
	p0 =	sne.s32 s4, $0x0  }
0x9: {  	s5 =	sshrl.u32 s5, $0x9;
	s4 =	simm.s32 $0x1;
	s7 =	simm.s32 @!p0 $0x0  }
0xa: {  	s10 =	smov.u32 s2;
	[sflag:s4] =	ssyncpa.u1 $0x0;
	s5 =	sadd.s32 s7, s5  }
0xb: {  	[sflag:s8] =	ssyncpa.u1 $0x0;
	s8 =	simm.s32 $0x0;
	s7 =	sadd.s32 $0x1, s5  }
.LBB1_7:
0xc: {  	s15 =	sadd.s32 $0x200, s10  }
0xd: {  	s13 =	sadd.s32 $0x8, s11;
	s17 =	smov.u32 s11;
	p1 =	sgt.s32 s15, $0x270F  }
0xe: {  	s17 =	smov.u32 @p1 s13  }
0xf: {  	s15 =	smov.u32 @p1 s2;
	p1 =	sgt.s32 s17, $0x7  }
0x10: {  	s17 =	simm.s32 @p1 $0x0;
	p1 =	sne.s32 s12, s7  }
.Ltmp1:
0x11: {  	p0 =	slt.u32 s12, $0x2;
	(pc) =	sbr.rel @!p1 .LBB1_8-.Ltmp1, $4  }
0x12: {  	s16 =	simm.s32 @!p0 $0x2  }
0x13: {  	s14 =	smov.u32 s11;
	s9 =	sadd.s32 $0x4000, s9;
	_ =	swait.ge @!p0 [sflag:s16], $0x4000  }
0x14: {  	s13 =	smov.u32 s10;
	[sflag:s16] =	ssyncset.done @!p0 $0x0;
	s10 =	smov.u32 s15  }
0x15: {  	s12 =	sadd.s32 $0x1, s12;
	[sflag:s16] =	ssyncadd.s32 @!p0 $0xFFFFC000;
	s11 =	smov.u32 s17  }
.LBB1_1:
0x16: {  	p0 =	sge.u32 s12, s5  }
0x17: {  	s15 =	sand.u32 @!p0 $0x1FFFFFF, s10  }
0x18: {  	s16 =	smulhi.u32 @!p0 $0x1A36E2F, s15;
	_ =	sdelay $0x1  }
0x19: {  	s16 =	sshrl.u32 @!p0 s16, $0x6  }
0x1a: {  	s16 =	smul.u32 @!p0 $0x2710, s16  }
0x1b: {  	s17 =	sxor.u32 @!p0 $0xFFFFFFFF, s12;
	s18 =	smul.u32 @!p0 $0x27100, s11  }
0x1c: {  	s31 =	sadd.s32 $0xFFFFFFFF, s12;
	s17 =	sshll.u32 @!p0 s17, $0xE;
	s15 =	ssub.s32 @!p0 s15, s16  }
0x1d: {  	s16 =	sand.u32 @!p0 $0x4000, s17;
	s17 =	sadd.s32 @!p0 s3, s18;
	s15 =	sshll.u32 @!p0 s15, $0x4  }
0x1e: {  	s18 =	simm.s32 @!p0 $0x138800;
	s15 =	sadd.s32 @!p0 s15, s17;
	s17 =	simm.s32 @!p0 $0x800  }
0x1f: {  	[tilespmem:s16], [sflag:$0x1] =	stream.strided.gather @!p0 [hbm4b:s15+s17], $0x4000, s18, s17, $0x38;
	[tilespmem:$0x10000] =	vst v63  }
0x20: {  	p0 =	sge.u32 s31, s5  }
.Ltmp2:
0x21: {  	_ = 	snop;
	(pc) =	sbr.rel @p0 .LBB1_7-.Ltmp2, $1  }
0x22: {  	_ =	sdelay $0x3  }
0x23: {  	s16 =	sand.u32 $0x4000, s9  }
0x24: {  	_ =	swait.ge [sflag:s4], $0x4000;
	s18 =	sshll.u32 s12, $0xE;
	s15 =	sor.u32 $0x8040, s16  }
0x25: {  	s17 =	sor.u32 $0x40, s16;
	[sflag:s4] =	ssyncset.done $0x0;
	s31 =	sand.u32 $0x4000, s18  }
0x26: {  	s18 =	simm.s32 $0x0;
	[sflag:s4] =	ssyncadd.s32 $0xFFFFC000;
	s16 =	sor.u32 $0x8000, s31  }
.LBB1_3:
0x27: {  	v0 =	vmov s17;
	_ =	sdelay $0x3  }
0x28: {  	s20 =	simm.s32 $0x0  }
0x29: {  	v6 =	vld.idx.msk [tilespmem:v0+s20+$0x30 ss:$0x1], $0xffff  }
0x2a: {  	v7 =	vld.idx.msk [tilespmem:v0+s20+$0xFFFFFFC0 ss:$0x1], $0xffff  }
0x2b: {  	v5 =	vld.idx.msk [tilespmem:v0+s20+$0xFFFFFFD0 ss:$0x1], $0xffff  }
0x2c: {  	v4 =	vld.idx.msk [tilespmem:v0+s20+$0xFFFFFFE0 ss:$0x1], $0xffff  }
0x2d: {  	v3 =	vld.idx.msk [tilespmem:v0+s20+$0xFFFFFFF0 ss:$0x1], $0xffff  }
0x2e: {  	v1 =	vld.idx.msk [tilespmem:v0+s20+$0x0 ss:$0x1], $0xffff  }
0x2f: {  	v2 =	vld.idx.msk [tilespmem:v0+s20+$0x10 ss:$0x1], $0xffff;
	[tilespmem:s15+$0x30] =	vst v6  }
0x30: {  	s19 =	simm.s32 $0x80;
	s21 =	simm.s32 $0x400;
	[tilespmem:s15+$0xFFFFFFC0] =	vst v7;
	v6 =	vld.idx.msk [tilespmem:v0+s20+$0x20 ss:$0x1], $0xffff;
	s20 =	smov.u32 s15  }
.LBB1_4:
0x31: {  	p0 =	sne.s32 s21, $0x1E00;
	v7 =	vld.idx.msk [tilespmem:v0+s19+$0x30 ss:$0x1], $0xffff;
	[tilespmem:s20+$0xFFFFFFD0] =	vst v5  }
0x32: {  	v8 =	vld.idx.msk [tilespmem:v0+s19+$0xFFFFFFC0 ss:$0x1], $0xffff;
	[tilespmem:s20+$0xFFFFFFE0] =	vst v4  }
0x33: {  	v5 =	vld.idx.msk [tilespmem:v0+s19+$0xFFFFFFD0 ss:$0x1], $0xffff;
	[tilespmem:s20+$0xFFFFFFF0] =	vst v3  }
.Ltmp3:
0x34: {  	v4 =	vld.idx.msk [tilespmem:v0+s19+$0xFFFFFFE0 ss:$0x1], $0xffff;
	[tilespmem:s20+$0x0] =	vst v1;
	(pc) =	sbr.rel @p0 .LBB1_4-.Ltmp3, $4  }
0x35: {  	v3 =	vld.idx.msk [tilespmem:v0+s19+$0xFFFFFFF0 ss:$0x1], $0xffff;
	[tilespmem:s20+$0x10] =	vst v2  }
0x36: {  	v1 =	vld.idx.msk [tilespmem:v0+s19+$0x0 ss:$0x1], $0xffff;
	[tilespmem:s20+$0x20] =	vst v6;
	s20 =	sadd.s32 $0x400, s20  }
0x37: {  	v2 =	vld.idx.msk [tilespmem:v0+s19+$0x10 ss:$0x1], $0xffff;
	[tilespmem:s20+$0x30] =	vst v7  }
0x38: {  	[tilespmem:s20+$0xFFFFFFC0] =	vst v8;
	v6 =	vld.idx.msk [tilespmem:v0+s19+$0x20 ss:$0x1], $0xffff;
	s19 =	sshra.s32 s21, $0x2;
	s21 =	sadd.s32 $0x200, s21  }
0x39: {  	_ =	sdelay $0x2  }
0x3a: {  	[tilespmem:s20+$0xFFFFFFD0] =	vst v5  }
0x3b: {  	v56 =	vld.idx.msk [tilespmem:v0+s19+$0x30 ss:$0x1], $0xffff;
	[tilespmem:s20+$0xFFFFFFE0] =	vst v4  }
0x3c: {  	v57 =	vld.idx.msk [tilespmem:v0+s19+$0xFFFFFFC0 ss:$0x1], $0xffff;
	[tilespmem:s20+$0xFFFFFFF0] =	vst v3  }
0x3d: {  	v58 =	vld.idx.msk [tilespmem:v0+s19+$0xFFFFFFD0 ss:$0x1], $0xffff;
	[tilespmem:s20+$0x0] =	vst v1  }
0x3e: {  	v59 =	vld.idx.msk [tilespmem:v0+s19+$0xFFFFFFE0 ss:$0x1], $0xffff;
	[tilespmem:s20+$0x10] =	vst v2  }
0x3f: {  	v60 =	vld.idx.msk [tilespmem:v0+s19+$0xFFFFFFF0 ss:$0x1], $0xffff;
	s31 =	sadd.s32 $0x400, s20;
	[tilespmem:s20+$0x20] =	vst v6  }
0x40: {  	v61 =	vld.idx.msk [tilespmem:v0+s19+$0x0 ss:$0x1], $0xffff;
	[tilespmem:s31+$0x30] =	vst v56  }
0x41: {  	v62 =	vld.idx.msk [tilespmem:v0+s19+$0x10 ss:$0x1], $0xffff;
	s18 =	sadd.s32 $0x1, s18;
	[tilespmem:s31+$0xFFFFFFC0] =	vst v57  }
0x42: {  	v63 =	vld.idx.msk [tilespmem:v0+s19+$0x20 ss:$0x1], $0xffff;
	p0 =	sne.s32 s18, $0x8;
	[tilespmem:s31+$0xFFFFFFD0] =	vst v58  }
.Ltmp4:
0x43: {  	[tilespmem:s31+$0xFFFFFFE0] =	vst v59;
	(pc) =	sbr.rel @p0 .LBB1_3-.Ltmp4, $4  }
0x44: {  	[tilespmem:s31+$0xFFFFFFF0] =	vst v60  }
0x45: {  	[tilespmem:s31+$0x0] =	vst v61  }
0x46: {  	[tilespmem:s31+$0x10] =	vst v62  }
0x47: {  	s15 =	sadd.s32 $0x80, s15;
	s17 =	sadd.s32 $0x800, s17;
	[tilespmem:s31+$0x20] =	vst v63  }
.Ltmp5:
0x48: {  	s14 =	sshll.u32 s14, $0x4;
	(pc) =	sbr.rel .LBB1_7-.Ltmp5, $4  }
0x49: {  	s14 =	sand.u32 $0x70, s14  }
0x4a: {  	s13 =	sshll.u32 s13, $0x7;
	s14 =	sadd.s32 s6, s14  }
0x4b: {  	s13 =	sadd.s32 s13, s14  }
0x4c: {  	[hbm4b:s13+s8] =	stream.linear.scatter [tilespmem:s16], [sflag:$0x2], $0x4000, $0x38;
	[tilespmem:$0x10000] =	vst v63  }
.LBB1_8:
0x4d: {  	_ =	sfence.sel $0x180000  }
0x4e: {  	s2 =	simm.s32 $0x1;
	[bflag:$0x0] =	sbarrier.arrive $0xFFFF  }
0x4f: {  	s31 =	simm.s32 $0x2;
	[sflag:s2] =	ssyncpa.u1 $0x1  }
0x50: {  	[sflag:s31] =	ssyncpa.u1 $0x1  }
0x51: {  	p0 =	sne.s32 s0, $0x0;
	_ =	strace $0x9000004A  }
0x52: {  	s0 =	sadd.s32 @!p0 $0x100000, s1;
	[bflag:$0x2] =	sbarrier.arrive $0xFFFF  }
0x53: {  	[sflag:s0] =	ssyncadd.tile.s32 @!p0 $0x1;
	_ =	shalt  }
.Lfunc_end1:
_tile_overlayer_lowered:
.L_overlay_start_2:
0x54: {  	(tag) =	ssettag $0x2  }
0x55: {  	s0 =	rddreg [dreg:$0x0];
	s2 =	stileid.u32  }
0x56: {  	s1 =	rddreg [dreg:$0x1];
	p0 =	sne.s32 s2, $0x0  }
0x57: {  	s3 =	rddreg [dreg:$0x2];
	[bflag:$0x3] =	sbarrier.arrive $0xFFFF;
	s2 =	simm.s32 @!p0 $0x1C01  }
0x58: {  	[timem:s3], [sflag:s2] =	dma.local @!p0 [hbm:s0], s1  }
0x59: {  	s0 =	simm.s32 @!p0 $0x1  }
0x5a: {  	_ =	swait.ge @!p0 [sflag:s0], s1  }
0x5b: {  	s1 =	ssub.s32 @!p0 $0x0, s1;
	[sflag:s0] =	ssyncset.done @!p0 $0x0  }
0x5c: {  	[sflag:s0] =	ssyncadd.s32 @!p0 s1  }
0x5d: {  	[bflag:$0x3] =	sbarrier.arrive $0xFFFF  }
0x5e: {  	_ =	shalt  }

// kernel: sparse-core-data-format-call.cloned.1.call-start
scs
called_computation_lowered:
.L_overlay_start_0:
0x0: {  	s1 =	sld [smem:$0x3FD9]  }
0x1: {  	s2 =	sld [smem:$0x3FFE];
	_ =	sdelay $0x1  }
0x2: {  	s3 =	srdreg.scid  }
0x3: {  	s0 =	sand.u32 $0x1, s3  }
0x4: {  	s17 =	sshll.u32 s0, $0xA;
	s1 =	sadd.s32 s2, s1  }
0x5: {  	s1 =	sadd.s32 s1, s17  }
0x6: {  	[smem:$0x3FBC] =	sst s1  }
0x7: {  	_ = 	snop  }
0x8: {  	(tm) =	ssettm $0x1  }
0x9: {  	s18 =	sld [smem:$0x3FFB];
	_ =	sdelay $0x3  }
0xa: {  	_ =	strace s18  }
0xb: {  	s1 =	sld [smem:$0x3FFC];
	_ =	sdelay $0x3  }
0xc: {  	_ =	strace s1  }
0xd: {  	s1 =	sld [smem:$0x3FFD];
	_ =	sdelay $0x3  }
0xe: {  	_ =	strace s1  }
0xf: {  	_ =	strace $0x8FFFFFFF  }
0x10: {  	s19 =	sld [smem:$0x3FDB];
	_ =	sdelay $0x1  }
0x11: {  	s20 =	simm.s32 $_scs_section_size  }
0x12: {  	s4 =	simm.s32 $_size__tile_overlayer_lowered;
	s5 =	simm.s32 $_tile_overlayer_lowered  }
0x13: {  	s23 =	simm.s32 $0x1BFF;
	s22 =	sshll.u32 s5, $0x1;
	s1 =	sadd.s32 s20, s19  }
0x14: {  	s6 =	simm.s32 $0x0;
	s21 =	sshll.u32 s4, $0x1;
	s4 =	sadd.s32 s22, s1  }
0x15: {  	[timem:s6], [sflag:s23] =	dma.local [hbm:s4], s21  }
0x16: {  	_ =	swait.ge [sflag:s23], s21  }
0x17: {  	s2 =	ssub.s32 $0x0, s21;
	[sflag:s23] =	ssyncset.done $0x0  }
0x18: {  	[sflag:s23] =	ssyncadd.s32 s2;
	_ =	sdelay $0x1  }
0x19: {  	s24 =	simm.s32 $0x1B8B  }
0x1a: {  	_ =	swait.ge [sflag:s24], $0x1  }
0x1b: {  	[sflag:s24] =	ssyncset.done $0x0  }
0x1c: {  	s26 =	simm.s32 $0x1B8E;
	s25 =	sld [smem:$0x3FFE];
	[sflag:s24] =	ssyncadd.s32 $0xFFFFFFFF  }
0x1d: {  	s27 =	simm.s32 $execute0_lowered;
	[smem:$0x3FD2] =	sst s26  }
0x1e: {  	s4 =	sshll.u32 s27, $0x1;
	_ =	strace $0x8000004C;
	[dreg:$0x1] =	wrdreg $0xFFFFFFFF  }
0x1f: {  	s28 =	simm.s32 $_size_execute0_lowered;
	s1 =	sadd.s32 s1, s4;
	[dreg:$0x0] =	wrdreg $0x0  }
0x20: {  	s4 =	sshll.u32 s28, $0x1;
	[dreg:$0x2] =	wrdreg s1  }
0x21: {  	[dreg:$0x3] =	wrdreg s4  }
0x22: {  	[dreg:$0x4] =	wrdreg $0xC0  }
0x23: {  	_ =	task [dreg:s6], $0x5FFFF  }
0x24: {  	[dreg:$0x1] =	wrdreg $0xFFFFFFFF  }
0x25: {  	[dreg:$0x0] =	wrdreg $0x60  }
0x26: {  	[dreg:$0x2] =	wrdreg s25  }
0x27: {  	[dreg:$0x3] =	wrdreg $0x9  }
0x28: {  	_ =	task.clear_ibuf [dreg:s6], $0x4FFFF;
	_ =	strace $0x9000004C  }
0x29: {  	s29 =	simm.s32 $0x9;
	_ =	strace $0x8000004E  }
0x2a: {  	_ =	swait.ge [sflag:s29], $0x1  }
0x2b: {  	[sflag:s29] =	ssyncadd.s32 $0xFFFFFFFF  }
0x2c: {  	_ =	strace $0x9000004E  }
0x2d: {  	_ =	sfence  }
0x2e: {  	s30 =	sld [smem:$0x0];
	_ =	sdelay $0x2  }
0x2f: {  	s31 =	sshll.u32 s3, $0xD;
	s3 =	sshrl.u32 s3, $0x2  }
0x30: {  	s2 =	sand.u32 $0x4000, s31;
	s1 =	sadd.s32 s3, s30  }
0x31: {  	s0 =	sor.u32 s2, s0;
	s1 =	sshll.u32 s1, $0x11  }
0x32: {  	s0 =	sor.u32 s1, s0  }
0x33: {  	s0 =	sadd.s32 $0x8F2B, s0  }
0x34: {  	[sflag:s0] =	ssyncadd.remote.s32 $0x1  }
0x35: {  	_ =	sfence.sel $0xFFFF  }
0x36: {  	[dreg:$0x0] =	wrdreg $0xFFFFFFFF;
	(pc) =	sbr.abs _section_cstart, $3  }
0x37: {  	[dreg:$0x1] =	wrdreg $0xFFFFFFFF  }
0x38: {  	_ =	task.clear_ibuf [dreg:s6], $0x2FFFF;
	_ =	strace $0x9FFFFFFF  }
0x39: {  	(tm) =	ssettm $0x7FFFFFFF  }
tec
execute0_lowered:
.L_overlay_start_1:
0x0: {  	(tag) =	ssettag $0x1  }
0x1: {  	s0 =	srdreg.scid  }
0x2: {  	s1 =	sshll.u32 s0, $0x4  }
0x3: {  	s4 =	rddreg [dreg:$0x0];
	s0 =	stileid.u32;
	s1 =	sand.u32 $0x10, s1  }
0x4: {  	s7 =	simm.s32 $0x1;
	s8 =	simm.s32 $0x2;
	s2 =	sor.u32 s0, s1  }
0x5: {  	s9 =	simm.s32 $0x0;
	s12 =	simm.s32 $0x0;
	s2 =	sshll.u32 s2, $0x1  }
0x6: {  	s11 =	simm.s32 $0x0;
	s3 =	sadd.s32 $0x16FA00, s4;
	s6 =	ssub.s32 $0x4E2, s2  }
.Ltmp0:
0x7: {  	s4 =	sadd.s32 $0x37200, s4;
	s5 =	sand.u32 $0x3E, s6;
	(pc) =	sbr.rel .LBB1_1-.Ltmp0, $4  }
0x8: {  	s1 =	rddreg [dreg:$0x1];
	_ =	strace $0x8000004D;
	p0 =	sne.s32 s5, $0x0  }
0x9: {  	s6 =	sshrl.u32 s6, $0x6;
	s5 =	simm.s32 $0x1;
	s7 =	simm.s32 @!p0 $0x0  }
0xa: {  	s10 =	smov.u32 s2;
	[sflag:s5] =	ssyncpa.u1 $0x0;
	s6 =	sadd.s32 s7, s6  }
0xb: {  	[sflag:s8] =	ssyncpa.u1 $0x0;
	s8 =	simm.s32 $0x0;
	s7 =	sadd.s32 $0x1, s6  }
.LBB1_9:
0xc: {  	s14 =	sadd.s32 $0x40, s10  }
0xd: {  	p1 =	sgt.s32 s14, $0x4E1  }
0xe: {  	s14 =	smov.u32 @p1 s2;
	p1 =	sne.s32 s11, s7  }
.Ltmp1:
0xf: {  	p0 =	slt.u32 s11, $0x2;
	(pc) =	sbr.rel @!p1 .LBB1_10-.Ltmp1, $4  }
0x10: {  	s13 =	simm.s32 @!p0 $0x2  }
0x11: {  	s15 =	sadd.s32 $0x1, s11;
	_ =	swait.ge @!p0 [sflag:s13], $0x4000  }
0x12: {  	s12 =	smov.u32 s10;
	s9 =	sadd.s32 $0x4000, s9;
	[sflag:s13] =	ssyncset.done @!p0 $0x0  }
0x13: {  	s11 =	smov.u32 s15;
	s10 =	smov.u32 s14;
	[sflag:s13] =	ssyncadd.s32 @!p0 $0xFFFFC000  }
.LBB1_1:
0x14: {  	p0 =	sge.u32 s11, s6  }
0x15: {  	s13 =	sxor.u32 @!p0 $0xFFFFFFFF, s11  }
0x16: {  	s31 =	sadd.s32 $0xFFFFFFFF, s11;
	s14 =	sshll.u32 @!p0 s10, $0xA;
	s13 =	sshll.u32 @!p0 s13, $0xE  }
0x17: {  	s15 =	simm.s32 @!p0 $0x0;
	s14 =	sadd.s32 @!p0 s3, s14;
	s13 =	sand.u32 @!p0 $0x4000, s13  }
0x18: {  	[tilespmem:s13], [sflag:$0x1] =	stream.linear.gather @!p0 [hbm4b:s14+s15], $0x4000, $0x38;
	[tilespmem:$0x10000] =	vst v63  }
0x19: {  	p0 =	sge.u32 s31, s6  }
.Ltmp2:
0x1a: {  	_ = 	snop;
	(pc) =	sbr.rel @p0 .LBB1_9-.Ltmp2, $1  }
0x1b: {  	_ =	sdelay $0x3  }
0x1c: {  	s13 =	sshll.u32 s9, $0x2  }
0x1d: {  	_ =	swait.ge [sflag:s5], $0x4000;
	s14 =	sshll.u32 s11, $0xE;
	s16 =	simm.s32 $0x0  }
0x1e: {  	p1 =	por $0x1, $0x1;
	s13 =	sand.u32 $0x10000, s13;
	[sflag:s5] =	ssyncset.done $0x0  }
0x1f: {  	s14 =	sand.u32 $0x4000, s14;
	s15 =	sshrl.u32 s13, $0x2;
	[sflag:s5] =	ssyncadd.s32 $0xFFFFC000  }
0x20: {  	s13 =	sor.u32 $0x8000, s14;
	s14 =	sadd.s32 $0x8040, s15;
	s15 =	sadd.s32 $0x40, s15  }
.LBB1_3:
0x21: {  	s16 =	sshll.u32 s16, $0x2  }
0x22: {  	p0 =	por p1, p1;
	s17 =	sshra.s32 s16, $0x2  }
0x23: {  	s18 =	simm.s32 $0x0;
	s16 =	sadd.s32 s17, s14;
	s17 =	sadd.s32 s17, s15  }
.LBB1_4:
0x24: {  	v0 =	vmov s17;
	_ =	sdelay $0x3  }
0x25: {  	s20 =	simm.s32 $0x0  }
0x26: {  	v6 =	vld.idx.msk [tilespmem:v0+s20+$0x30 ss:$0x1], $0xffff  }
0x27: {  	v7 =	vld.idx.msk [tilespmem:v0+s20+$0xFFFFFFC0 ss:$0x1], $0xffff  }
0x28: {  	v5 =	vld.idx.msk [tilespmem:v0+s20+$0xFFFFFFD0 ss:$0x1], $0xffff  }
0x29: {  	v4 =	vld.idx.msk [tilespmem:v0+s20+$0xFFFFFFE0 ss:$0x1], $0xffff  }
0x2a: {  	v3 =	vld.idx.msk [tilespmem:v0+s20+$0xFFFFFFF0 ss:$0x1], $0xffff  }
0x2b: {  	v1 =	vld.idx.msk [tilespmem:v0+s20+$0x0 ss:$0x1], $0xffff  }
0x2c: {  	v2 =	vld.idx.msk [tilespmem:v0+s20+$0x10 ss:$0x1], $0xffff;
	[tilespmem:s16+$0x30] =	vst v6  }
0x2d: {  	s19 =	simm.s32 $0x80;
	s21 =	simm.s32 $0x400;
	[tilespmem:s16+$0xFFFFFFC0] =	vst v7;
	v6 =	vld.idx.msk [tilespmem:v0+s20+$0x20 ss:$0x1], $0xffff;
	s20 =	smov.u32 s16  }
.LBB1_5:
0x2e: {  	p1 =	sne.s32 s21, $0xE00;
	v7 =	vld.idx.msk [tilespmem:v0+s19+$0x30 ss:$0x1], $0xffff;
	[tilespmem:s20+$0xFFFFFFD0] =	vst v5  }
0x2f: {  	v8 =	vld.idx.msk [tilespmem:v0+s19+$0xFFFFFFC0 ss:$0x1], $0xffff;
	[tilespmem:s20+$0xFFFFFFE0] =	vst v4  }
0x30: {  	v5 =	vld.idx.msk [tilespmem:v0+s19+$0xFFFFFFD0 ss:$0x1], $0xffff;
	[tilespmem:s20+$0xFFFFFFF0] =	vst v3  }
.Ltmp3:
0x31: {  	v4 =	vld.idx.msk [tilespmem:v0+s19+$0xFFFFFFE0 ss:$0x1], $0xffff;
	[tilespmem:s20+$0x0] =	vst v1;
	(pc) =	sbr.rel @p1 .LBB1_5-.Ltmp3, $4  }
0x32: {  	v3 =	vld.idx.msk [tilespmem:v0+s19+$0xFFFFFFF0 ss:$0x1], $0xffff;
	[tilespmem:s20+$0x10] =	vst v2  }
0x33: {  	v1 =	vld.idx.msk [tilespmem:v0+s19+$0x0 ss:$0x1], $0xffff;
	[tilespmem:s20+$0x20] =	vst v6;
	s20 =	sadd.s32 $0x400, s20  }
0x34: {  	v2 =	vld.idx.msk [tilespmem:v0+s19+$0x10 ss:$0x1], $0xffff;
	[tilespmem:s20+$0x30] =	vst v7  }
0x35: {  	[tilespmem:s20+$0xFFFFFFC0] =	vst v8;
	v6 =	vld.idx.msk [tilespmem:v0+s19+$0x20 ss:$0x1], $0xffff;
	s19 =	sshra.s32 s21, $0x2;
	s21 =	sadd.s32 $0x200, s21  }
0x36: {  	_ =	sdelay $0x2  }
0x37: {  	[tilespmem:s20+$0xFFFFFFD0] =	vst v5  }
0x38: {  	v56 =	vld.idx.msk [tilespmem:v0+s19+$0x30 ss:$0x1], $0xffff;
	[tilespmem:s20+$0xFFFFFFE0] =	vst v4  }
0x39: {  	v57 =	vld.idx.msk [tilespmem:v0+s19+$0xFFFFFFC0 ss:$0x1], $0xffff;
	[tilespmem:s20+$0xFFFFFFF0] =	vst v3  }
0x3a: {  	v58 =	vld.idx.msk [tilespmem:v0+s19+$0xFFFFFFD0 ss:$0x1], $0xffff;
	[tilespmem:s20+$0x0] =	vst v1  }
0x3b: {  	v59 =	vld.idx.msk [tilespmem:v0+s19+$0xFFFFFFE0 ss:$0x1], $0xffff;
	[tilespmem:s20+$0x10] =	vst v2  }
0x3c: {  	v60 =	vld.idx.msk [tilespmem:v0+s19+$0xFFFFFFF0 ss:$0x1], $0xffff;
	s31 =	sadd.s32 $0x400, s20;
	[tilespmem:s20+$0x20] =	vst v6  }
0x3d: {  	v61 =	vld.idx.msk [tilespmem:v0+s19+$0x0 ss:$0x1], $0xffff;
	[tilespmem:s31+$0x30] =	vst v56  }
0x3e: {  	v62 =	vld.idx.msk [tilespmem:v0+s19+$0x10 ss:$0x1], $0xffff;
	s18 =	sadd.s32 $0x1, s18;
	[tilespmem:s31+$0xFFFFFFC0] =	vst v57  }
0x3f: {  	v63 =	vld.idx.msk [tilespmem:v0+s19+$0x20 ss:$0x1], $0xffff;
	p1 =	sne.s32 s18, $0x8;
	[tilespmem:s31+$0xFFFFFFD0] =	vst v58  }
.Ltmp4:
0x40: {  	[tilespmem:s31+$0xFFFFFFE0] =	vst v59;
	(pc) =	sbr.rel @p1 .LBB1_4-.Ltmp4, $4  }
0x41: {  	[tilespmem:s31+$0xFFFFFFF0] =	vst v60  }
0x42: {  	[tilespmem:s31+$0x0] =	vst v61  }
0x43: {  	[tilespmem:s31+$0x10] =	vst v62  }
0x44: {  	s16 =	sadd.s32 $0x80, s16;
	s17 =	sadd.s32 $0x400, s17;
	[tilespmem:s31+$0x20] =	vst v63  }
.Ltmp5:
0x45: {  	(pc) =	sbr.rel @p0 .LBB1_3-.Ltmp5, $2  }
0x46: {  	_ =	sdelay $0x2  }
0x47: {  	s16 =	simm.s32 $0x2000;
	p1 =	por $0x0, $0x0  }
.Ltmp6:
0x48: {  	(pc) =	sbr.rel .LBB1_9-.Ltmp6, $4  }
0x49: {  	_ = 	snop  }
0x4a: {  	s12 =	sshll.u32 s12, $0xA  }
0x4b: {  	s12 =	sadd.s32 s4, s12  }
0x4c: {  	[hbm4b:s12+s8] =	stream.linear.scatter [tilespmem:s13], [sflag:$0x2], $0x4000, $0x38;
	[tilespmem:$0x10000] =	vst v63  }
.LBB1_10:
0x4d: {  	_ =	sfence.sel $0x180000  }
0x4e: {  	s2 =	simm.s32 $0x1;
	[bflag:$0x0] =	sbarrier.arrive $0xFFFF  }
0x4f: {  	s31 =	simm.s32 $0x2;
	[sflag:s2] =	ssyncpa.u1 $0x1  }
0x50: {  	[sflag:s31] =	ssyncpa.u1 $0x1  }
0x51: {  	p0 =	sne.s32 s0, $0x0;
	_ =	strace $0x9000004D  }
0x52: {  	s0 =	sadd.s32 @!p0 $0x100000, s1;
	[bflag:$0x2] =	sbarrier.arrive $0xFFFF  }
0x53: {  	[sflag:s0] =	ssyncadd.tile.s32 @!p0 $0x1;
	_ =	shalt  }
.Lfunc_end1:
_tile_overlayer_lowered:
.L_overlay_start_2:
0x54: {  	(tag) =	ssettag $0x2  }
0x55: {  	s0 =	rddreg [dreg:$0x0];
	s2 =	stileid.u32  }
0x56: {  	s1 =	rddreg [dreg:$0x1];
	p0 =	sne.s32 s2, $0x0  }
0x57: {  	s3 =	rddreg [dreg:$0x2];
	[bflag:$0x3] =	sbarrier.arrive $0xFFFF;
	s2 =	simm.s32 @!p0 $0x1C01  }
0x58: {  	[timem:s3], [sflag:s2] =	dma.local @!p0 [hbm:s0], s1  }
0x59: {  	s0 =	simm.s32 @!p0 $0x1  }
0x5a: {  	_ =	swait.ge @!p0 [sflag:s0], s1  }
0x5b: {  	s1 =	ssub.s32 @!p0 $0x0, s1;
	[sflag:s0] =	ssyncset.done @!p0 $0x0  }
0x5c: {  	[sflag:s0] =	ssyncadd.s32 @!p0 s1  }
0x5d: {  	[bflag:$0x3] =	sbarrier.arrive $0xFFFF  }
0x5e: {  	_ =	shalt  }

</sc_bundles>
